<compile_context>
chip_gen: v7x
topology: tpu7x:2x2x1
jax: 0.10.2.dev20260603
libtpu: 0.0.44.dev20260713+nightly
codegen_flags: <defaults>
</compile_context>

<pallas_src>
import functools

import jax
import jax.numpy as jnp
from jax import lax
from jax.experimental import pallas as pl
from jax.experimental.pallas import tpu as pltpu
from jax.experimental.pallas import tpu_sc as plsc

BATCH = 4096
HIST_LEN = 20
VOCAB = 1000

NUM_CORES = 2
NUM_SUBCORES = 16
NUM_WORKERS = NUM_CORES * NUM_SUBCORES
COLS_PER_WORKER = BATCH // NUM_WORKERS
LANES = 16
GROUPS = COLS_PER_WORKER // LANES
VST_ROWS = 500
DMA_ROWS = VOCAB - VST_ROWS


def _sc_body(xt_hbm, xtail_hbm, zeros_hbm, out_hbm, idx_v, hist_v, sem, zsem):
    c = lax.axis_index("c")
    s = lax.axis_index("s")
    wid = s * NUM_CORES + c
    col_base = wid * COLS_PER_WORKER

    lanes = lax.iota(jnp.int32, LANES)
    ones = jnp.ones((LANES,), jnp.float32)
    zeros = jnp.zeros((LANES,), jnp.float32)

    zero_copy = pltpu.async_copy(
        zeros_hbm.at[s % 8],
        hist_v.at[pl.ds(VST_ROWS, DMA_ROWS), :],
        zsem,
    )
    stage_copy = pltpu.async_copy(
        xt_hbm.at[pl.ds(0, 16), pl.ds(col_base, COLS_PER_WORKER)],
        idx_v,
        sem,
    )

    def clear_step(i, _):
        v8 = i * 8
        for dv in range(8):
            for ch in range(GROUPS):
                hist_v[v8 + dv, pl.ds(ch * LANES, LANES)] = zeros
        return 0

    lax.fori_loop(0, VST_ROWS // 8, clear_step, 0)
    zero_copy.wait()
    stage_copy.wait()

    def scatter_pass(l_lo, l_hi, stage_off):
        for g in range(GROUPS):
            cols = lanes + g * LANES
            for l in range(l_lo, l_hi):
                row = jnp.full((LANES,), l - stage_off, jnp.int32)
                v = plsc.load_gather(idx_v, [row, cols])
                plsc.addupdate_scatter(hist_v, [v, cols], ones)

    scatter_pass(0, 16, 0)
    pltpu.sync_copy(
        xtail_hbm.at[:, pl.ds(col_base, COLS_PER_WORKER)],
        idx_v.at[pl.ds(0, 8), :],
    )
    scatter_pass(16, HIST_LEN, 12)

    pltpu.async_copy(
        hist_v,
        out_hbm.at[:, pl.ds(col_base, COLS_PER_WORKER)],
        sem,
    ).wait()


def _make_sc_kernel():
    mesh = plsc.VectorSubcoreMesh(core_axis_name="c", subcore_axis_name="s")
    return functools.partial(
        pl.kernel,
        mesh=mesh,
        out_type=jax.ShapeDtypeStruct((VOCAB, BATCH), jnp.float32),
        scratch_types=[
            pltpu.VMEM((16, COLS_PER_WORKER), jnp.int32),
            pltpu.VMEM((VOCAB, COLS_PER_WORKER), jnp.float32),
            pltpu.SemaphoreType.DMA,
            pltpu.SemaphoreType.DMA,
        ],
        compiler_params=pltpu.CompilerParams(
            needs_layout_passes=False, use_tc_tiling_on_sc=True
        ),
    )(_sc_body)


_sc_kernel = _make_sc_kernel()


@jax.jit
def kernel(x):
    xt = x.T
    xtail = x[:, HIST_LEN - 8 :].T
    zeros_hbm = jnp.zeros((8, DMA_ROWS, COLS_PER_WORKER), jnp.float32)
    return _sc_kernel(xt, xtail, zeros_hbm).T

# --- scband reference (transcript-rebuilt; emitter-appended) ---
"""Pipeline reference for scband-multihot-embedding-16458314678493 (READ-ONLY COPY).

The authoritative reference and input builder live on the scoring server;
editing this copy changes nothing except your own understanding.
"""

import jax, jax.numpy as jnp
import numpy as np

VOCAB_SIZE = 1000
BATCH = 4096
HIST_LEN = 20

def setup_inputs(seed: int = 0) -> dict:
    key = jax.random.key(seed)
    x = jax.random.randint(key, (BATCH, HIST_LEN), 0, VOCAB_SIZE, dtype=jnp.int32)
    return {"x": x}

def reference(x):
    # Faithful translation of MultihotEmbedding.call:
    #   get_embeddings = K.one_hot(x, num_classes=vocab_size)  -> [B, L, V]
    #   reduce_embeddings = K.sum(get_embeddings, axis=-2)     -> [B, V]
    get_embeddings = jax.nn.one_hot(x, VOCAB_SIZE, dtype=jnp.float32)
    reduce_embeddings = jnp.sum(get_embeddings, axis=-2)
    return reduce_embeddings

if __name__ == "__main__":
    import jax
    _d = setup_inputs()
    print(jax.jit(kernel)(*tuple(_d.values())))

</pallas_src>

<mosaic_0001>
#map = affine_map<(d0, d1) -> (0, 0)>
#map1 = affine_map<(d0, d1) -> (0, 0, 0)>
module attributes {stable_mosaic.version = 14 : i64} {
  func.func @_sc_body(%arg0: i32, %arg1: i32, %arg2: memref<20x4096xi32, #tpu.memory_space<hbm>>, %arg3: memref<8x4096xi32, #tpu.memory_space<hbm>>, %arg4: memref<8x500x128xf32, #tpu.memory_space<hbm>>, %arg5: memref<1000x4096xf32, #tpu.memory_space<hbm>>, %arg6: memref<16x128xi32, #tpu.memory_space<vmem>>, %arg7: memref<1000x128xf32, #tpu.memory_space<vmem>>, %arg8: memref<!tpu.dma_semaphore, #tpu.memory_space<semaphore_mem>>, %arg9: memref<!tpu.dma_semaphore, #tpu.memory_space<semaphore_mem>>) attributes {dimension_semantics = [#tpu.dimension_semantics<core_parallel>, #tpu.dimension_semantics<subcore_parallel>], iteration_bounds = array<i64: 2, 16>, scalar_prefetch = 0 : i64, scratch_operands = 4 : i64, tpu.core_type = #tpu.core_type<sc_vector_subcore>, window_params = [{transform_indices = #map}, {transform_indices = #map}, {transform_indices = #map1}, {transform_indices = #map}]} {
    %mul3A = arith.constant 2 : i32
    %mul3A_0 = arith.muli %arg1, %mul3A : i32
    %add3A = arith.addi %mul3A_0, %arg0 : i32
    %mul3A_1 = arith.constant 128 : i32
    %mul3A_2 = arith.muli %add3A, %mul3A_1 : i32
    %iota3A = tpu.iota {dimensions = array<i32: 0>} : vector<16xi32>
    %broadcast_in_dim3A = arith.constant 1.000000e+00 : f32
    %broadcast_in_dim3A_3 = vector.broadcast %broadcast_in_dim3A : f32 to vector<16xf32>
    %broadcast_in_dim3A_4 = arith.constant 0.000000e+00 : f32
    %broadcast_in_dim3A_5 = vector.broadcast %broadcast_in_dim3A_4 : f32 to vector<16xf32>
    %jit3A = arith.constant 8 : i32
    %eq3A = arith.constant 0 : i32
    %eq3A_6 = arith.cmpi eq, %jit3A, %eq3A : i32
    %jit3A_7 = arith.constant 1 : i32
    %select_n3A = arith.select %eq3A_6, %jit3A_7, %jit3A : i32
    %rem3A = arith.remsi %arg1, %select_n3A : i32
    %ne3A = arith.constant 0 : i32
    %ne3A_8 = arith.cmpi ne, %rem3A, %ne3A : i32
    %lt3A = arith.constant 0 : i32
    %lt3A_9 = arith.cmpi slt, %rem3A, %lt3A : i32
    %lt3A_10 = arith.constant 0 : i32
    %lt3A_11 = arith.cmpi slt, %select_n3A, %lt3A_10 : i32
    %ne3A_12 = arith.xori %lt3A_9, %lt3A_11 : i1
    %and3A = arith.andi %ne3A_12, %ne3A_8 : i1
    %add3A_13 = arith.addi %rem3A, %select_n3A : i32
    %select_n3A_14 = arith.select %and3A, %add3A_13, %rem3A : i32
    %dma_start3A = arith.constant 500 : i32
    %dma_start3A_15 = arith.constant 0 : i32
    %dma_start3A_16 = tpu.memref_slice %arg7[%dma_start3A, %dma_start3A_15] : memref<1000x128xf32, #tpu.memory_space<vmem>> -> memref<500x128xf32, #tpu.memory_space<vmem>>
    %dma_start3A_17 = arith.constant 0 : i32
    %dma_start3A_18 = arith.constant 0 : i32
    %dma_start3A_19 = tpu.memref_slice %arg4[%select_n3A_14, %dma_start3A_17, %dma_start3A_18] : memref<8x500x128xf32, #tpu.memory_space<hbm>> -> memref<1x500x128xf32, #tpu.memory_space<hbm>>
    %dma_start3A_20 = tpu.memref_squeeze %dma_start3A_19 : memref<1x500x128xf32, #tpu.memory_space<hbm>> -> memref<500x128xf32, #tpu.memory_space<hbm>>
    %dma_start3A_21 = arith.constant 500 : i32
    %dma_start3A_22 = arith.constant 0 : i32
    %dma_start3A_23 = tpu.memref_slice %arg7[%dma_start3A_21, %dma_start3A_22] : memref<1000x128xf32, #tpu.memory_space<vmem>> -> memref<500x128xf32, #tpu.memory_space<vmem>>
    %dma_start3A_24 = arith.constant 0 : i32
    %dma_start3A_25 = arith.constant 0 : i32
    %dma_start3A_26 = tpu.memref_slice %arg4[%select_n3A_14, %dma_start3A_24, %dma_start3A_25] : memref<8x500x128xf32, #tpu.memory_space<hbm>> -> memref<1x500x128xf32, #tpu.memory_space<hbm>>
    %dma_start3A_27 = tpu.memref_squeeze %dma_start3A_26 : memref<1x500x128xf32, #tpu.memory_space<hbm>> -> memref<500x128xf32, #tpu.memory_space<hbm>>
    tpu.enqueue_dma source(%dma_start3A_27 : memref<500x128xf32, #tpu.memory_space<hbm>>) target(%dma_start3A_23 : memref<500x128xf32, #tpu.memory_space<vmem>>) target_semaphore(%arg9 : memref<!tpu.dma_semaphore, #tpu.memory_space<semaphore_mem>>)
    %dma_start3A_28 = arith.constant 0 : i32
    %dma_start3A_29 = tpu.memref_slice %arg2[%dma_start3A_28, %mul3A_2] : memref<20x4096xi32, #tpu.memory_space<hbm>> -> memref<16x128xi32, #tpu.memory_space<hbm>>
    %dma_start3A_30 = arith.constant 0 : i32
    %dma_start3A_31 = tpu.memref_slice %arg2[%dma_start3A_30, %mul3A_2] : memref<20x4096xi32, #tpu.memory_space<hbm>> -> memref<16x128xi32, #tpu.memory_space<hbm>>
    tpu.enqueue_dma source(%dma_start3A_31 : memref<16x128xi32, #tpu.memory_space<hbm>>) target(%arg6 : memref<16x128xi32, #tpu.memory_space<vmem>>) target_semaphore(%arg8 : memref<!tpu.dma_semaphore, #tpu.memory_space<semaphore_mem>>)
    %scan3A = arith.constant 0 : i32
    %scan3A_32 = arith.constant 0 : i32
    %scan3A_33 = arith.constant 62 : i32
    %scan3A_34 = arith.addi %scan3A_32, %scan3A_33 : i32
    %scan3A_35 = arith.constant 1 : i32
    %scan3A_36 = scf.for %scan3A_590 = %scan3A_32 to %scan3A_34 step %scan3A_35 iter_args(%scan3A_591 = %scan3A) -> (i32)  : i32 {
      %mul3A_592 = arith.constant 8 : i32
      %mul3A_593 = arith.muli %scan3A_590, %mul3A_592 : i32
      %add3A_594 = arith.constant 0 : i32
      %add3A_595 = arith.addi %mul3A_593, %add3A_594 : i32
      %swap3A = arith.index_cast %add3A_595 : i32 to index
      %swap3A_596 = arith.constant 0 : index
      %swap3A_597 = tpu.vector_load %arg7[%swap3A, %swap3A_596] {strides = array<i32>} : memref<1000x128xf32, #tpu.memory_space<vmem>>, vector<16xf32>,
      tpu.vector_store %arg7[%swap3A, %swap3A_596], %broadcast_in_dim3A_5 {strides = array<i32>} : memref<1000x128xf32, #tpu.memory_space<vmem>>, vector<16xf32>,
      %add3A_598 = arith.constant 0 : i32
      %add3A_599 = arith.addi %mul3A_593, %add3A_598 : i32
      %swap3A_600 = arith.index_cast %add3A_599 : i32 to index
      %swap3A_601 = arith.constant 16 : index
      %swap3A_602 = tpu.vector_load %arg7[%swap3A_600, %swap3A_601] {strides = array<i32>} : memref<1000x128xf32, #tpu.memory_space<vmem>>, vector<16xf32>,
      tpu.vector_store %arg7[%swap3A_600, %swap3A_601], %broadcast_in_dim3A_5 {strides = array<i32>} : memref<1000x128xf32, #tpu.memory_space<vmem>>, vector<16xf32>,
      %add3A_603 = arith.constant 0 : i32
      %add3A_604 = arith.addi %mul3A_593, %add3A_603 : i32
      %swap3A_605 = arith.index_cast %add3A_604 : i32 to index
      %swap3A_606 = arith.constant 32 : index
      %swap3A_607 = tpu.vector_load %arg7[%swap3A_605, %swap3A_606] {strides = array<i32>} : memref<1000x128xf32, #tpu.memory_space<vmem>>, vector<16xf32>,
      tpu.vector_store %arg7[%swap3A_605, %swap3A_606], %broadcast_in_dim3A_5 {strides = array<i32>} : memref<1000x128xf32, #tpu.memory_space<vmem>>, vector<16xf32>,
      %add3A_608 = arith.constant 0 : i32
      %add3A_609 = arith.addi %mul3A_593, %add3A_608 : i32
      %swap3A_610 = arith.index_cast %add3A_609 : i32 to index
      %swap3A_611 = arith.constant 48 : index
      %swap3A_612 = tpu.vector_load %arg7[%swap3A_610, %swap3A_611] {strides = array<i32>} : memref<1000x128xf32, #tpu.memory_space<vmem>>, vector<16xf32>,
      tpu.vector_store %arg7[%swap3A_610, %swap3A_611], %broadcast_in_dim3A_5 {strides = array<i32>} : memref<1000x128xf32, #tpu.memory_space<vmem>>, vector<16xf32>,
      %add3A_613 = arith.constant 0 : i32
      %add3A_614 = arith.addi %mul3A_593, %add3A_613 : i32
      %swap3A_615 = arith.index_cast %add3A_614 : i32 to index
      %swap3A_616 = arith.constant 64 : index
      %swap3A_617 = tpu.vector_load %arg7[%swap3A_615, %swap3A_616] {strides = array<i32>} : memref<1000x128xf32, #tpu.memory_space<vmem>>, vector<16xf32>,
      tpu.vector_store %arg7[%swap3A_615, %swap3A_616], %broadcast_in_dim3A_5 {strides = array<i32>} : memref<1000x128xf32, #tpu.memory_space<vmem>>, vector<16xf32>,
      %add3A_618 = arith.constant 0 : i32
      %add3A_619 = arith.addi %mul3A_593, %add3A_618 : i32
      %swap3A_620 = arith.index_cast %add3A_619 : i32 to index
      %swap3A_621 = arith.constant 80 : index
      %swap3A_622 = tpu.vector_load %arg7[%swap3A_620, %swap3A_621] {strides = array<i32>} : memref<1000x128xf32, #tpu.memory_space<vmem>>, vector<16xf32>,
      tpu.vector_store %arg7[%swap3A_620, %swap3A_621], %broadcast_in_dim3A_5 {strides = array<i32>} : memref<1000x128xf32, #tpu.memory_space<vmem>>, vector<16xf32>,
      %add3A_623 = arith.constant 0 : i32
      %add3A_624 = arith.addi %mul3A_593, %add3A_623 : i32
      %swap3A_625 = arith.index_cast %add3A_624 : i32 to index
      %swap3A_626 = arith.constant 96 : index
      %swap3A_627 = tpu.vector_load %arg7[%swap3A_625, %swap3A_626] {strides = array<i32>} : memref<1000x128xf32, #tpu.memory_space<vmem>>, vector<16xf32>,
      tpu.vector_store %arg7[%swap3A_625, %swap3A_626], %broadcast_in_dim3A_5 {strides = array<i32>} : memref<1000x128xf32, #tpu.memory_space<vmem>>, vector<16xf32>,
      %add3A_628 = arith.constant 0 : i32
      %add3A_629 = arith.addi %mul3A_593, %add3A_628 : i32
      %swap3A_630 = arith.index_cast %add3A_629 : i32 to index
      %swap3A_631 = arith.constant 112 : index
      %swap3A_632 = tpu.vector_load %arg7[%swap3A_630, %swap3A_631] {strides = array<i32>} : memref<1000x128xf32, #tpu.memory_space<vmem>>, vector<16xf32>,
      tpu.vector_store %arg7[%swap3A_630, %swap3A_631], %broadcast_in_dim3A_5 {strides = array<i32>} : memref<1000x128xf32, #tpu.memory_space<vmem>>, vector<16xf32>,
      %add3A_633 = arith.constant 1 : i32
      %add3A_634 = arith.addi %mul3A_593, %add3A_633 : i32
      %swap3A_635 = arith.index_cast %add3A_634 : i32 to index
      %swap3A_636 = arith.constant 0 : index
      %swap3A_637 = tpu.vector_load %arg7[%swap3A_635, %swap3A_636] {strides = array<i32>} : memref<1000x128xf32, #tpu.memory_space<vmem>>, vector<16xf32>,
      tpu.vector_store %arg7[%swap3A_635, %swap3A_636], %broadcast_in_dim3A_5 {strides = array<i32>} : memref<1000x128xf32, #tpu.memory_space<vmem>>, vector<16xf32>,
      %add3A_638 = arith.constant 1 : i32
      %add3A_639 = arith.addi %mul3A_593, %add3A_638 : i32
      %swap3A_640 = arith.index_cast %add3A_639 : i32 to index
      %swap3A_641 = arith.constant 16 : index
      %swap3A_642 = tpu.vector_load %arg7[%swap3A_640, %swap3A_641] {strides = array<i32>} : memref<1000x128xf32, #tpu.memory_space<vmem>>, vector<16xf32>,
      tpu.vector_store %arg7[%swap3A_640, %swap3A_641], %broadcast_in_dim3A_5 {strides = array<i32>} : memref<1000x128xf32, #tpu.memory_space<vmem>>, vector<16xf32>,
      %add3A_643 = arith.constant 1 : i32
      %add3A_644 = arith.addi %mul3A_593, %add3A_643 : i32
      %swap3A_645 = arith.index_cast %add3A_644 : i32 to index
      %swap3A_646 = arith.constant 32 : index
      %swap3A_647 = tpu.vector_load %arg7[%swap3A_645, %swap3A_646] {strides = array<i32>} : memref<1000x128xf32, #tpu.memory_space<vmem>>, vector<16xf32>,
      tpu.vector_store %arg7[%swap3A_645, %swap3A_646], %broadcast_in_dim3A_5 {strides = array<i32>} : memref<1000x128xf32, #tpu.memory_space<vmem>>, vector<16xf32>,
      %add3A_648 = arith.constant 1 : i32
      %add3A_649 = arith.addi %mul3A_593, %add3A_648 : i32
      %swap3A_650 = arith.index_cast %add3A_649 : i32 to index
      %swap3A_651 = arith.constant 48 : index
      %swap3A_652 = tpu.vector_load %arg7[%swap3A_650, %swap3A_651] {strides = array<i32>} : memref<1000x128xf32, #tpu.memory_space<vmem>>, vector<16xf32>,
      tpu.vector_store %arg7[%swap3A_650, %swap3A_651], %broadcast_in_dim3A_5 {strides = array<i32>} : memref<1000x128xf32, #tpu.memory_space<vmem>>, vector<16xf32>,
      %add3A_653 = arith.constant 1 : i32
      %add3A_654 = arith.addi %mul3A_593, %add3A_653 : i32
      %swap3A_655 = arith.index_cast %add3A_654 : i32 to index
      %swap3A_656 = arith.constant 64 : index
      %swap3A_657 = tpu.vector_load %arg7[%swap3A_655, %swap3A_656] {strides = array<i32>} : memref<1000x128xf32, #tpu.memory_space<vmem>>, vector<16xf32>,
      tpu.vector_store %arg7[%swap3A_655, %swap3A_656], %broadcast_in_dim3A_5 {strides = array<i32>} : memref<1000x128xf32, #tpu.memory_space<vmem>>, vector<16xf32>,
      %add3A_658 = arith.constant 1 : i32
      %add3A_659 = arith.addi %mul3A_593, %add3A_658 : i32
      %swap3A_660 = arith.index_cast %add3A_659 : i32 to index
      %swap3A_661 = arith.constant 80 : index
      %swap3A_662 = tpu.vector_load %arg7[%swap3A_660, %swap3A_661] {strides = array<i32>} : memref<1000x128xf32, #tpu.memory_space<vmem>>, vector<16xf32>,
      tpu.vector_store %arg7[%swap3A_660, %swap3A_661], %broadcast_in_dim3A_5 {strides = array<i32>} : memref<1000x128xf32, #tpu.memory_space<vmem>>, vector<16xf32>,
      %add3A_663 = arith.constant 1 : i32
      %add3A_664 = arith.addi %mul3A_593, %add3A_663 : i32
      %swap3A_665 = arith.index_cast %add3A_664 : i32 to index
      %swap3A_666 = arith.constant 96 : index
      %swap3A_667 = tpu.vector_load %arg7[%swap3A_665, %swap3A_666] {strides = array<i32>} : memref<1000x128xf32, #tpu.memory_space<vmem>>, vector<16xf32>,
      tpu.vector_store %arg7[%swap3A_665, %swap3A_666], %broadcast_in_dim3A_5 {strides = array<i32>} : memref<1000x128xf32, #tpu.memory_space<vmem>>, vector<16xf32>,
      %add3A_668 = arith.constant 1 : i32
      %add3A_669 = arith.addi %mul3A_593, %add3A_668 : i32
      %swap3A_670 = arith.index_cast %add3A_669 : i32 to index
      %swap3A_671 = arith.constant 112 : index
      %swap3A_672 = tpu.vector_load %arg7[%swap3A_670, %swap3A_671] {strides = array<i32>} : memref<1000x128xf32, #tpu.memory_space<vmem>>, vector<16xf32>,
      tpu.vector_store %arg7[%swap3A_670, %swap3A_671], %broadcast_in_dim3A_5 {strides = array<i32>} : memref<1000x128xf32, #tpu.memory_space<vmem>>, vector<16xf32>,
      %add3A_673 = arith.constant 2 : i32
      %add3A_674 = arith.addi %mul3A_593, %add3A_673 : i32
      %swap3A_675 = arith.index_cast %add3A_674 : i32 to index
      %swap3A_676 = arith.constant 0 : index
      %swap3A_677 = tpu.vector_load %arg7[%swap3A_675, %swap3A_676] {strides = array<i32>} : memref<1000x128xf32, #tpu.memory_space<vmem>>, vector<16xf32>,
      tpu.vector_store %arg7[%swap3A_675, %swap3A_676], %broadcast_in_dim3A_5 {strides = array<i32>} : memref<1000x128xf32, #tpu.memory_space<vmem>>, vector<16xf32>,
      %add3A_678 = arith.constant 2 : i32
      %add3A_679 = arith.addi %mul3A_593, %add3A_678 : i32
      %swap3A_680 = arith.index_cast %add3A_679 : i32 to index
      %swap3A_681 = arith.constant 16 : index
      %swap3A_682 = tpu.vector_load %arg7[%swap3A_680, %swap3A_681] {strides = array<i32>} : memref<1000x128xf32, #tpu.memory_space<vmem>>, vector<16xf32>,
      tpu.vector_store %arg7[%swap3A_680, %swap3A_681], %broadcast_in_dim3A_5 {strides = array<i32>} : memref<1000x128xf32, #tpu.memory_space<vmem>>, vector<16xf32>,
      %add3A_683 = arith.constant 2 : i32
      %add3A_684 = arith.addi %mul3A_593, %add3A_683 : i32
      %swap3A_685 = arith.index_cast %add3A_684 : i32 to index
      %swap3A_686 = arith.constant 32 : index
      %swap3A_687 = tpu.vector_load %arg7[%swap3A_685, %swap3A_686] {strides = array<i32>} : memref<1000x128xf32, #tpu.memory_space<vmem>>, vector<16xf32>,
      tpu.vector_store %arg7[%swap3A_685, %swap3A_686], %broadcast_in_dim3A_5 {strides = array<i32>} : memref<1000x128xf32, #tpu.memory_space<vmem>>, vector<16xf32>,
      %add3A_688 = arith.constant 2 : i32
      %add3A_689 = arith.addi %mul3A_593, %add3A_688 : i32
      %swap3A_690 = arith.index_cast %add3A_689 : i32 to index
      %swap3A_691 = arith.constant 48 : index
      %swap3A_692 = tpu.vector_load %arg7[%swap3A_690, %swap3A_691] {strides = array<i32>} : memref<1000x128xf32, #tpu.memory_space<vmem>>, vector<16xf32>,
      tpu.vector_store %arg7[%swap3A_690, %swap3A_691], %broadcast_in_dim3A_5 {strides = array<i32>} : memref<1000x128xf32, #tpu.memory_space<vmem>>, vector<16xf32>,
      %add3A_693 = arith.constant 2 : i32
      %add3A_694 = arith.addi %mul3A_593, %add3A_693 : i32
      %swap3A_695 = arith.index_cast %add3A_694 : i32 to index
      %swap3A_696 = arith.constant 64 : index
      %swap3A_697 = tpu.vector_load %arg7[%swap3A_695, %swap3A_696] {strides = array<i32>} : memref<1000x128xf32, #tpu.memory_space<vmem>>, vector<16xf32>,
      tpu.vector_store %arg7[%swap3A_695, %swap3A_696], %broadcast_in_dim3A_5 {strides = array<i32>} : memref<1000x128xf32, #tpu.memory_space<vmem>>, vector<16xf32>,
      %add3A_698 = arith.constant 2 : i32
      %add3A_699 = arith.addi %mul3A_593, %add3A_698 : i32
      %swap3A_700 = arith.index_cast %add3A_699 : i32 to index
      %swap3A_701 = arith.constant 80 : index
      %swap3A_702 = tpu.vector_load %arg7[%swap3A_700, %swap3A_701] {strides = array<i32>} : memref<1000x128xf32, #tpu.memory_space<vmem>>, vector<16xf32>,
      tpu.vector_store %arg7[%swap3A_700, %swap3A_701], %broadcast_in_dim3A_5 {strides = array<i32>} : memref<1000x128xf32, #tpu.memory_space<vmem>>, vector<16xf32>,
      %add3A_703 = arith.constant 2 : i32
      %add3A_704 = arith.addi %mul3A_593, %add3A_703 : i32
      %swap3A_705 = arith.index_cast %add3A_704 : i32 to index
      %swap3A_706 = arith.constant 96 : index
      %swap3A_707 = tpu.vector_load %arg7[%swap3A_705, %swap3A_706] {strides = array<i32>} : memref<1000x128xf32, #tpu.memory_space<vmem>>, vector<16xf32>,
      tpu.vector_store %arg7[%swap3A_705, %swap3A_706], %broadcast_in_dim3A_5 {strides = array<i32>} : memref<1000x128xf32, #tpu.memory_space<vmem>>, vector<16xf32>,
      %add3A_708 = arith.constant 2 : i32
      %add3A_709 = arith.addi %mul3A_593, %add3A_708 : i32
      %swap3A_710 = arith.index_cast %add3A_709 : i32 to index
      %swap3A_711 = arith.constant 112 : index
      %swap3A_712 = tpu.vector_load %arg7[%swap3A_710, %swap3A_711] {strides = array<i32>} : memref<1000x128xf32, #tpu.memory_space<vmem>>, vector<16xf32>,
      tpu.vector_store %arg7[%swap3A_710, %swap3A_711], %broadcast_in_dim3A_5 {strides = array<i32>} : memref<1000x128xf32, #tpu.memory_space<vmem>>, vector<16xf32>,
      %add3A_713 = arith.constant 3 : i32
      %add3A_714 = arith.addi %mul3A_593, %add3A_713 : i32
      %swap3A_715 = arith.index_cast %add3A_714 : i32 to index
      %swap3A_716 = arith.constant 0 : index
      %swap3A_717 = tpu.vector_load %arg7[%swap3A_715, %swap3A_716] {strides = array<i32>} : memref<1000x128xf32, #tpu.memory_space<vmem>>, vector<16xf32>,
      tpu.vector_store %arg7[%swap3A_715, %swap3A_716], %broadcast_in_dim3A_5 {strides = array<i32>} : memref<1000x128xf32, #tpu.memory_space<vmem>>, vector<16xf32>,
      %add3A_718 = arith.constant 3 : i32
      %add3A_719 = arith.addi %mul3A_593, %add3A_718 : i32
      %swap3A_720 = arith.index_cast %add3A_719 : i32 to index
      %swap3A_721 = arith.constant 16 : index
      %swap3A_722 = tpu.vector_load %arg7[%swap3A_720, %swap3A_721] {strides = array<i32>} : memref<1000x128xf32, #tpu.memory_space<vmem>>, vector<16xf32>,
      tpu.vector_store %arg7[%swap3A_720, %swap3A_721], %broadcast_in_dim3A_5 {strides = array<i32>} : memref<1000x128xf32, #tpu.memory_space<vmem>>, vector<16xf32>,
      %add3A_723 = arith.constant 3 : i32
      %add3A_724 = arith.addi %mul3A_593, %add3A_723 : i32
      %swap3A_725 = arith.index_cast %add3A_724 : i32 to index
      %swap3A_726 = arith.constant 32 : index
      %swap3A_727 = tpu.vector_load %arg7[%swap3A_725, %swap3A_726] {strides = array<i32>} : memref<1000x128xf32, #tpu.memory_space<vmem>>, vector<16xf32>,
      tpu.vector_store %arg7[%swap3A_725, %swap3A_726], %broadcast_in_dim3A_5 {strides = array<i32>} : memref<1000x128xf32, #tpu.memory_space<vmem>>, vector<16xf32>,
      %add3A_728 = arith.constant 3 : i32
      %add3A_729 = arith.addi %mul3A_593, %add3A_728 : i32
      %swap3A_730 = arith.index_cast %add3A_729 : i32 to index
      %swap3A_731 = arith.constant 48 : index
      %swap3A_732 = tpu.vector_load %arg7[%swap3A_730, %swap3A_731] {strides = array<i32>} : memref<1000x128xf32, #tpu.memory_space<vmem>>, vector<16xf32>,
      tpu.vector_store %arg7[%swap3A_730, %swap3A_731], %broadcast_in_dim3A_5 {strides = array<i32>} : memref<1000x128xf32, #tpu.memory_space<vmem>>, vector<16xf32>,
      %add3A_733 = arith.constant 3 : i32
      %add3A_734 = arith.addi %mul3A_593, %add3A_733 : i32
      %swap3A_735 = arith.index_cast %add3A_734 : i32 to index
      %swap3A_736 = arith.constant 64 : index
      %swap3A_737 = tpu.vector_load %arg7[%swap3A_735, %swap3A_736] {strides = array<i32>} : memref<1000x128xf32, #tpu.memory_space<vmem>>, vector<16xf32>,
      tpu.vector_store %arg7[%swap3A_735, %swap3A_736], %broadcast_in_dim3A_5 {strides = array<i32>} : memref<1000x128xf32, #tpu.memory_space<vmem>>, vector<16xf32>,
      %add3A_738 = arith.constant 3 : i32
      %add3A_739 = arith.addi %mul3A_593, %add3A_738 : i32
      %swap3A_740 = arith.index_cast %add3A_739 : i32 to index
      %swap3A_741 = arith.constant 80 : index
      %swap3A_742 = tpu.vector_load %arg7[%swap3A_740, %swap3A_741] {strides = array<i32>} : memref<1000x128xf32, #tpu.memory_space<vmem>>, vector<16xf32>,
      tpu.vector_store %arg7[%swap3A_740, %swap3A_741], %broadcast_in_dim3A_5 {strides = array<i32>} : memref<1000x128xf32, #tpu.memory_space<vmem>>, vector<16xf32>,
      %add3A_743 = arith.constant 3 : i32
      %add3A_744 = arith.addi %mul3A_593, %add3A_743 : i32
      %swap3A_745 = arith.index_cast %add3A_744 : i32 to index
      %swap3A_746 = arith.constant 96 : index
      %swap3A_747 = tpu.vector_load %arg7[%swap3A_745, %swap3A_746] {strides = array<i32>} : memref<1000x128xf32, #tpu.memory_space<vmem>>, vector<16xf32>,
      tpu.vector_store %arg7[%swap3A_745, %swap3A_746], %broadcast_in_dim3A_5 {strides = array<i32>} : memref<1000x128xf32, #tpu.memory_space<vmem>>, vector<16xf32>,
      %add3A_748 = arith.constant 3 : i32
      %add3A_749 = arith.addi %mul3A_593, %add3A_748 : i32
      %swap3A_750 = arith.index_cast %add3A_749 : i32 to index
      %swap3A_751 = arith.constant 112 : index
      %swap3A_752 = tpu.vector_load %arg7[%swap3A_750, %swap3A_751] {strides = array<i32>} : memref<1000x128xf32, #tpu.memory_space<vmem>>, vector<16xf32>,
      tpu.vector_store %arg7[%swap3A_750, %swap3A_751], %broadcast_in_dim3A_5 {strides = array<i32>} : memref<1000x128xf32, #tpu.memory_space<vmem>>, vector<16xf32>,
      %add3A_753 = arith.constant 4 : i32
      %add3A_754 = arith.addi %mul3A_593, %add3A_753 : i32
      %swap3A_755 = arith.index_cast %add3A_754 : i32 to index
      %swap3A_756 = arith.constant 0 : index
      %swap3A_757 = tpu.vector_load %arg7[%swap3A_755, %swap3A_756] {strides = array<i32>} : memref<1000x128xf32, #tpu.memory_space<vmem>>, vector<16xf32>,
      tpu.vector_store %arg7[%swap3A_755, %swap3A_756], %broadcast_in_dim3A_5 {strides = array<i32>} : memref<1000x128xf32, #tpu.memory_space<vmem>>, vector<16xf32>,
      %add3A_758 = arith.constant 4 : i32
      %add3A_759 = arith.addi %mul3A_593, %add3A_758 : i32
      %swap3A_760 = arith.index_cast %add3A_759 : i32 to index
      %swap3A_761 = arith.constant 16 : index
      %swap3A_762 = tpu.vector_load %arg7[%swap3A_760, %swap3A_761] {strides = array<i32>} : memref<1000x128xf32, #tpu.memory_space<vmem>>, vector<16xf32>,
      tpu.vector_store %arg7[%swap3A_760, %swap3A_761], %broadcast_in_dim3A_5 {strides = array<i32>} : memref<1000x128xf32, #tpu.memory_space<vmem>>, vector<16xf32>,
      %add3A_763 = arith.constant 4 : i32
      %add3A_764 = arith.addi %mul3A_593, %add3A_763 : i32
      %swap3A_765 = arith.index_cast %add3A_764 : i32 to index
      %swap3A_766 = arith.constant 32 : index
      %swap3A_767 = tpu.vector_load %arg7[%swap3A_765, %swap3A_766] {strides = array<i32>} : memref<1000x128xf32, #tpu.memory_space<vmem>>, vector<16xf32>,
      tpu.vector_store %arg7[%swap3A_765, %swap3A_766], %broadcast_in_dim3A_5 {strides = array<i32>} : memref<1000x128xf32, #tpu.memory_space<vmem>>, vector<16xf32>,
      %add3A_768 = arith.constant 4 : i32
      %add3A_769 = arith.addi %mul3A_593, %add3A_768 : i32
      %swap3A_770 = arith.index_cast %add3A_769 : i32 to index
      %swap3A_771 = arith.constant 48 : index
      %swap3A_772 = tpu.vector_load %arg7[%swap3A_770, %swap3A_771] {strides = array<i32>} : memref<1000x128xf32, #tpu.memory_space<vmem>>, vector<16xf32>,
      tpu.vector_store %arg7[%swap3A_770, %swap3A_771], %broadcast_in_dim3A_5 {strides = array<i32>} : memref<1000x128xf32, #tpu.memory_space<vmem>>, vector<16xf32>,
      %add3A_773 = arith.constant 4 : i32
      %add3A_774 = arith.addi %mul3A_593, %add3A_773 : i32
      %swap3A_775 = arith.index_cast %add3A_774 : i32 to index
      %swap3A_776 = arith.constant 64 : index
      %swap3A_777 = tpu.vector_load %arg7[%swap3A_775, %swap3A_776] {strides = array<i32>} : memref<1000x128xf32, #tpu.memory_space<vmem>>, vector<16xf32>,
      tpu.vector_store %arg7[%swap3A_775, %swap3A_776], %broadcast_in_dim3A_5 {strides = array<i32>} : memref<1000x128xf32, #tpu.memory_space<vmem>>, vector<16xf32>,
      %add3A_778 = arith.constant 4 : i32
      %add3A_779 = arith.addi %mul3A_593, %add3A_778 : i32
      %swap3A_780 = arith.index_cast %add3A_779 : i32 to index
      %swap3A_781 = arith.constant 80 : index
      %swap3A_782 = tpu.vector_load %arg7[%swap3A_780, %swap3A_781] {strides = array<i32>} : memref<1000x128xf32, #tpu.memory_space<vmem>>, vector<16xf32>,
      tpu.vector_store %arg7[%swap3A_780, %swap3A_781], %broadcast_in_dim3A_5 {strides = array<i32>} : memref<1000x128xf32, #tpu.memory_space<vmem>>, vector<16xf32>,
      %add3A_783 = arith.constant 4 : i32
      %add3A_784 = arith.addi %mul3A_593, %add3A_783 : i32
      %swap3A_785 = arith.index_cast %add3A_784 : i32 to index
      %swap3A_786 = arith.constant 96 : index
      %swap3A_787 = tpu.vector_load %arg7[%swap3A_785, %swap3A_786] {strides = array<i32>} : memref<1000x128xf32, #tpu.memory_space<vmem>>, vector<16xf32>,
      tpu.vector_store %arg7[%swap3A_785, %swap3A_786], %broadcast_in_dim3A_5 {strides = array<i32>} : memref<1000x128xf32, #tpu.memory_space<vmem>>, vector<16xf32>,
      %add3A_788 = arith.constant 4 : i32
      %add3A_789 = arith.addi %mul3A_593, %add3A_788 : i32
      %swap3A_790 = arith.index_cast %add3A_789 : i32 to index
      %swap3A_791 = arith.constant 112 : index
      %swap3A_792 = tpu.vector_load %arg7[%swap3A_790, %swap3A_791] {strides = array<i32>} : memref<1000x128xf32, #tpu.memory_space<vmem>>, vector<16xf32>,
      tpu.vector_store %arg7[%swap3A_790, %swap3A_791], %broadcast_in_dim3A_5 {strides = array<i32>} : memref<1000x128xf32, #tpu.memory_space<vmem>>, vector<16xf32>,
      %add3A_793 = arith.constant 5 : i32
      %add3A_794 = arith.addi %mul3A_593, %add3A_793 : i32
      %swap3A_795 = arith.index_cast %add3A_794 : i32 to index
      %swap3A_796 = arith.constant 0 : index
      %swap3A_797 = tpu.vector_load %arg7[%swap3A_795, %swap3A_796] {strides = array<i32>} : memref<1000x128xf32, #tpu.memory_space<vmem>>, vector<16xf32>,
      tpu.vector_store %arg7[%swap3A_795, %swap3A_796], %broadcast_in_dim3A_5 {strides = array<i32>} : memref<1000x128xf32, #tpu.memory_space<vmem>>, vector<16xf32>,
      %add3A_798 = arith.constant 5 : i32
      %add3A_799 = arith.addi %mul3A_593, %add3A_798 : i32
      %swap3A_800 = arith.index_cast %add3A_799 : i32 to index
      %swap3A_801 = arith.constant 16 : index
      %swap3A_802 = tpu.vector_load %arg7[%swap3A_800, %swap3A_801] {strides = array<i32>} : memref<1000x128xf32, #tpu.memory_space<vmem>>, vector<16xf32>,
      tpu.vector_store %arg7[%swap3A_800, %swap3A_801], %broadcast_in_dim3A_5 {strides = array<i32>} : memref<1000x128xf32, #tpu.memory_space<vmem>>, vector<16xf32>,
      %add3A_803 = arith.constant 5 : i32
      %add3A_804 = arith.addi %mul3A_593, %add3A_803 : i32
      %swap3A_805 = arith.index_cast %add3A_804 : i32 to index
      %swap3A_806 = arith.constant 32 : index
      %swap3A_807 = tpu.vector_load %arg7[%swap3A_805, %swap3A_806] {strides = array<i32>} : memref<1000x128xf32, #tpu.memory_space<vmem>>, vector<16xf32>,
      tpu.vector_store %arg7[%swap3A_805, %swap3A_806], %broadcast_in_dim3A_5 {strides = array<i32>} : memref<1000x128xf32, #tpu.memory_space<vmem>>, vector<16xf32>,
      %add3A_808 = arith.constant 5 : i32
      %add3A_809 = arith.addi %mul3A_593, %add3A_808 : i32
      %swap3A_810 = arith.index_cast %add3A_809 : i32 to index
      %swap3A_811 = arith.constant 48 : index
      %swap3A_812 = tpu.vector_load %arg7[%swap3A_810, %swap3A_811] {strides = array<i32>} : memref<1000x128xf32, #tpu.memory_space<vmem>>, vector<16xf32>,
      tpu.vector_store %arg7[%swap3A_810, %swap3A_811], %broadcast_in_dim3A_5 {strides = array<i32>} : memref<1000x128xf32, #tpu.memory_space<vmem>>, vector<16xf32>,
      %add3A_813 = arith.constant 5 : i32
      %add3A_814 = arith.addi %mul3A_593, %add3A_813 : i32
      %swap3A_815 = arith.index_cast %add3A_814 : i32 to index
      %swap3A_816 = arith.constant 64 : index
      %swap3A_817 = tpu.vector_load %arg7[%swap3A_815, %swap3A_816] {strides = array<i32>} : memref<1000x128xf32, #tpu.memory_space<vmem>>, vector<16xf32>,
      tpu.vector_store %arg7[%swap3A_815, %swap3A_816], %broadcast_in_dim3A_5 {strides = array<i32>} : memref<1000x128xf32, #tpu.memory_space<vmem>>, vector<16xf32>,
      %add3A_818 = arith.constant 5 : i32
      %add3A_819 = arith.addi %mul3A_593, %add3A_818 : i32
      %swap3A_820 = arith.index_cast %add3A_819 : i32 to index
      %swap3A_821 = arith.constant 80 : index
      %swap3A_822 = tpu.vector_load %arg7[%swap3A_820, %swap3A_821] {strides = array<i32>} : memref<1000x128xf32, #tpu.memory_space<vmem>>, vector<16xf32>,
      tpu.vector_store %arg7[%swap3A_820, %swap3A_821], %broadcast_in_dim3A_5 {strides = array<i32>} : memref<1000x128xf32, #tpu.memory_space<vmem>>, vector<16xf32>,
      %add3A_823 = arith.constant 5 : i32
      %add3A_824 = arith.addi %mul3A_593, %add3A_823 : i32
      %swap3A_825 = arith.index_cast %add3A_824 : i32 to index
      %swap3A_826 = arith.constant 96 : index
      %swap3A_827 = tpu.vector_load %arg7[%swap3A_825, %swap3A_826] {strides = array<i32>} : memref<1000x128xf32, #tpu.memory_space<vmem>>, vector<16xf32>,
      tpu.vector_store %arg7[%swap3A_825, %swap3A_826], %broadcast_in_dim3A_5 {strides = array<i32>} : memref<1000x128xf32, #tpu.memory_space<vmem>>, vector<16xf32>,
      %add3A_828 = arith.constant 5 : i32
      %add3A_829 = arith.addi %mul3A_593, %add3A_828 : i32
      %swap3A_830 = arith.index_cast %add3A_829 : i32 to index
      %swap3A_831 = arith.constant 112 : index
      %swap3A_832 = tpu.vector_load %arg7[%swap3A_830, %swap3A_831] {strides = array<i32>} : memref<1000x128xf32, #tpu.memory_space<vmem>>, vector<16xf32>,
      tpu.vector_store %arg7[%swap3A_830, %swap3A_831], %broadcast_in_dim3A_5 {strides = array<i32>} : memref<1000x128xf32, #tpu.memory_space<vmem>>, vector<16xf32>,
      %add3A_833 = arith.constant 6 : i32
      %add3A_834 = arith.addi %mul3A_593, %add3A_833 : i32
      %swap3A_835 = arith.index_cast %add3A_834 : i32 to index
      %swap3A_836 = arith.constant 0 : index
      %swap3A_837 = tpu.vector_load %arg7[%swap3A_835, %swap3A_836] {strides = array<i32>} : memref<1000x128xf32, #tpu.memory_space<vmem>>, vector<16xf32>,
      tpu.vector_store %arg7[%swap3A_835, %swap3A_836], %broadcast_in_dim3A_5 {strides = array<i32>} : memref<1000x128xf32, #tpu.memory_space<vmem>>, vector<16xf32>,
      %add3A_838 = arith.constant 6 : i32
      %add3A_839 = arith.addi %mul3A_593, %add3A_838 : i32
      %swap3A_840 = arith.index_cast %add3A_839 : i32 to index
      %swap3A_841 = arith.constant 16 : index
      %swap3A_842 = tpu.vector_load %arg7[%swap3A_840, %swap3A_841] {strides = array<i32>} : memref<1000x128xf32, #tpu.memory_space<vmem>>, vector<16xf32>,
      tpu.vector_store %arg7[%swap3A_840, %swap3A_841], %broadcast_in_dim3A_5 {strides = array<i32>} : memref<1000x128xf32, #tpu.memory_space<vmem>>, vector<16xf32>,
      %add3A_843 = arith.constant 6 : i32
      %add3A_844 = arith.addi %mul3A_593, %add3A_843 : i32
      %swap3A_845 = arith.index_cast %add3A_844 : i32 to index
      %swap3A_846 = arith.constant 32 : index
      %swap3A_847 = tpu.vector_load %arg7[%swap3A_845, %swap3A_846] {strides = array<i32>} : memref<1000x128xf32, #tpu.memory_space<vmem>>, vector<16xf32>,
      tpu.vector_store %arg7[%swap3A_845, %swap3A_846], %broadcast_in_dim3A_5 {strides = array<i32>} : memref<1000x128xf32, #tpu.memory_space<vmem>>, vector<16xf32>,
      %add3A_848 = arith.constant 6 : i32
      %add3A_849 = arith.addi %mul3A_593, %add3A_848 : i32
      %swap3A_850 = arith.index_cast %add3A_849 : i32 to index
      %swap3A_851 = arith.constant 48 : index
      %swap3A_852 = tpu.vector_load %arg7[%swap3A_850, %swap3A_851] {strides = array<i32>} : memref<1000x128xf32, #tpu.memory_space<vmem>>, vector<16xf32>,
      tpu.vector_store %arg7[%swap3A_850, %swap3A_851], %broadcast_in_dim3A_5 {strides = array<i32>} : memref<1000x128xf32, #tpu.memory_space<vmem>>, vector<16xf32>,
      %add3A_853 = arith.constant 6 : i32
      %add3A_854 = arith.addi %mul3A_593, %add3A_853 : i32
      %swap3A_855 = arith.index_cast %add3A_854 : i32 to index
      %swap3A_856 = arith.constant 64 : index
      %swap3A_857 = tpu.vector_load %arg7[%swap3A_855, %swap3A_856] {strides = array<i32>} : memref<1000x128xf32, #tpu.memory_space<vmem>>, vector<16xf32>,
      tpu.vector_store %arg7[%swap3A_855, %swap3A_856], %broadcast_in_dim3A_5 {strides = array<i32>} : memref<1000x128xf32, #tpu.memory_space<vmem>>, vector<16xf32>,
      %add3A_858 = arith.constant 6 : i32
      %add3A_859 = arith.addi %mul3A_593, %add3A_858 : i32
      %swap3A_860 = arith.index_cast %add3A_859 : i32 to index
      %swap3A_861 = arith.constant 80 : index
      %swap3A_862 = tpu.vector_load %arg7[%swap3A_860, %swap3A_861] {strides = array<i32>} : memref<1000x128xf32, #tpu.memory_space<vmem>>, vector<16xf32>,
      tpu.vector_store %arg7[%swap3A_860, %swap3A_861], %broadcast_in_dim3A_5 {strides = array<i32>} : memref<1000x128xf32, #tpu.memory_space<vmem>>, vector<16xf32>,
      %add3A_863 = arith.constant 6 : i32
      %add3A_864 = arith.addi %mul3A_593, %add3A_863 : i32
      %swap3A_865 = arith.index_cast %add3A_864 : i32 to index
      %swap3A_866 = arith.constant 96 : index
      %swap3A_867 = tpu.vector_load %arg7[%swap3A_865, %swap3A_866] {strides = array<i32>} : memref<1000x128xf32, #tpu.memory_space<vmem>>, vector<16xf32>,
      tpu.vector_store %arg7[%swap3A_865, %swap3A_866], %broadcast_in_dim3A_5 {strides = array<i32>} : memref<1000x128xf32, #tpu.memory_space<vmem>>, vector<16xf32>,
      %add3A_868 = arith.constant 6 : i32
      %add3A_869 = arith.addi %mul3A_593, %add3A_868 : i32
      %swap3A_870 = arith.index_cast %add3A_869 : i32 to index
      %swap3A_871 = arith.constant 112 : index
      %swap3A_872 = tpu.vector_load %arg7[%swap3A_870, %swap3A_871] {strides = array<i32>} : memref<1000x128xf32, #tpu.memory_space<vmem>>, vector<16xf32>,
      tpu.vector_store %arg7[%swap3A_870, %swap3A_871], %broadcast_in_dim3A_5 {strides = array<i32>} : memref<1000x128xf32, #tpu.memory_space<vmem>>, vector<16xf32>,
      %add3A_873 = arith.constant 7 : i32
      %add3A_874 = arith.addi %mul3A_593, %add3A_873 : i32
      %swap3A_875 = arith.index_cast %add3A_874 : i32 to index
      %swap3A_876 = arith.constant 0 : index
      %swap3A_877 = tpu.vector_load %arg7[%swap3A_875, %swap3A_876] {strides = array<i32>} : memref<1000x128xf32, #tpu.memory_space<vmem>>, vector<16xf32>,
      tpu.vector_store %arg7[%swap3A_875, %swap3A_876], %broadcast_in_dim3A_5 {strides = array<i32>} : memref<1000x128xf32, #tpu.memory_space<vmem>>, vector<16xf32>,
      %add3A_878 = arith.constant 7 : i32
      %add3A_879 = arith.addi %mul3A_593, %add3A_878 : i32
      %swap3A_880 = arith.index_cast %add3A_879 : i32 to index
      %swap3A_881 = arith.constant 16 : index
      %swap3A_882 = tpu.vector_load %arg7[%swap3A_880, %swap3A_881] {strides = array<i32>} : memref<1000x128xf32, #tpu.memory_space<vmem>>, vector<16xf32>,
      tpu.vector_store %arg7[%swap3A_880, %swap3A_881], %broadcast_in_dim3A_5 {strides = array<i32>} : memref<1000x128xf32, #tpu.memory_space<vmem>>, vector<16xf32>,
      %add3A_883 = arith.constant 7 : i32
      %add3A_884 = arith.addi %mul3A_593, %add3A_883 : i32
      %swap3A_885 = arith.index_cast %add3A_884 : i32 to index
      %swap3A_886 = arith.constant 32 : index
      %swap3A_887 = tpu.vector_load %arg7[%swap3A_885, %swap3A_886] {strides = array<i32>} : memref<1000x128xf32, #tpu.memory_space<vmem>>, vector<16xf32>,
      tpu.vector_store %arg7[%swap3A_885, %swap3A_886], %broadcast_in_dim3A_5 {strides = array<i32>} : memref<1000x128xf32, #tpu.memory_space<vmem>>, vector<16xf32>,
      %add3A_888 = arith.constant 7 : i32
      %add3A_889 = arith.addi %mul3A_593, %add3A_888 : i32
      %swap3A_890 = arith.index_cast %add3A_889 : i32 to index
      %swap3A_891 = arith.constant 48 : index
      %swap3A_892 = tpu.vector_load %arg7[%swap3A_890, %swap3A_891] {strides = array<i32>} : memref<1000x128xf32, #tpu.memory_space<vmem>>, vector<16xf32>,
      tpu.vector_store %arg7[%swap3A_890, %swap3A_891], %broadcast_in_dim3A_5 {strides = array<i32>} : memref<1000x128xf32, #tpu.memory_space<vmem>>, vector<16xf32>,
      %add3A_893 = arith.constant 7 : i32
      %add3A_894 = arith.addi %mul3A_593, %add3A_893 : i32
      %swap3A_895 = arith.index_cast %add3A_894 : i32 to index
      %swap3A_896 = arith.constant 64 : index
      %swap3A_897 = tpu.vector_load %arg7[%swap3A_895, %swap3A_896] {strides = array<i32>} : memref<1000x128xf32, #tpu.memory_space<vmem>>, vector<16xf32>,
      tpu.vector_store %arg7[%swap3A_895, %swap3A_896], %broadcast_in_dim3A_5 {strides = array<i32>} : memref<1000x128xf32, #tpu.memory_space<vmem>>, vector<16xf32>,
      %add3A_898 = arith.constant 7 : i32
      %add3A_899 = arith.addi %mul3A_593, %add3A_898 : i32
      %swap3A_900 = arith.index_cast %add3A_899 : i32 to index
      %swap3A_901 = arith.constant 80 : index
      %swap3A_902 = tpu.vector_load %arg7[%swap3A_900, %swap3A_901] {strides = array<i32>} : memref<1000x128xf32, #tpu.memory_space<vmem>>, vector<16xf32>,
      tpu.vector_store %arg7[%swap3A_900, %swap3A_901], %broadcast_in_dim3A_5 {strides = array<i32>} : memref<1000x128xf32, #tpu.memory_space<vmem>>, vector<16xf32>,
      %add3A_903 = arith.constant 7 : i32
      %add3A_904 = arith.addi %mul3A_593, %add3A_903 : i32
      %swap3A_905 = arith.index_cast %add3A_904 : i32 to index
      %swap3A_906 = arith.constant 96 : index
      %swap3A_907 = tpu.vector_load %arg7[%swap3A_905, %swap3A_906] {strides = array<i32>} : memref<1000x128xf32, #tpu.memory_space<vmem>>, vector<16xf32>,
      tpu.vector_store %arg7[%swap3A_905, %swap3A_906], %broadcast_in_dim3A_5 {strides = array<i32>} : memref<1000x128xf32, #tpu.memory_space<vmem>>, vector<16xf32>,
      %add3A_908 = arith.constant 7 : i32
      %add3A_909 = arith.addi %mul3A_593, %add3A_908 : i32
      %swap3A_910 = arith.index_cast %add3A_909 : i32 to index
      %swap3A_911 = arith.constant 112 : index
      %swap3A_912 = tpu.vector_load %arg7[%swap3A_910, %swap3A_911] {strides = array<i32>} : memref<1000x128xf32, #tpu.memory_space<vmem>>, vector<16xf32>,
      tpu.vector_store %arg7[%swap3A_910, %swap3A_911], %broadcast_in_dim3A_5 {strides = array<i32>} : memref<1000x128xf32, #tpu.memory_space<vmem>>, vector<16xf32>,
      %scan3A_913 = arith.constant 0 : i32
      scf.yield %scan3A_913 : i32
    }
    %scan3A_37 = arith.constant 62 : i32
    %dma_wait3A = arith.constant 500 : i32
    %dma_wait3A_38 = arith.constant 0 : i32
    %dma_wait3A_39 = tpu.memref_slice %arg7[%dma_wait3A, %dma_wait3A_38] : memref<1000x128xf32, #tpu.memory_space<vmem>> -> memref<500x128xf32, #tpu.memory_space<vmem>>
    %dma_wait3A_40 = arith.constant 0 : i32
    %dma_wait3A_41 = arith.constant 0 : i32
    %dma_wait3A_42 = tpu.memref_slice %arg4[%select_n3A_14, %dma_wait3A_40, %dma_wait3A_41] : memref<8x500x128xf32, #tpu.memory_space<hbm>> -> memref<1x500x128xf32, #tpu.memory_space<hbm>>
    %dma_wait3A_43 = tpu.memref_squeeze %dma_wait3A_42 : memref<1x500x128xf32, #tpu.memory_space<hbm>> -> memref<500x128xf32, #tpu.memory_space<hbm>>
    %dma_wait3A_44 = arith.constant 500 : i32
    %dma_wait3A_45 = arith.constant 0 : i32
    %dma_wait3A_46 = tpu.memref_slice %arg7[%dma_wait3A_44, %dma_wait3A_45] : memref<1000x128xf32, #tpu.memory_space<vmem>> -> memref<500x128xf32, #tpu.memory_space<vmem>>
    %dma_wait3A_47 = arith.constant 0 : i32
    %dma_wait3A_48 = arith.constant 0 : i32
    %dma_wait3A_49 = tpu.memref_slice %arg4[%select_n3A_14, %dma_wait3A_47, %dma_wait3A_48] : memref<8x500x128xf32, #tpu.memory_space<hbm>> -> memref<1x500x128xf32, #tpu.memory_space<hbm>>
    %dma_wait3A_50 = tpu.memref_squeeze %dma_wait3A_49 : memref<1x500x128xf32, #tpu.memory_space<hbm>> -> memref<500x128xf32, #tpu.memory_space<hbm>>
    tpu.wait_dma2 semaphore(%arg9 : memref<!tpu.dma_semaphore, #tpu.memory_space<semaphore_mem>>) src(%dma_wait3A_50 : memref<500x128xf32, #tpu.memory_space<hbm>>) dst(%dma_wait3A_46 : memref<500x128xf32, #tpu.memory_space<vmem>>)
    %dma_wait3A_51 = arith.constant 0 : i32
    %dma_wait3A_52 = tpu.memref_slice %arg2[%dma_wait3A_51, %mul3A_2] : memref<20x4096xi32, #tpu.memory_space<hbm>> -> memref<16x128xi32, #tpu.memory_space<hbm>>
    %dma_wait3A_53 = arith.constant 0 : i32
    %dma_wait3A_54 = tpu.memref_slice %arg2[%dma_wait3A_53, %mul3A_2] : memref<20x4096xi32, #tpu.memory_space<hbm>> -> memref<16x128xi32, #tpu.memory_space<hbm>>
    tpu.wait_dma2 semaphore(%arg8 : memref<!tpu.dma_semaphore, #tpu.memory_space<semaphore_mem>>) src(%dma_wait3A_54 : memref<16x128xi32, #tpu.memory_space<hbm>>) dst(%arg6 : memref<16x128xi32, #tpu.memory_space<vmem>>)
    %add3A_55 = arith.constant 0 : i32
    %add3A_56 = vector.broadcast %add3A_55 : i32 to vector<16xi32>
    %add3A_57 = arith.addi %iota3A, %add3A_56 : vector<16xi32>
    %broadcast_in_dim3A_58 = arith.constant 0 : i32
    %broadcast_in_dim3A_59 = vector.broadcast %broadcast_in_dim3A_58 : i32 to vector<16xi32>
    %gather3A = tpu.vector_load_idx %arg6[%broadcast_in_dim3A_59, %add3A_57] : memref<16x128xi32, #tpu.memory_space<vmem>>[vector<16xi32>, vector<16xi32>], vector<16xi32>,
    tpu.vector_store_idx %arg7[%gather3A, %add3A_57], %broadcast_in_dim3A_3 {add = true} : memref<1000x128xf32, #tpu.memory_space<vmem>>[vector<16xi32>, vector<16xi32>], vector<16xf32>,
    %broadcast_in_dim3A_60 = arith.constant 1 : i32
    %broadcast_in_dim3A_61 = vector.broadcast %broadcast_in_dim3A_60 : i32 to vector<16xi32>
    %gather3A_62 = tpu.vector_load_idx %arg6[%broadcast_in_dim3A_61, %add3A_57] : memref<16x128xi32, #tpu.memory_space<vmem>>[vector<16xi32>, vector<16xi32>], vector<16xi32>,
    tpu.vector_store_idx %arg7[%gather3A_62, %add3A_57], %broadcast_in_dim3A_3 {add = true} : memref<1000x128xf32, #tpu.memory_space<vmem>>[vector<16xi32>, vector<16xi32>], vector<16xf32>,
    %broadcast_in_dim3A_63 = arith.constant 2 : i32
    %broadcast_in_dim3A_64 = vector.broadcast %broadcast_in_dim3A_63 : i32 to vector<16xi32>
    %gather3A_65 = tpu.vector_load_idx %arg6[%broadcast_in_dim3A_64, %add3A_57] : memref<16x128xi32, #tpu.memory_space<vmem>>[vector<16xi32>, vector<16xi32>], vector<16xi32>,
    tpu.vector_store_idx %arg7[%gather3A_65, %add3A_57], %broadcast_in_dim3A_3 {add = true} : memref<1000x128xf32, #tpu.memory_space<vmem>>[vector<16xi32>, vector<16xi32>], vector<16xf32>,
    %broadcast_in_dim3A_66 = arith.constant 3 : i32
    %broadcast_in_dim3A_67 = vector.broadcast %broadcast_in_dim3A_66 : i32 to vector<16xi32>
    %gather3A_68 = tpu.vector_load_idx %arg6[%broadcast_in_dim3A_67, %add3A_57] : memref<16x128xi32, #tpu.memory_space<vmem>>[vector<16xi32>, vector<16xi32>], vector<16xi32>,
    tpu.vector_store_idx %arg7[%gather3A_68, %add3A_57], %broadcast_in_dim3A_3 {add = true} : memref<1000x128xf32, #tpu.memory_space<vmem>>[vector<16xi32>, vector<16xi32>], vector<16xf32>,
    %broadcast_in_dim3A_69 = arith.constant 4 : i32
    %broadcast_in_dim3A_70 = vector.broadcast %broadcast_in_dim3A_69 : i32 to vector<16xi32>
    %gather3A_71 = tpu.vector_load_idx %arg6[%broadcast_in_dim3A_70, %add3A_57] : memref<16x128xi32, #tpu.memory_space<vmem>>[vector<16xi32>, vector<16xi32>], vector<16xi32>,
    tpu.vector_store_idx %arg7[%gather3A_71, %add3A_57], %broadcast_in_dim3A_3 {add = true} : memref<1000x128xf32, #tpu.memory_space<vmem>>[vector<16xi32>, vector<16xi32>], vector<16xf32>,
    %broadcast_in_dim3A_72 = arith.constant 5 : i32
    %broadcast_in_dim3A_73 = vector.broadcast %broadcast_in_dim3A_72 : i32 to vector<16xi32>
    %gather3A_74 = tpu.vector_load_idx %arg6[%broadcast_in_dim3A_73, %add3A_57] : memref<16x128xi32, #tpu.memory_space<vmem>>[vector<16xi32>, vector<16xi32>], vector<16xi32>,
    tpu.vector_store_idx %arg7[%gather3A_74, %add3A_57], %broadcast_in_dim3A_3 {add = true} : memref<1000x128xf32, #tpu.memory_space<vmem>>[vector<16xi32>, vector<16xi32>], vector<16xf32>,
    %broadcast_in_dim3A_75 = arith.constant 6 : i32
    %broadcast_in_dim3A_76 = vector.broadcast %broadcast_in_dim3A_75 : i32 to vector<16xi32>
    %gather3A_77 = tpu.vector_load_idx %arg6[%broadcast_in_dim3A_76, %add3A_57] : memref<16x128xi32, #tpu.memory_space<vmem>>[vector<16xi32>, vector<16xi32>], vector<16xi32>,
    tpu.vector_store_idx %arg7[%gather3A_77, %add3A_57], %broadcast_in_dim3A_3 {add = true} : memref<1000x128xf32, #tpu.memory_space<vmem>>[vector<16xi32>, vector<16xi32>], vector<16xf32>,
    %broadcast_in_dim3A_78 = arith.constant 7 : i32
    %broadcast_in_dim3A_79 = vector.broadcast %broadcast_in_dim3A_78 : i32 to vector<16xi32>
    %gather3A_80 = tpu.vector_load_idx %arg6[%broadcast_in_dim3A_79, %add3A_57] : memref<16x128xi32, #tpu.memory_space<vmem>>[vector<16xi32>, vector<16xi32>], vector<16xi32>,
    tpu.vector_store_idx %arg7[%gather3A_80, %add3A_57], %broadcast_in_dim3A_3 {add = true} : memref<1000x128xf32, #tpu.memory_space<vmem>>[vector<16xi32>, vector<16xi32>], vector<16xf32>,
    %broadcast_in_dim3A_81 = arith.constant 8 : i32
    %broadcast_in_dim3A_82 = vector.broadcast %broadcast_in_dim3A_81 : i32 to vector<16xi32>
    %gather3A_83 = tpu.vector_load_idx %arg6[%broadcast_in_dim3A_82, %add3A_57] : memref<16x128xi32, #tpu.memory_space<vmem>>[vector<16xi32>, vector<16xi32>], vector<16xi32>,
    tpu.vector_store_idx %arg7[%gather3A_83, %add3A_57], %broadcast_in_dim3A_3 {add = true} : memref<1000x128xf32, #tpu.memory_space<vmem>>[vector<16xi32>, vector<16xi32>], vector<16xf32>,
    %broadcast_in_dim3A_84 = arith.constant 9 : i32
    %broadcast_in_dim3A_85 = vector.broadcast %broadcast_in_dim3A_84 : i32 to vector<16xi32>
    %gather3A_86 = tpu.vector_load_idx %arg6[%broadcast_in_dim3A_85, %add3A_57] : memref<16x128xi32, #tpu.memory_space<vmem>>[vector<16xi32>, vector<16xi32>], vector<16xi32>,
    tpu.vector_store_idx %arg7[%gather3A_86, %add3A_57], %broadcast_in_dim3A_3 {add = true} : memref<1000x128xf32, #tpu.memory_space<vmem>>[vector<16xi32>, vector<16xi32>], vector<16xf32>,
    %broadcast_in_dim3A_87 = arith.constant 10 : i32
    %broadcast_in_dim3A_88 = vector.broadcast %broadcast_in_dim3A_87 : i32 to vector<16xi32>
    %gather3A_89 = tpu.vector_load_idx %arg6[%broadcast_in_dim3A_88, %add3A_57] : memref<16x128xi32, #tpu.memory_space<vmem>>[vector<16xi32>, vector<16xi32>], vector<16xi32>,
    tpu.vector_store_idx %arg7[%gather3A_89, %add3A_57], %broadcast_in_dim3A_3 {add = true} : memref<1000x128xf32, #tpu.memory_space<vmem>>[vector<16xi32>, vector<16xi32>], vector<16xf32>,
    %broadcast_in_dim3A_90 = arith.constant 11 : i32
    %broadcast_in_dim3A_91 = vector.broadcast %broadcast_in_dim3A_90 : i32 to vector<16xi32>
    %gather3A_92 = tpu.vector_load_idx %arg6[%broadcast_in_dim3A_91, %add3A_57] : memref<16x128xi32, #tpu.memory_space<vmem>>[vector<16xi32>, vector<16xi32>], vector<16xi32>,
    tpu.vector_store_idx %arg7[%gather3A_92, %add3A_57], %broadcast_in_dim3A_3 {add = true} : memref<1000x128xf32, #tpu.memory_space<vmem>>[vector<16xi32>, vector<16xi32>], vector<16xf32>,
    %broadcast_in_dim3A_93 = arith.constant 12 : i32
    %broadcast_in_dim3A_94 = vector.broadcast %broadcast_in_dim3A_93 : i32 to vector<16xi32>
    %gather3A_95 = tpu.vector_load_idx %arg6[%broadcast_in_dim3A_94, %add3A_57] : memref<16x128xi32, #tpu.memory_space<vmem>>[vector<16xi32>, vector<16xi32>], vector<16xi32>,
    tpu.vector_store_idx %arg7[%gather3A_95, %add3A_57], %broadcast_in_dim3A_3 {add = true} : memref<1000x128xf32, #tpu.memory_space<vmem>>[vector<16xi32>, vector<16xi32>], vector<16xf32>,
    %broadcast_in_dim3A_96 = arith.constant 13 : i32
    %broadcast_in_dim3A_97 = vector.broadcast %broadcast_in_dim3A_96 : i32 to vector<16xi32>
    %gather3A_98 = tpu.vector_load_idx %arg6[%broadcast_in_dim3A_97, %add3A_57] : memref<16x128xi32, #tpu.memory_space<vmem>>[vector<16xi32>, vector<16xi32>], vector<16xi32>,
    tpu.vector_store_idx %arg7[%gather3A_98, %add3A_57], %broadcast_in_dim3A_3 {add = true} : memref<1000x128xf32, #tpu.memory_space<vmem>>[vector<16xi32>, vector<16xi32>], vector<16xf32>,
    %broadcast_in_dim3A_99 = arith.constant 14 : i32
    %broadcast_in_dim3A_100 = vector.broadcast %broadcast_in_dim3A_99 : i32 to vector<16xi32>
    %gather3A_101 = tpu.vector_load_idx %arg6[%broadcast_in_dim3A_100, %add3A_57] : memref<16x128xi32, #tpu.memory_space<vmem>>[vector<16xi32>, vector<16xi32>], vector<16xi32>,
    tpu.vector_store_idx %arg7[%gather3A_101, %add3A_57], %broadcast_in_dim3A_3 {add = true} : memref<1000x128xf32, #tpu.memory_space<vmem>>[vector<16xi32>, vector<16xi32>], vector<16xf32>,
    %broadcast_in_dim3A_102 = arith.constant 15 : i32
    %broadcast_in_dim3A_103 = vector.broadcast %broadcast_in_dim3A_102 : i32 to vector<16xi32>
    %gather3A_104 = tpu.vector_load_idx %arg6[%broadcast_in_dim3A_103, %add3A_57] : memref<16x128xi32, #tpu.memory_space<vmem>>[vector<16xi32>, vector<16xi32>], vector<16xi32>,
    tpu.vector_store_idx %arg7[%gather3A_104, %add3A_57], %broadcast_in_dim3A_3 {add = true} : memref<1000x128xf32, #tpu.memory_space<vmem>>[vector<16xi32>, vector<16xi32>], vector<16xf32>,
    %add3A_105 = arith.constant 16 : i32
    %add3A_106 = vector.broadcast %add3A_105 : i32 to vector<16xi32>
    %add3A_107 = arith.addi %iota3A, %add3A_106 : vector<16xi32>
    %broadcast_in_dim3A_108 = arith.constant 0 : i32
    %broadcast_in_dim3A_109 = vector.broadcast %broadcast_in_dim3A_108 : i32 to vector<16xi32>
    %gather3A_110 = tpu.vector_load_idx %arg6[%broadcast_in_dim3A_109, %add3A_107] : memref<16x128xi32, #tpu.memory_space<vmem>>[vector<16xi32>, vector<16xi32>], vector<16xi32>,
    tpu.vector_store_idx %arg7[%gather3A_110, %add3A_107], %broadcast_in_dim3A_3 {add = true} : memref<1000x128xf32, #tpu.memory_space<vmem>>[vector<16xi32>, vector<16xi32>], vector<16xf32>,
    %broadcast_in_dim3A_111 = arith.constant 1 : i32
    %broadcast_in_dim3A_112 = vector.broadcast %broadcast_in_dim3A_111 : i32 to vector<16xi32>
    %gather3A_113 = tpu.vector_load_idx %arg6[%broadcast_in_dim3A_112, %add3A_107] : memref<16x128xi32, #tpu.memory_space<vmem>>[vector<16xi32>, vector<16xi32>], vector<16xi32>,
    tpu.vector_store_idx %arg7[%gather3A_113, %add3A_107], %broadcast_in_dim3A_3 {add = true} : memref<1000x128xf32, #tpu.memory_space<vmem>>[vector<16xi32>, vector<16xi32>], vector<16xf32>,
    %broadcast_in_dim3A_114 = arith.constant 2 : i32
    %broadcast_in_dim3A_115 = vector.broadcast %broadcast_in_dim3A_114 : i32 to vector<16xi32>
    %gather3A_116 = tpu.vector_load_idx %arg6[%broadcast_in_dim3A_115, %add3A_107] : memref<16x128xi32, #tpu.memory_space<vmem>>[vector<16xi32>, vector<16xi32>], vector<16xi32>,
    tpu.vector_store_idx %arg7[%gather3A_116, %add3A_107], %broadcast_in_dim3A_3 {add = true} : memref<1000x128xf32, #tpu.memory_space<vmem>>[vector<16xi32>, vector<16xi32>], vector<16xf32>,
    %broadcast_in_dim3A_117 = arith.constant 3 : i32
    %broadcast_in_dim3A_118 = vector.broadcast %broadcast_in_dim3A_117 : i32 to vector<16xi32>
    %gather3A_119 = tpu.vector_load_idx %arg6[%broadcast_in_dim3A_118, %add3A_107] : memref<16x128xi32, #tpu.memory_space<vmem>>[vector<16xi32>, vector<16xi32>], vector<16xi32>,
    tpu.vector_store_idx %arg7[%gather3A_119, %add3A_107], %broadcast_in_dim3A_3 {add = true} : memref<1000x128xf32, #tpu.memory_space<vmem>>[vector<16xi32>, vector<16xi32>], vector<16xf32>,
    %broadcast_in_dim3A_120 = arith.constant 4 : i32
    %broadcast_in_dim3A_121 = vector.broadcast %broadcast_in_dim3A_120 : i32 to vector<16xi32>
    %gather3A_122 = tpu.vector_load_idx %arg6[%broadcast_in_dim3A_121, %add3A_107] : memref<16x128xi32, #tpu.memory_space<vmem>>[vector<16xi32>, vector<16xi32>], vector<16xi32>,
    tpu.vector_store_idx %arg7[%gather3A_122, %add3A_107], %broadcast_in_dim3A_3 {add = true} : memref<1000x128xf32, #tpu.memory_space<vmem>>[vector<16xi32>, vector<16xi32>], vector<16xf32>,
    %broadcast_in_dim3A_123 = arith.constant 5 : i32
    %broadcast_in_dim3A_124 = vector.broadcast %broadcast_in_dim3A_123 : i32 to vector<16xi32>
    %gather3A_125 = tpu.vector_load_idx %arg6[%broadcast_in_dim3A_124, %add3A_107] : memref<16x128xi32, #tpu.memory_space<vmem>>[vector<16xi32>, vector<16xi32>], vector<16xi32>,
    tpu.vector_store_idx %arg7[%gather3A_125, %add3A_107], %broadcast_in_dim3A_3 {add = true} : memref<1000x128xf32, #tpu.memory_space<vmem>>[vector<16xi32>, vector<16xi32>], vector<16xf32>,
    %broadcast_in_dim3A_126 = arith.constant 6 : i32
    %broadcast_in_dim3A_127 = vector.broadcast %broadcast_in_dim3A_126 : i32 to vector<16xi32>
    %gather3A_128 = tpu.vector_load_idx %arg6[%broadcast_in_dim3A_127, %add3A_107] : memref<16x128xi32, #tpu.memory_space<vmem>>[vector<16xi32>, vector<16xi32>], vector<16xi32>,
    tpu.vector_store_idx %arg7[%gather3A_128, %add3A_107], %broadcast_in_dim3A_3 {add = true} : memref<1000x128xf32, #tpu.memory_space<vmem>>[vector<16xi32>, vector<16xi32>], vector<16xf32>,
    %broadcast_in_dim3A_129 = arith.constant 7 : i32
    %broadcast_in_dim3A_130 = vector.broadcast %broadcast_in_dim3A_129 : i32 to vector<16xi32>
    %gather3A_131 = tpu.vector_load_idx %arg6[%broadcast_in_dim3A_130, %add3A_107] : memref<16x128xi32, #tpu.memory_space<vmem>>[vector<16xi32>, vector<16xi32>], vector<16xi32>,
    tpu.vector_store_idx %arg7[%gather3A_131, %add3A_107], %broadcast_in_dim3A_3 {add = true} : memref<1000x128xf32, #tpu.memory_space<vmem>>[vector<16xi32>, vector<16xi32>], vector<16xf32>,
    %broadcast_in_dim3A_132 = arith.constant 8 : i32
    %broadcast_in_dim3A_133 = vector.broadcast %broadcast_in_dim3A_132 : i32 to vector<16xi32>
    %gather3A_134 = tpu.vector_load_idx %arg6[%broadcast_in_dim3A_133, %add3A_107] : memref<16x128xi32, #tpu.memory_space<vmem>>[vector<16xi32>, vector<16xi32>], vector<16xi32>,
    tpu.vector_store_idx %arg7[%gather3A_134, %add3A_107], %broadcast_in_dim3A_3 {add = true} : memref<1000x128xf32, #tpu.memory_space<vmem>>[vector<16xi32>, vector<16xi32>], vector<16xf32>,
    %broadcast_in_dim3A_135 = arith.constant 9 : i32
    %broadcast_in_dim3A_136 = vector.broadcast %broadcast_in_dim3A_135 : i32 to vector<16xi32>
    %gather3A_137 = tpu.vector_load_idx %arg6[%broadcast_in_dim3A_136, %add3A_107] : memref<16x128xi32, #tpu.memory_space<vmem>>[vector<16xi32>, vector<16xi32>], vector<16xi32>,
    tpu.vector_store_idx %arg7[%gather3A_137, %add3A_107], %broadcast_in_dim3A_3 {add = true} : memref<1000x128xf32, #tpu.memory_space<vmem>>[vector<16xi32>, vector<16xi32>], vector<16xf32>,
    %broadcast_in_dim3A_138 = arith.constant 10 : i32
    %broadcast_in_dim3A_139 = vector.broadcast %broadcast_in_dim3A_138 : i32 to vector<16xi32>
    %gather3A_140 = tpu.vector_load_idx %arg6[%broadcast_in_dim3A_139, %add3A_107] : memref<16x128xi32, #tpu.memory_space<vmem>>[vector<16xi32>, vector<16xi32>], vector<16xi32>,
    tpu.vector_store_idx %arg7[%gather3A_140, %add3A_107], %broadcast_in_dim3A_3 {add = true} : memref<1000x128xf32, #tpu.memory_space<vmem>>[vector<16xi32>, vector<16xi32>], vector<16xf32>,
    %broadcast_in_dim3A_141 = arith.constant 11 : i32
    %broadcast_in_dim3A_142 = vector.broadcast %broadcast_in_dim3A_141 : i32 to vector<16xi32>
    %gather3A_143 = tpu.vector_load_idx %arg6[%broadcast_in_dim3A_142, %add3A_107] : memref<16x128xi32, #tpu.memory_space<vmem>>[vector<16xi32>, vector<16xi32>], vector<16xi32>,
    tpu.vector_store_idx %arg7[%gather3A_143, %add3A_107], %broadcast_in_dim3A_3 {add = true} : memref<1000x128xf32, #tpu.memory_space<vmem>>[vector<16xi32>, vector<16xi32>], vector<16xf32>,
    %broadcast_in_dim3A_144 = arith.constant 12 : i32
    %broadcast_in_dim3A_145 = vector.broadcast %broadcast_in_dim3A_144 : i32 to vector<16xi32>
    %gather3A_146 = tpu.vector_load_idx %arg6[%broadcast_in_dim3A_145, %add3A_107] : memref<16x128xi32, #tpu.memory_space<vmem>>[vector<16xi32>, vector<16xi32>], vector<16xi32>,
    tpu.vector_store_idx %arg7[%gather3A_146, %add3A_107], %broadcast_in_dim3A_3 {add = true} : memref<1000x128xf32, #tpu.memory_space<vmem>>[vector<16xi32>, vector<16xi32>], vector<16xf32>,
    %broadcast_in_dim3A_147 = arith.constant 13 : i32
    %broadcast_in_dim3A_148 = vector.broadcast %broadcast_in_dim3A_147 : i32 to vector<16xi32>
    %gather3A_149 = tpu.vector_load_idx %arg6[%broadcast_in_dim3A_148, %add3A_107] : memref<16x128xi32, #tpu.memory_space<vmem>>[vector<16xi32>, vector<16xi32>], vector<16xi32>,
    tpu.vector_store_idx %arg7[%gather3A_149, %add3A_107], %broadcast_in_dim3A_3 {add = true} : memref<1000x128xf32, #tpu.memory_space<vmem>>[vector<16xi32>, vector<16xi32>], vector<16xf32>,
    %broadcast_in_dim3A_150 = arith.constant 14 : i32
    %broadcast_in_dim3A_151 = vector.broadcast %broadcast_in_dim3A_150 : i32 to vector<16xi32>
    %gather3A_152 = tpu.vector_load_idx %arg6[%broadcast_in_dim3A_151, %add3A_107] : memref<16x128xi32, #tpu.memory_space<vmem>>[vector<16xi32>, vector<16xi32>], vector<16xi32>,
    tpu.vector_store_idx %arg7[%gather3A_152, %add3A_107], %broadcast_in_dim3A_3 {add = true} : memref<1000x128xf32, #tpu.memory_space<vmem>>[vector<16xi32>, vector<16xi32>], vector<16xf32>,
    %broadcast_in_dim3A_153 = arith.constant 15 : i32
    %broadcast_in_dim3A_154 = vector.broadcast %broadcast_in_dim3A_153 : i32 to vector<16xi32>
    %gather3A_155 = tpu.vector_load_idx %arg6[%broadcast_in_dim3A_154, %add3A_107] : memref<16x128xi32, #tpu.memory_space<vmem>>[vector<16xi32>, vector<16xi32>], vector<16xi32>,
    tpu.vector_store_idx %arg7[%gather3A_155, %add3A_107], %broadcast_in_dim3A_3 {add = true} : memref<1000x128xf32, #tpu.memory_space<vmem>>[vector<16xi32>, vector<16xi32>], vector<16xf32>,
    %add3A_156 = arith.constant 32 : i32
    %add3A_157 = vector.broadcast %add3A_156 : i32 to vector<16xi32>
    %add3A_158 = arith.addi %iota3A, %add3A_157 : vector<16xi32>
    %broadcast_in_dim3A_159 = arith.constant 0 : i32
    %broadcast_in_dim3A_160 = vector.broadcast %broadcast_in_dim3A_159 : i32 to vector<16xi32>
    %gather3A_161 = tpu.vector_load_idx %arg6[%broadcast_in_dim3A_160, %add3A_158] : memref<16x128xi32, #tpu.memory_space<vmem>>[vector<16xi32>, vector<16xi32>], vector<16xi32>,
    tpu.vector_store_idx %arg7[%gather3A_161, %add3A_158], %broadcast_in_dim3A_3 {add = true} : memref<1000x128xf32, #tpu.memory_space<vmem>>[vector<16xi32>, vector<16xi32>], vector<16xf32>,
    %broadcast_in_dim3A_162 = arith.constant 1 : i32
    %broadcast_in_dim3A_163 = vector.broadcast %broadcast_in_dim3A_162 : i32 to vector<16xi32>
    %gather3A_164 = tpu.vector_load_idx %arg6[%broadcast_in_dim3A_163, %add3A_158] : memref<16x128xi32, #tpu.memory_space<vmem>>[vector<16xi32>, vector<16xi32>], vector<16xi32>,
    tpu.vector_store_idx %arg7[%gather3A_164, %add3A_158], %broadcast_in_dim3A_3 {add = true} : memref<1000x128xf32, #tpu.memory_space<vmem>>[vector<16xi32>, vector<16xi32>], vector<16xf32>,
    %broadcast_in_dim3A_165 = arith.constant 2 : i32
    %broadcast_in_dim3A_166 = vector.broadcast %broadcast_in_dim3A_165 : i32 to vector<16xi32>
    %gather3A_167 = tpu.vector_load_idx %arg6[%broadcast_in_dim3A_166, %add3A_158] : memref<16x128xi32, #tpu.memory_space<vmem>>[vector<16xi32>, vector<16xi32>], vector<16xi32>,
    tpu.vector_store_idx %arg7[%gather3A_167, %add3A_158], %broadcast_in_dim3A_3 {add = true} : memref<1000x128xf32, #tpu.memory_space<vmem>>[vector<16xi32>, vector<16xi32>], vector<16xf32>,
    %broadcast_in_dim3A_168 = arith.constant 3 : i32
    %broadcast_in_dim3A_169 = vector.broadcast %broadcast_in_dim3A_168 : i32 to vector<16xi32>
    %gather3A_170 = tpu.vector_load_idx %arg6[%broadcast_in_dim3A_169, %add3A_158] : memref<16x128xi32, #tpu.memory_space<vmem>>[vector<16xi32>, vector<16xi32>], vector<16xi32>,
    tpu.vector_store_idx %arg7[%gather3A_170, %add3A_158], %broadcast_in_dim3A_3 {add = true} : memref<1000x128xf32, #tpu.memory_space<vmem>>[vector<16xi32>, vector<16xi32>], vector<16xf32>,
    %broadcast_in_dim3A_171 = arith.constant 4 : i32
    %broadcast_in_dim3A_172 = vector.broadcast %broadcast_in_dim3A_171 : i32 to vector<16xi32>
    %gather3A_173 = tpu.vector_load_idx %arg6[%broadcast_in_dim3A_172, %add3A_158] : memref<16x128xi32, #tpu.memory_space<vmem>>[vector<16xi32>, vector<16xi32>], vector<16xi32>,
    tpu.vector_store_idx %arg7[%gather3A_173, %add3A_158], %broadcast_in_dim3A_3 {add = true} : memref<1000x128xf32, #tpu.memory_space<vmem>>[vector<16xi32>, vector<16xi32>], vector<16xf32>,
    %broadcast_in_dim3A_174 = arith.constant 5 : i32
    %broadcast_in_dim3A_175 = vector.broadcast %broadcast_in_dim3A_174 : i32 to vector<16xi32>
    %gather3A_176 = tpu.vector_load_idx %arg6[%broadcast_in_dim3A_175, %add3A_158] : memref<16x128xi32, #tpu.memory_space<vmem>>[vector<16xi32>, vector<16xi32>], vector<16xi32>,
    tpu.vector_store_idx %arg7[%gather3A_176, %add3A_158], %broadcast_in_dim3A_3 {add = true} : memref<1000x128xf32, #tpu.memory_space<vmem>>[vector<16xi32>, vector<16xi32>], vector<16xf32>,
    %broadcast_in_dim3A_177 = arith.constant 6 : i32
    %broadcast_in_dim3A_178 = vector.broadcast %broadcast_in_dim3A_177 : i32 to vector<16xi32>
    %gather3A_179 = tpu.vector_load_idx %arg6[%broadcast_in_dim3A_178, %add3A_158] : memref<16x128xi32, #tpu.memory_space<vmem>>[vector<16xi32>, vector<16xi32>], vector<16xi32>,
    tpu.vector_store_idx %arg7[%gather3A_179, %add3A_158], %broadcast_in_dim3A_3 {add = true} : memref<1000x128xf32, #tpu.memory_space<vmem>>[vector<16xi32>, vector<16xi32>], vector<16xf32>,
    %broadcast_in_dim3A_180 = arith.constant 7 : i32
    %broadcast_in_dim3A_181 = vector.broadcast %broadcast_in_dim3A_180 : i32 to vector<16xi32>
    %gather3A_182 = tpu.vector_load_idx %arg6[%broadcast_in_dim3A_181, %add3A_158] : memref<16x128xi32, #tpu.memory_space<vmem>>[vector<16xi32>, vector<16xi32>], vector<16xi32>,
    tpu.vector_store_idx %arg7[%gather3A_182, %add3A_158], %broadcast_in_dim3A_3 {add = true} : memref<1000x128xf32, #tpu.memory_space<vmem>>[vector<16xi32>, vector<16xi32>], vector<16xf32>,
    %broadcast_in_dim3A_183 = arith.constant 8 : i32
    %broadcast_in_dim3A_184 = vector.broadcast %broadcast_in_dim3A_183 : i32 to vector<16xi32>
    %gather3A_185 = tpu.vector_load_idx %arg6[%broadcast_in_dim3A_184, %add3A_158] : memref<16x128xi32, #tpu.memory_space<vmem>>[vector<16xi32>, vector<16xi32>], vector<16xi32>,
    tpu.vector_store_idx %arg7[%gather3A_185, %add3A_158], %broadcast_in_dim3A_3 {add = true} : memref<1000x128xf32, #tpu.memory_space<vmem>>[vector<16xi32>, vector<16xi32>], vector<16xf32>,
    %broadcast_in_dim3A_186 = arith.constant 9 : i32
    %broadcast_in_dim3A_187 = vector.broadcast %broadcast_in_dim3A_186 : i32 to vector<16xi32>
    %gather3A_188 = tpu.vector_load_idx %arg6[%broadcast_in_dim3A_187, %add3A_158] : memref<16x128xi32, #tpu.memory_space<vmem>>[vector<16xi32>, vector<16xi32>], vector<16xi32>,
    tpu.vector_store_idx %arg7[%gather3A_188, %add3A_158], %broadcast_in_dim3A_3 {add = true} : memref<1000x128xf32, #tpu.memory_space<vmem>>[vector<16xi32>, vector<16xi32>], vector<16xf32>,
    %broadcast_in_dim3A_189 = arith.constant 10 : i32
    %broadcast_in_dim3A_190 = vector.broadcast %broadcast_in_dim3A_189 : i32 to vector<16xi32>
    %gather3A_191 = tpu.vector_load_idx %arg6[%broadcast_in_dim3A_190, %add3A_158] : memref<16x128xi32, #tpu.memory_space<vmem>>[vector<16xi32>, vector<16xi32>], vector<16xi32>,
    tpu.vector_store_idx %arg7[%gather3A_191, %add3A_158], %broadcast_in_dim3A_3 {add = true} : memref<1000x128xf32, #tpu.memory_space<vmem>>[vector<16xi32>, vector<16xi32>], vector<16xf32>,
    %broadcast_in_dim3A_192 = arith.constant 11 : i32
    %broadcast_in_dim3A_193 = vector.broadcast %broadcast_in_dim3A_192 : i32 to vector<16xi32>
    %gather3A_194 = tpu.vector_load_idx %arg6[%broadcast_in_dim3A_193, %add3A_158] : memref<16x128xi32, #tpu.memory_space<vmem>>[vector<16xi32>, vector<16xi32>], vector<16xi32>,
    tpu.vector_store_idx %arg7[%gather3A_194, %add3A_158], %broadcast_in_dim3A_3 {add = true} : memref<1000x128xf32, #tpu.memory_space<vmem>>[vector<16xi32>, vector<16xi32>], vector<16xf32>,
    %broadcast_in_dim3A_195 = arith.constant 12 : i32
    %broadcast_in_dim3A_196 = vector.broadcast %broadcast_in_dim3A_195 : i32 to vector<16xi32>
    %gather3A_197 = tpu.vector_load_idx %arg6[%broadcast_in_dim3A_196, %add3A_158] : memref<16x128xi32, #tpu.memory_space<vmem>>[vector<16xi32>, vector<16xi32>], vector<16xi32>,
    tpu.vector_store_idx %arg7[%gather3A_197, %add3A_158], %broadcast_in_dim3A_3 {add = true} : memref<1000x128xf32, #tpu.memory_space<vmem>>[vector<16xi32>, vector<16xi32>], vector<16xf32>,
    %broadcast_in_dim3A_198 = arith.constant 13 : i32
    %broadcast_in_dim3A_199 = vector.broadcast %broadcast_in_dim3A_198 : i32 to vector<16xi32>
    %gather3A_200 = tpu.vector_load_idx %arg6[%broadcast_in_dim3A_199, %add3A_158] : memref<16x128xi32, #tpu.memory_space<vmem>>[vector<16xi32>, vector<16xi32>], vector<16xi32>,
    tpu.vector_store_idx %arg7[%gather3A_200, %add3A_158], %broadcast_in_dim3A_3 {add = true} : memref<1000x128xf32, #tpu.memory_space<vmem>>[vector<16xi32>, vector<16xi32>], vector<16xf32>,
    %broadcast_in_dim3A_201 = arith.constant 14 : i32
    %broadcast_in_dim3A_202 = vector.broadcast %broadcast_in_dim3A_201 : i32 to vector<16xi32>
    %gather3A_203 = tpu.vector_load_idx %arg6[%broadcast_in_dim3A_202, %add3A_158] : memref<16x128xi32, #tpu.memory_space<vmem>>[vector<16xi32>, vector<16xi32>], vector<16xi32>,
    tpu.vector_store_idx %arg7[%gather3A_203, %add3A_158], %broadcast_in_dim3A_3 {add = true} : memref<1000x128xf32, #tpu.memory_space<vmem>>[vector<16xi32>, vector<16xi32>], vector<16xf32>,
    %broadcast_in_dim3A_204 = arith.constant 15 : i32
    %broadcast_in_dim3A_205 = vector.broadcast %broadcast_in_dim3A_204 : i32 to vector<16xi32>
    %gather3A_206 = tpu.vector_load_idx %arg6[%broadcast_in_dim3A_205, %add3A_158] : memref<16x128xi32, #tpu.memory_space<vmem>>[vector<16xi32>, vector<16xi32>], vector<16xi32>,
    tpu.vector_store_idx %arg7[%gather3A_206, %add3A_158], %broadcast_in_dim3A_3 {add = true} : memref<1000x128xf32, #tpu.memory_space<vmem>>[vector<16xi32>, vector<16xi32>], vector<16xf32>,
    %add3A_207 = arith.constant 48 : i32
    %add3A_208 = vector.broadcast %add3A_207 : i32 to vector<16xi32>
    %add3A_209 = arith.addi %iota3A, %add3A_208 : vector<16xi32>
    %broadcast_in_dim3A_210 = arith.constant 0 : i32
    %broadcast_in_dim3A_211 = vector.broadcast %broadcast_in_dim3A_210 : i32 to vector<16xi32>
    %gather3A_212 = tpu.vector_load_idx %arg6[%broadcast_in_dim3A_211, %add3A_209] : memref<16x128xi32, #tpu.memory_space<vmem>>[vector<16xi32>, vector<16xi32>], vector<16xi32>,
    tpu.vector_store_idx %arg7[%gather3A_212, %add3A_209], %broadcast_in_dim3A_3 {add = true} : memref<1000x128xf32, #tpu.memory_space<vmem>>[vector<16xi32>, vector<16xi32>], vector<16xf32>,
    %broadcast_in_dim3A_213 = arith.constant 1 : i32
    %broadcast_in_dim3A_214 = vector.broadcast %broadcast_in_dim3A_213 : i32 to vector<16xi32>
    %gather3A_215 = tpu.vector_load_idx %arg6[%broadcast_in_dim3A_214, %add3A_209] : memref<16x128xi32, #tpu.memory_space<vmem>>[vector<16xi32>, vector<16xi32>], vector<16xi32>,
    tpu.vector_store_idx %arg7[%gather3A_215, %add3A_209], %broadcast_in_dim3A_3 {add = true} : memref<1000x128xf32, #tpu.memory_space<vmem>>[vector<16xi32>, vector<16xi32>], vector<16xf32>,
    %broadcast_in_dim3A_216 = arith.constant 2 : i32
    %broadcast_in_dim3A_217 = vector.broadcast %broadcast_in_dim3A_216 : i32 to vector<16xi32>
    %gather3A_218 = tpu.vector_load_idx %arg6[%broadcast_in_dim3A_217, %add3A_209] : memref<16x128xi32, #tpu.memory_space<vmem>>[vector<16xi32>, vector<16xi32>], vector<16xi32>,
    tpu.vector_store_idx %arg7[%gather3A_218, %add3A_209], %broadcast_in_dim3A_3 {add = true} : memref<1000x128xf32, #tpu.memory_space<vmem>>[vector<16xi32>, vector<16xi32>], vector<16xf32>,
    %broadcast_in_dim3A_219 = arith.constant 3 : i32
    %broadcast_in_dim3A_220 = vector.broadcast %broadcast_in_dim3A_219 : i32 to vector<16xi32>
    %gather3A_221 = tpu.vector_load_idx %arg6[%broadcast_in_dim3A_220, %add3A_209] : memref<16x128xi32, #tpu.memory_space<vmem>>[vector<16xi32>, vector<16xi32>], vector<16xi32>,
    tpu.vector_store_idx %arg7[%gather3A_221, %add3A_209], %broadcast_in_dim3A_3 {add = true} : memref<1000x128xf32, #tpu.memory_space<vmem>>[vector<16xi32>, vector<16xi32>], vector<16xf32>,
    %broadcast_in_dim3A_222 = arith.constant 4 : i32
    %broadcast_in_dim3A_223 = vector.broadcast %broadcast_in_dim3A_222 : i32 to vector<16xi32>
    %gather3A_224 = tpu.vector_load_idx %arg6[%broadcast_in_dim3A_223, %add3A_209] : memref<16x128xi32, #tpu.memory_space<vmem>>[vector<16xi32>, vector<16xi32>], vector<16xi32>,
    tpu.vector_store_idx %arg7[%gather3A_224, %add3A_209], %broadcast_in_dim3A_3 {add = true} : memref<1000x128xf32, #tpu.memory_space<vmem>>[vector<16xi32>, vector<16xi32>], vector<16xf32>,
    %broadcast_in_dim3A_225 = arith.constant 5 : i32
    %broadcast_in_dim3A_226 = vector.broadcast %broadcast_in_dim3A_225 : i32 to vector<16xi32>
    %gather3A_227 = tpu.vector_load_idx %arg6[%broadcast_in_dim3A_226, %add3A_209] : memref<16x128xi32, #tpu.memory_space<vmem>>[vector<16xi32>, vector<16xi32>], vector<16xi32>,
    tpu.vector_store_idx %arg7[%gather3A_227, %add3A_209], %broadcast_in_dim3A_3 {add = true} : memref<1000x128xf32, #tpu.memory_space<vmem>>[vector<16xi32>, vector<16xi32>], vector<16xf32>,
    %broadcast_in_dim3A_228 = arith.constant 6 : i32
    %broadcast_in_dim3A_229 = vector.broadcast %broadcast_in_dim3A_228 : i32 to vector<16xi32>
    %gather3A_230 = tpu.vector_load_idx %arg6[%broadcast_in_dim3A_229, %add3A_209] : memref<16x128xi32, #tpu.memory_space<vmem>>[vector<16xi32>, vector<16xi32>], vector<16xi32>,
    tpu.vector_store_idx %arg7[%gather3A_230, %add3A_209], %broadcast_in_dim3A_3 {add = true} : memref<1000x128xf32, #tpu.memory_space<vmem>>[vector<16xi32>, vector<16xi32>], vector<16xf32>,
    %broadcast_in_dim3A_231 = arith.constant 7 : i32
    %broadcast_in_dim3A_232 = vector.broadcast %broadcast_in_dim3A_231 : i32 to vector<16xi32>
    %gather3A_233 = tpu.vector_load_idx %arg6[%broadcast_in_dim3A_232, %add3A_209] : memref<16x128xi32, #tpu.memory_space<vmem>>[vector<16xi32>, vector<16xi32>], vector<16xi32>,
    tpu.vector_store_idx %arg7[%gather3A_233, %add3A_209], %broadcast_in_dim3A_3 {add = true} : memref<1000x128xf32, #tpu.memory_space<vmem>>[vector<16xi32>, vector<16xi32>], vector<16xf32>,
    %broadcast_in_dim3A_234 = arith.constant 8 : i32
    %broadcast_in_dim3A_235 = vector.broadcast %broadcast_in_dim3A_234 : i32 to vector<16xi32>
    %gather3A_236 = tpu.vector_load_idx %arg6[%broadcast_in_dim3A_235, %add3A_209] : memref<16x128xi32, #tpu.memory_space<vmem>>[vector<16xi32>, vector<16xi32>], vector<16xi32>,
    tpu.vector_store_idx %arg7[%gather3A_236, %add3A_209], %broadcast_in_dim3A_3 {add = true} : memref<1000x128xf32, #tpu.memory_space<vmem>>[vector<16xi32>, vector<16xi32>], vector<16xf32>,
    %broadcast_in_dim3A_237 = arith.constant 9 : i32
    %broadcast_in_dim3A_238 = vector.broadcast %broadcast_in_dim3A_237 : i32 to vector<16xi32>
    %gather3A_239 = tpu.vector_load_idx %arg6[%broadcast_in_dim3A_238, %add3A_209] : memref<16x128xi32, #tpu.memory_space<vmem>>[vector<16xi32>, vector<16xi32>], vector<16xi32>,
    tpu.vector_store_idx %arg7[%gather3A_239, %add3A_209], %broadcast_in_dim3A_3 {add = true} : memref<1000x128xf32, #tpu.memory_space<vmem>>[vector<16xi32>, vector<16xi32>], vector<16xf32>,
    %broadcast_in_dim3A_240 = arith.constant 10 : i32
    %broadcast_in_dim3A_241 = vector.broadcast %broadcast_in_dim3A_240 : i32 to vector<16xi32>
    %gather3A_242 = tpu.vector_load_idx %arg6[%broadcast_in_dim3A_241, %add3A_209] : memref<16x128xi32, #tpu.memory_space<vmem>>[vector<16xi32>, vector<16xi32>], vector<16xi32>,
    tpu.vector_store_idx %arg7[%gather3A_242, %add3A_209], %broadcast_in_dim3A_3 {add = true} : memref<1000x128xf32, #tpu.memory_space<vmem>>[vector<16xi32>, vector<16xi32>], vector<16xf32>,
    %broadcast_in_dim3A_243 = arith.constant 11 : i32
    %broadcast_in_dim3A_244 = vector.broadcast %broadcast_in_dim3A_243 : i32 to vector<16xi32>
    %gather3A_245 = tpu.vector_load_idx %arg6[%broadcast_in_dim3A_244, %add3A_209] : memref<16x128xi32, #tpu.memory_space<vmem>>[vector<16xi32>, vector<16xi32>], vector<16xi32>,
    tpu.vector_store_idx %arg7[%gather3A_245, %add3A_209], %broadcast_in_dim3A_3 {add = true} : memref<1000x128xf32, #tpu.memory_space<vmem>>[vector<16xi32>, vector<16xi32>], vector<16xf32>,
    %broadcast_in_dim3A_246 = arith.constant 12 : i32
    %broadcast_in_dim3A_247 = vector.broadcast %broadcast_in_dim3A_246 : i32 to vector<16xi32>
    %gather3A_248 = tpu.vector_load_idx %arg6[%broadcast_in_dim3A_247, %add3A_209] : memref<16x128xi32, #tpu.memory_space<vmem>>[vector<16xi32>, vector<16xi32>], vector<16xi32>,
    tpu.vector_store_idx %arg7[%gather3A_248, %add3A_209], %broadcast_in_dim3A_3 {add = true} : memref<1000x128xf32, #tpu.memory_space<vmem>>[vector<16xi32>, vector<16xi32>], vector<16xf32>,
    %broadcast_in_dim3A_249 = arith.constant 13 : i32
    %broadcast_in_dim3A_250 = vector.broadcast %broadcast_in_dim3A_249 : i32 to vector<16xi32>
    %gather3A_251 = tpu.vector_load_idx %arg6[%broadcast_in_dim3A_250, %add3A_209] : memref<16x128xi32, #tpu.memory_space<vmem>>[vector<16xi32>, vector<16xi32>], vector<16xi32>,
    tpu.vector_store_idx %arg7[%gather3A_251, %add3A_209], %broadcast_in_dim3A_3 {add = true} : memref<1000x128xf32, #tpu.memory_space<vmem>>[vector<16xi32>, vector<16xi32>], vector<16xf32>,
    %broadcast_in_dim3A_252 = arith.constant 14 : i32
    %broadcast_in_dim3A_253 = vector.broadcast %broadcast_in_dim3A_252 : i32 to vector<16xi32>
    %gather3A_254 = tpu.vector_load_idx %arg6[%broadcast_in_dim3A_253, %add3A_209] : memref<16x128xi32, #tpu.memory_space<vmem>>[vector<16xi32>, vector<16xi32>], vector<16xi32>,
    tpu.vector_store_idx %arg7[%gather3A_254, %add3A_209], %broadcast_in_dim3A_3 {add = true} : memref<1000x128xf32, #tpu.memory_space<vmem>>[vector<16xi32>, vector<16xi32>], vector<16xf32>,
    %broadcast_in_dim3A_255 = arith.constant 15 : i32
    %broadcast_in_dim3A_256 = vector.broadcast %broadcast_in_dim3A_255 : i32 to vector<16xi32>
    %gather3A_257 = tpu.vector_load_idx %arg6[%broadcast_in_dim3A_256, %add3A_209] : memref<16x128xi32, #tpu.memory_space<vmem>>[vector<16xi32>, vector<16xi32>], vector<16xi32>,
    tpu.vector_store_idx %arg7[%gather3A_257, %add3A_209], %broadcast_in_dim3A_3 {add = true} : memref<1000x128xf32, #tpu.memory_space<vmem>>[vector<16xi32>, vector<16xi32>], vector<16xf32>,
    %add3A_258 = arith.constant 64 : i32
    %add3A_259 = vector.broadcast %add3A_258 : i32 to vector<16xi32>
    %add3A_260 = arith.addi %iota3A, %add3A_259 : vector<16xi32>
    %broadcast_in_dim3A_261 = arith.constant 0 : i32
    %broadcast_in_dim3A_262 = vector.broadcast %broadcast_in_dim3A_261 : i32 to vector<16xi32>
    %gather3A_263 = tpu.vector_load_idx %arg6[%broadcast_in_dim3A_262, %add3A_260] : memref<16x128xi32, #tpu.memory_space<vmem>>[vector<16xi32>, vector<16xi32>], vector<16xi32>,
    tpu.vector_store_idx %arg7[%gather3A_263, %add3A_260], %broadcast_in_dim3A_3 {add = true} : memref<1000x128xf32, #tpu.memory_space<vmem>>[vector<16xi32>, vector<16xi32>], vector<16xf32>,
    %broadcast_in_dim3A_264 = arith.constant 1 : i32
    %broadcast_in_dim3A_265 = vector.broadcast %broadcast_in_dim3A_264 : i32 to vector<16xi32>
    %gather3A_266 = tpu.vector_load_idx %arg6[%broadcast_in_dim3A_265, %add3A_260] : memref<16x128xi32, #tpu.memory_space<vmem>>[vector<16xi32>, vector<16xi32>], vector<16xi32>,
    tpu.vector_store_idx %arg7[%gather3A_266, %add3A_260], %broadcast_in_dim3A_3 {add = true} : memref<1000x128xf32, #tpu.memory_space<vmem>>[vector<16xi32>, vector<16xi32>], vector<16xf32>,
    %broadcast_in_dim3A_267 = arith.constant 2 : i32
    %broadcast_in_dim3A_268 = vector.broadcast %broadcast_in_dim3A_267 : i32 to vector<16xi32>
    %gather3A_269 = tpu.vector_load_idx %arg6[%broadcast_in_dim3A_268, %add3A_260] : memref<16x128xi32, #tpu.memory_space<vmem>>[vector<16xi32>, vector<16xi32>], vector<16xi32>,
    tpu.vector_store_idx %arg7[%gather3A_269, %add3A_260], %broadcast_in_dim3A_3 {add = true} : memref<1000x128xf32, #tpu.memory_space<vmem>>[vector<16xi32>, vector<16xi32>], vector<16xf32>,
    %broadcast_in_dim3A_270 = arith.constant 3 : i32
    %broadcast_in_dim3A_271 = vector.broadcast %broadcast_in_dim3A_270 : i32 to vector<16xi32>
    %gather3A_272 = tpu.vector_load_idx %arg6[%broadcast_in_dim3A_271, %add3A_260] : memref<16x128xi32, #tpu.memory_space<vmem>>[vector<16xi32>, vector<16xi32>], vector<16xi32>,
    tpu.vector_store_idx %arg7[%gather3A_272, %add3A_260], %broadcast_in_dim3A_3 {add = true} : memref<1000x128xf32, #tpu.memory_space<vmem>>[vector<16xi32>, vector<16xi32>], vector<16xf32>,
    %broadcast_in_dim3A_273 = arith.constant 4 : i32
    %broadcast_in_dim3A_274 = vector.broadcast %broadcast_in_dim3A_273 : i32 to vector<16xi32>
    %gather3A_275 = tpu.vector_load_idx %arg6[%broadcast_in_dim3A_274, %add3A_260] : memref<16x128xi32, #tpu.memory_space<vmem>>[vector<16xi32>, vector<16xi32>], vector<16xi32>,
    tpu.vector_store_idx %arg7[%gather3A_275, %add3A_260], %broadcast_in_dim3A_3 {add = true} : memref<1000x128xf32, #tpu.memory_space<vmem>>[vector<16xi32>, vector<16xi32>], vector<16xf32>,
    %broadcast_in_dim3A_276 = arith.constant 5 : i32
    %broadcast_in_dim3A_277 = vector.broadcast %broadcast_in_dim3A_276 : i32 to vector<16xi32>
    %gather3A_278 = tpu.vector_load_idx %arg6[%broadcast_in_dim3A_277, %add3A_260] : memref<16x128xi32, #tpu.memory_space<vmem>>[vector<16xi32>, vector<16xi32>], vector<16xi32>,
    tpu.vector_store_idx %arg7[%gather3A_278, %add3A_260], %broadcast_in_dim3A_3 {add = true} : memref<1000x128xf32, #tpu.memory_space<vmem>>[vector<16xi32>, vector<16xi32>], vector<16xf32>,
    %broadcast_in_dim3A_279 = arith.constant 6 : i32
    %broadcast_in_dim3A_280 = vector.broadcast %broadcast_in_dim3A_279 : i32 to vector<16xi32>
    %gather3A_281 = tpu.vector_load_idx %arg6[%broadcast_in_dim3A_280, %add3A_260] : memref<16x128xi32, #tpu.memory_space<vmem>>[vector<16xi32>, vector<16xi32>], vector<16xi32>,
    tpu.vector_store_idx %arg7[%gather3A_281, %add3A_260], %broadcast_in_dim3A_3 {add = true} : memref<1000x128xf32, #tpu.memory_space<vmem>>[vector<16xi32>, vector<16xi32>], vector<16xf32>,
    %broadcast_in_dim3A_282 = arith.constant 7 : i32
    %broadcast_in_dim3A_283 = vector.broadcast %broadcast_in_dim3A_282 : i32 to vector<16xi32>
    %gather3A_284 = tpu.vector_load_idx %arg6[%broadcast_in_dim3A_283, %add3A_260] : memref<16x128xi32, #tpu.memory_space<vmem>>[vector<16xi32>, vector<16xi32>], vector<16xi32>,
    tpu.vector_store_idx %arg7[%gather3A_284, %add3A_260], %broadcast_in_dim3A_3 {add = true} : memref<1000x128xf32, #tpu.memory_space<vmem>>[vector<16xi32>, vector<16xi32>], vector<16xf32>,
    %broadcast_in_dim3A_285 = arith.constant 8 : i32
    %broadcast_in_dim3A_286 = vector.broadcast %broadcast_in_dim3A_285 : i32 to vector<16xi32>
    %gather3A_287 = tpu.vector_load_idx %arg6[%broadcast_in_dim3A_286, %add3A_260] : memref<16x128xi32, #tpu.memory_space<vmem>>[vector<16xi32>, vector<16xi32>], vector<16xi32>,
    tpu.vector_store_idx %arg7[%gather3A_287, %add3A_260], %broadcast_in_dim3A_3 {add = true} : memref<1000x128xf32, #tpu.memory_space<vmem>>[vector<16xi32>, vector<16xi32>], vector<16xf32>,
    %broadcast_in_dim3A_288 = arith.constant 9 : i32
    %broadcast_in_dim3A_289 = vector.broadcast %broadcast_in_dim3A_288 : i32 to vector<16xi32>
    %gather3A_290 = tpu.vector_load_idx %arg6[%broadcast_in_dim3A_289, %add3A_260] : memref<16x128xi32, #tpu.memory_space<vmem>>[vector<16xi32>, vector<16xi32>], vector<16xi32>,
    tpu.vector_store_idx %arg7[%gather3A_290, %add3A_260], %broadcast_in_dim3A_3 {add = true} : memref<1000x128xf32, #tpu.memory_space<vmem>>[vector<16xi32>, vector<16xi32>], vector<16xf32>,
    %broadcast_in_dim3A_291 = arith.constant 10 : i32
    %broadcast_in_dim3A_292 = vector.broadcast %broadcast_in_dim3A_291 : i32 to vector<16xi32>
    %gather3A_293 = tpu.vector_load_idx %arg6[%broadcast_in_dim3A_292, %add3A_260] : memref<16x128xi32, #tpu.memory_space<vmem>>[vector<16xi32>, vector<16xi32>], vector<16xi32>,
    tpu.vector_store_idx %arg7[%gather3A_293, %add3A_260], %broadcast_in_dim3A_3 {add = true} : memref<1000x128xf32, #tpu.memory_space<vmem>>[vector<16xi32>, vector<16xi32>], vector<16xf32>,
    %broadcast_in_dim3A_294 = arith.constant 11 : i32
    %broadcast_in_dim3A_295 = vector.broadcast %broadcast_in_dim3A_294 : i32 to vector<16xi32>
    %gather3A_296 = tpu.vector_load_idx %arg6[%broadcast_in_dim3A_295, %add3A_260] : memref<16x128xi32, #tpu.memory_space<vmem>>[vector<16xi32>, vector<16xi32>], vector<16xi32>,
    tpu.vector_store_idx %arg7[%gather3A_296, %add3A_260], %broadcast_in_dim3A_3 {add = true} : memref<1000x128xf32, #tpu.memory_space<vmem>>[vector<16xi32>, vector<16xi32>], vector<16xf32>,
    %broadcast_in_dim3A_297 = arith.constant 12 : i32
    %broadcast_in_dim3A_298 = vector.broadcast %broadcast_in_dim3A_297 : i32 to vector<16xi32>
    %gather3A_299 = tpu.vector_load_idx %arg6[%broadcast_in_dim3A_298, %add3A_260] : memref<16x128xi32, #tpu.memory_space<vmem>>[vector<16xi32>, vector<16xi32>], vector<16xi32>,
    tpu.vector_store_idx %arg7[%gather3A_299, %add3A_260], %broadcast_in_dim3A_3 {add = true} : memref<1000x128xf32, #tpu.memory_space<vmem>>[vector<16xi32>, vector<16xi32>], vector<16xf32>,
    %broadcast_in_dim3A_300 = arith.constant 13 : i32
    %broadcast_in_dim3A_301 = vector.broadcast %broadcast_in_dim3A_300 : i32 to vector<16xi32>
    %gather3A_302 = tpu.vector_load_idx %arg6[%broadcast_in_dim3A_301, %add3A_260] : memref<16x128xi32, #tpu.memory_space<vmem>>[vector<16xi32>, vector<16xi32>], vector<16xi32>,
    tpu.vector_store_idx %arg7[%gather3A_302, %add3A_260], %broadcast_in_dim3A_3 {add = true} : memref<1000x128xf32, #tpu.memory_space<vmem>>[vector<16xi32>, vector<16xi32>], vector<16xf32>,
    %broadcast_in_dim3A_303 = arith.constant 14 : i32
    %broadcast_in_dim3A_304 = vector.broadcast %broadcast_in_dim3A_303 : i32 to vector<16xi32>
    %gather3A_305 = tpu.vector_load_idx %arg6[%broadcast_in_dim3A_304, %add3A_260] : memref<16x128xi32, #tpu.memory_space<vmem>>[vector<16xi32>, vector<16xi32>], vector<16xi32>,
    tpu.vector_store_idx %arg7[%gather3A_305, %add3A_260], %broadcast_in_dim3A_3 {add = true} : memref<1000x128xf32, #tpu.memory_space<vmem>>[vector<16xi32>, vector<16xi32>], vector<16xf32>,
    %broadcast_in_dim3A_306 = arith.constant 15 : i32
    %broadcast_in_dim3A_307 = vector.broadcast %broadcast_in_dim3A_306 : i32 to vector<16xi32>
    %gather3A_308 = tpu.vector_load_idx %arg6[%broadcast_in_dim3A_307, %add3A_260] : memref<16x128xi32, #tpu.memory_space<vmem>>[vector<16xi32>, vector<16xi32>], vector<16xi32>,
    tpu.vector_store_idx %arg7[%gather3A_308, %add3A_260], %broadcast_in_dim3A_3 {add = true} : memref<1000x128xf32, #tpu.memory_space<vmem>>[vector<16xi32>, vector<16xi32>], vector<16xf32>,
    %add3A_309 = arith.constant 80 : i32
    %add3A_310 = vector.broadcast %add3A_309 : i32 to vector<16xi32>
    %add3A_311 = arith.addi %iota3A, %add3A_310 : vector<16xi32>
    %broadcast_in_dim3A_312 = arith.constant 0 : i32
    %broadcast_in_dim3A_313 = vector.broadcast %broadcast_in_dim3A_312 : i32 to vector<16xi32>
    %gather3A_314 = tpu.vector_load_idx %arg6[%broadcast_in_dim3A_313, %add3A_311] : memref<16x128xi32, #tpu.memory_space<vmem>>[vector<16xi32>, vector<16xi32>], vector<16xi32>,
    tpu.vector_store_idx %arg7[%gather3A_314, %add3A_311], %broadcast_in_dim3A_3 {add = true} : memref<1000x128xf32, #tpu.memory_space<vmem>>[vector<16xi32>, vector<16xi32>], vector<16xf32>,
    %broadcast_in_dim3A_315 = arith.constant 1 : i32
    %broadcast_in_dim3A_316 = vector.broadcast %broadcast_in_dim3A_315 : i32 to vector<16xi32>
    %gather3A_317 = tpu.vector_load_idx %arg6[%broadcast_in_dim3A_316, %add3A_311] : memref<16x128xi32, #tpu.memory_space<vmem>>[vector<16xi32>, vector<16xi32>], vector<16xi32>,
    tpu.vector_store_idx %arg7[%gather3A_317, %add3A_311], %broadcast_in_dim3A_3 {add = true} : memref<1000x128xf32, #tpu.memory_space<vmem>>[vector<16xi32>, vector<16xi32>], vector<16xf32>,
    %broadcast_in_dim3A_318 = arith.constant 2 : i32
    %broadcast_in_dim3A_319 = vector.broadcast %broadcast_in_dim3A_318 : i32 to vector<16xi32>
    %gather3A_320 = tpu.vector_load_idx %arg6[%broadcast_in_dim3A_319, %add3A_311] : memref<16x128xi32, #tpu.memory_space<vmem>>[vector<16xi32>, vector<16xi32>], vector<16xi32>,
    tpu.vector_store_idx %arg7[%gather3A_320, %add3A_311], %broadcast_in_dim3A_3 {add = true} : memref<1000x128xf32, #tpu.memory_space<vmem>>[vector<16xi32>, vector<16xi32>], vector<16xf32>,
    %broadcast_in_dim3A_321 = arith.constant 3 : i32
    %broadcast_in_dim3A_322 = vector.broadcast %broadcast_in_dim3A_321 : i32 to vector<16xi32>
    %gather3A_323 = tpu.vector_load_idx %arg6[%broadcast_in_dim3A_322, %add3A_311] : memref<16x128xi32, #tpu.memory_space<vmem>>[vector<16xi32>, vector<16xi32>], vector<16xi32>,
    tpu.vector_store_idx %arg7[%gather3A_323, %add3A_311], %broadcast_in_dim3A_3 {add = true} : memref<1000x128xf32, #tpu.memory_space<vmem>>[vector<16xi32>, vector<16xi32>], vector<16xf32>,
    %broadcast_in_dim3A_324 = arith.constant 4 : i32
    %broadcast_in_dim3A_325 = vector.broadcast %broadcast_in_dim3A_324 : i32 to vector<16xi32>
    %gather3A_326 = tpu.vector_load_idx %arg6[%broadcast_in_dim3A_325, %add3A_311] : memref<16x128xi32, #tpu.memory_space<vmem>>[vector<16xi32>, vector<16xi32>], vector<16xi32>,
    tpu.vector_store_idx %arg7[%gather3A_326, %add3A_311], %broadcast_in_dim3A_3 {add = true} : memref<1000x128xf32, #tpu.memory_space<vmem>>[vector<16xi32>, vector<16xi32>], vector<16xf32>,
    %broadcast_in_dim3A_327 = arith.constant 5 : i32
    %broadcast_in_dim3A_328 = vector.broadcast %broadcast_in_dim3A_327 : i32 to vector<16xi32>
    %gather3A_329 = tpu.vector_load_idx %arg6[%broadcast_in_dim3A_328, %add3A_311] : memref<16x128xi32, #tpu.memory_space<vmem>>[vector<16xi32>, vector<16xi32>], vector<16xi32>,
    tpu.vector_store_idx %arg7[%gather3A_329, %add3A_311], %broadcast_in_dim3A_3 {add = true} : memref<1000x128xf32, #tpu.memory_space<vmem>>[vector<16xi32>, vector<16xi32>], vector<16xf32>,
    %broadcast_in_dim3A_330 = arith.constant 6 : i32
    %broadcast_in_dim3A_331 = vector.broadcast %broadcast_in_dim3A_330 : i32 to vector<16xi32>
    %gather3A_332 = tpu.vector_load_idx %arg6[%broadcast_in_dim3A_331, %add3A_311] : memref<16x128xi32, #tpu.memory_space<vmem>>[vector<16xi32>, vector<16xi32>], vector<16xi32>,
    tpu.vector_store_idx %arg7[%gather3A_332, %add3A_311], %broadcast_in_dim3A_3 {add = true} : memref<1000x128xf32, #tpu.memory_space<vmem>>[vector<16xi32>, vector<16xi32>], vector<16xf32>,
    %broadcast_in_dim3A_333 = arith.constant 7 : i32
    %broadcast_in_dim3A_334 = vector.broadcast %broadcast_in_dim3A_333 : i32 to vector<16xi32>
    %gather3A_335 = tpu.vector_load_idx %arg6[%broadcast_in_dim3A_334, %add3A_311] : memref<16x128xi32, #tpu.memory_space<vmem>>[vector<16xi32>, vector<16xi32>], vector<16xi32>,
    tpu.vector_store_idx %arg7[%gather3A_335, %add3A_311], %broadcast_in_dim3A_3 {add = true} : memref<1000x128xf32, #tpu.memory_space<vmem>>[vector<16xi32>, vector<16xi32>], vector<16xf32>,
    %broadcast_in_dim3A_336 = arith.constant 8 : i32
    %broadcast_in_dim3A_337 = vector.broadcast %broadcast_in_dim3A_336 : i32 to vector<16xi32>
    %gather3A_338 = tpu.vector_load_idx %arg6[%broadcast_in_dim3A_337, %add3A_311] : memref<16x128xi32, #tpu.memory_space<vmem>>[vector<16xi32>, vector<16xi32>], vector<16xi32>,
    tpu.vector_store_idx %arg7[%gather3A_338, %add3A_311], %broadcast_in_dim3A_3 {add = true} : memref<1000x128xf32, #tpu.memory_space<vmem>>[vector<16xi32>, vector<16xi32>], vector<16xf32>,
    %broadcast_in_dim3A_339 = arith.constant 9 : i32
    %broadcast_in_dim3A_340 = vector.broadcast %broadcast_in_dim3A_339 : i32 to vector<16xi32>
    %gather3A_341 = tpu.vector_load_idx %arg6[%broadcast_in_dim3A_340, %add3A_311] : memref<16x128xi32, #tpu.memory_space<vmem>>[vector<16xi32>, vector<16xi32>], vector<16xi32>,
    tpu.vector_store_idx %arg7[%gather3A_341, %add3A_311], %broadcast_in_dim3A_3 {add = true} : memref<1000x128xf32, #tpu.memory_space<vmem>>[vector<16xi32>, vector<16xi32>], vector<16xf32>,
    %broadcast_in_dim3A_342 = arith.constant 10 : i32
    %broadcast_in_dim3A_343 = vector.broadcast %broadcast_in_dim3A_342 : i32 to vector<16xi32>
    %gather3A_344 = tpu.vector_load_idx %arg6[%broadcast_in_dim3A_343, %add3A_311] : memref<16x128xi32, #tpu.memory_space<vmem>>[vector<16xi32>, vector<16xi32>], vector<16xi32>,
    tpu.vector_store_idx %arg7[%gather3A_344, %add3A_311], %broadcast_in_dim3A_3 {add = true} : memref<1000x128xf32, #tpu.memory_space<vmem>>[vector<16xi32>, vector<16xi32>], vector<16xf32>,
    %broadcast_in_dim3A_345 = arith.constant 11 : i32
    %broadcast_in_dim3A_346 = vector.broadcast %broadcast_in_dim3A_345 : i32 to vector<16xi32>
    %gather3A_347 = tpu.vector_load_idx %arg6[%broadcast_in_dim3A_346, %add3A_311] : memref<16x128xi32, #tpu.memory_space<vmem>>[vector<16xi32>, vector<16xi32>], vector<16xi32>,
    tpu.vector_store_idx %arg7[%gather3A_347, %add3A_311], %broadcast_in_dim3A_3 {add = true} : memref<1000x128xf32, #tpu.memory_space<vmem>>[vector<16xi32>, vector<16xi32>], vector<16xf32>,
    %broadcast_in_dim3A_348 = arith.constant 12 : i32
    %broadcast_in_dim3A_349 = vector.broadcast %broadcast_in_dim3A_348 : i32 to vector<16xi32>
    %gather3A_350 = tpu.vector_load_idx %arg6[%broadcast_in_dim3A_349, %add3A_311] : memref<16x128xi32, #tpu.memory_space<vmem>>[vector<16xi32>, vector<16xi32>], vector<16xi32>,
    tpu.vector_store_idx %arg7[%gather3A_350, %add3A_311], %broadcast_in_dim3A_3 {add = true} : memref<1000x128xf32, #tpu.memory_space<vmem>>[vector<16xi32>, vector<16xi32>], vector<16xf32>,
    %broadcast_in_dim3A_351 = arith.constant 13 : i32
    %broadcast_in_dim3A_352 = vector.broadcast %broadcast_in_dim3A_351 : i32 to vector<16xi32>
    %gather3A_353 = tpu.vector_load_idx %arg6[%broadcast_in_dim3A_352, %add3A_311] : memref<16x128xi32, #tpu.memory_space<vmem>>[vector<16xi32>, vector<16xi32>], vector<16xi32>,
    tpu.vector_store_idx %arg7[%gather3A_353, %add3A_311], %broadcast_in_dim3A_3 {add = true} : memref<1000x128xf32, #tpu.memory_space<vmem>>[vector<16xi32>, vector<16xi32>], vector<16xf32>,
    %broadcast_in_dim3A_354 = arith.constant 14 : i32
    %broadcast_in_dim3A_355 = vector.broadcast %broadcast_in_dim3A_354 : i32 to vector<16xi32>
    %gather3A_356 = tpu.vector_load_idx %arg6[%broadcast_in_dim3A_355, %add3A_311] : memref<16x128xi32, #tpu.memory_space<vmem>>[vector<16xi32>, vector<16xi32>], vector<16xi32>,
    tpu.vector_store_idx %arg7[%gather3A_356, %add3A_311], %broadcast_in_dim3A_3 {add = true} : memref<1000x128xf32, #tpu.memory_space<vmem>>[vector<16xi32>, vector<16xi32>], vector<16xf32>,
    %broadcast_in_dim3A_357 = arith.constant 15 : i32
    %broadcast_in_dim3A_358 = vector.broadcast %broadcast_in_dim3A_357 : i32 to vector<16xi32>
    %gather3A_359 = tpu.vector_load_idx %arg6[%broadcast_in_dim3A_358, %add3A_311] : memref<16x128xi32, #tpu.memory_space<vmem>>[vector<16xi32>, vector<16xi32>], vector<16xi32>,
    tpu.vector_store_idx %arg7[%gather3A_359, %add3A_311], %broadcast_in_dim3A_3 {add = true} : memref<1000x128xf32, #tpu.memory_space<vmem>>[vector<16xi32>, vector<16xi32>], vector<16xf32>,
    %add3A_360 = arith.constant 96 : i32
    %add3A_361 = vector.broadcast %add3A_360 : i32 to vector<16xi32>
    %add3A_362 = arith.addi %iota3A, %add3A_361 : vector<16xi32>
    %broadcast_in_dim3A_363 = arith.constant 0 : i32
    %broadcast_in_dim3A_364 = vector.broadcast %broadcast_in_dim3A_363 : i32 to vector<16xi32>
    %gather3A_365 = tpu.vector_load_idx %arg6[%broadcast_in_dim3A_364, %add3A_362] : memref<16x128xi32, #tpu.memory_space<vmem>>[vector<16xi32>, vector<16xi32>], vector<16xi32>,
    tpu.vector_store_idx %arg7[%gather3A_365, %add3A_362], %broadcast_in_dim3A_3 {add = true} : memref<1000x128xf32, #tpu.memory_space<vmem>>[vector<16xi32>, vector<16xi32>], vector<16xf32>,
    %broadcast_in_dim3A_366 = arith.constant 1 : i32
    %broadcast_in_dim3A_367 = vector.broadcast %broadcast_in_dim3A_366 : i32 to vector<16xi32>
    %gather3A_368 = tpu.vector_load_idx %arg6[%broadcast_in_dim3A_367, %add3A_362] : memref<16x128xi32, #tpu.memory_space<vmem>>[vector<16xi32>, vector<16xi32>], vector<16xi32>,
    tpu.vector_store_idx %arg7[%gather3A_368, %add3A_362], %broadcast_in_dim3A_3 {add = true} : memref<1000x128xf32, #tpu.memory_space<vmem>>[vector<16xi32>, vector<16xi32>], vector<16xf32>,
    %broadcast_in_dim3A_369 = arith.constant 2 : i32
    %broadcast_in_dim3A_370 = vector.broadcast %broadcast_in_dim3A_369 : i32 to vector<16xi32>
    %gather3A_371 = tpu.vector_load_idx %arg6[%broadcast_in_dim3A_370, %add3A_362] : memref<16x128xi32, #tpu.memory_space<vmem>>[vector<16xi32>, vector<16xi32>], vector<16xi32>,
    tpu.vector_store_idx %arg7[%gather3A_371, %add3A_362], %broadcast_in_dim3A_3 {add = true} : memref<1000x128xf32, #tpu.memory_space<vmem>>[vector<16xi32>, vector<16xi32>], vector<16xf32>,
    %broadcast_in_dim3A_372 = arith.constant 3 : i32
    %broadcast_in_dim3A_373 = vector.broadcast %broadcast_in_dim3A_372 : i32 to vector<16xi32>
    %gather3A_374 = tpu.vector_load_idx %arg6[%broadcast_in_dim3A_373, %add3A_362] : memref<16x128xi32, #tpu.memory_space<vmem>>[vector<16xi32>, vector<16xi32>], vector<16xi32>,
    tpu.vector_store_idx %arg7[%gather3A_374, %add3A_362], %broadcast_in_dim3A_3 {add = true} : memref<1000x128xf32, #tpu.memory_space<vmem>>[vector<16xi32>, vector<16xi32>], vector<16xf32>,
    %broadcast_in_dim3A_375 = arith.constant 4 : i32
    %broadcast_in_dim3A_376 = vector.broadcast %broadcast_in_dim3A_375 : i32 to vector<16xi32>
    %gather3A_377 = tpu.vector_load_idx %arg6[%broadcast_in_dim3A_376, %add3A_362] : memref<16x128xi32, #tpu.memory_space<vmem>>[vector<16xi32>, vector<16xi32>], vector<16xi32>,
    tpu.vector_store_idx %arg7[%gather3A_377, %add3A_362], %broadcast_in_dim3A_3 {add = true} : memref<1000x128xf32, #tpu.memory_space<vmem>>[vector<16xi32>, vector<16xi32>], vector<16xf32>,
    %broadcast_in_dim3A_378 = arith.constant 5 : i32
    %broadcast_in_dim3A_379 = vector.broadcast %broadcast_in_dim3A_378 : i32 to vector<16xi32>
    %gather3A_380 = tpu.vector_load_idx %arg6[%broadcast_in_dim3A_379, %add3A_362] : memref<16x128xi32, #tpu.memory_space<vmem>>[vector<16xi32>, vector<16xi32>], vector<16xi32>,
    tpu.vector_store_idx %arg7[%gather3A_380, %add3A_362], %broadcast_in_dim3A_3 {add = true} : memref<1000x128xf32, #tpu.memory_space<vmem>>[vector<16xi32>, vector<16xi32>], vector<16xf32>,
    %broadcast_in_dim3A_381 = arith.constant 6 : i32
    %broadcast_in_dim3A_382 = vector.broadcast %broadcast_in_dim3A_381 : i32 to vector<16xi32>
    %gather3A_383 = tpu.vector_load_idx %arg6[%broadcast_in_dim3A_382, %add3A_362] : memref<16x128xi32, #tpu.memory_space<vmem>>[vector<16xi32>, vector<16xi32>], vector<16xi32>,
    tpu.vector_store_idx %arg7[%gather3A_383, %add3A_362], %broadcast_in_dim3A_3 {add = true} : memref<1000x128xf32, #tpu.memory_space<vmem>>[vector<16xi32>, vector<16xi32>], vector<16xf32>,
    %broadcast_in_dim3A_384 = arith.constant 7 : i32
    %broadcast_in_dim3A_385 = vector.broadcast %broadcast_in_dim3A_384 : i32 to vector<16xi32>
    %gather3A_386 = tpu.vector_load_idx %arg6[%broadcast_in_dim3A_385, %add3A_362] : memref<16x128xi32, #tpu.memory_space<vmem>>[vector<16xi32>, vector<16xi32>], vector<16xi32>,
    tpu.vector_store_idx %arg7[%gather3A_386, %add3A_362], %broadcast_in_dim3A_3 {add = true} : memref<1000x128xf32, #tpu.memory_space<vmem>>[vector<16xi32>, vector<16xi32>], vector<16xf32>,
    %broadcast_in_dim3A_387 = arith.constant 8 : i32
    %broadcast_in_dim3A_388 = vector.broadcast %broadcast_in_dim3A_387 : i32 to vector<16xi32>
    %gather3A_389 = tpu.vector_load_idx %arg6[%broadcast_in_dim3A_388, %add3A_362] : memref<16x128xi32, #tpu.memory_space<vmem>>[vector<16xi32>, vector<16xi32>], vector<16xi32>,
    tpu.vector_store_idx %arg7[%gather3A_389, %add3A_362], %broadcast_in_dim3A_3 {add = true} : memref<1000x128xf32, #tpu.memory_space<vmem>>[vector<16xi32>, vector<16xi32>], vector<16xf32>,
    %broadcast_in_dim3A_390 = arith.constant 9 : i32
    %broadcast_in_dim3A_391 = vector.broadcast %broadcast_in_dim3A_390 : i32 to vector<16xi32>
    %gather3A_392 = tpu.vector_load_idx %arg6[%broadcast_in_dim3A_391, %add3A_362] : memref<16x128xi32, #tpu.memory_space<vmem>>[vector<16xi32>, vector<16xi32>], vector<16xi32>,
    tpu.vector_store_idx %arg7[%gather3A_392, %add3A_362], %broadcast_in_dim3A_3 {add = true} : memref<1000x128xf32, #tpu.memory_space<vmem>>[vector<16xi32>, vector<16xi32>], vector<16xf32>,
    %broadcast_in_dim3A_393 = arith.constant 10 : i32
    %broadcast_in_dim3A_394 = vector.broadcast %broadcast_in_dim3A_393 : i32 to vector<16xi32>
    %gather3A_395 = tpu.vector_load_idx %arg6[%broadcast_in_dim3A_394, %add3A_362] : memref<16x128xi32, #tpu.memory_space<vmem>>[vector<16xi32>, vector<16xi32>], vector<16xi32>,
    tpu.vector_store_idx %arg7[%gather3A_395, %add3A_362], %broadcast_in_dim3A_3 {add = true} : memref<1000x128xf32, #tpu.memory_space<vmem>>[vector<16xi32>, vector<16xi32>], vector<16xf32>,
    %broadcast_in_dim3A_396 = arith.constant 11 : i32
    %broadcast_in_dim3A_397 = vector.broadcast %broadcast_in_dim3A_396 : i32 to vector<16xi32>
    %gather3A_398 = tpu.vector_load_idx %arg6[%broadcast_in_dim3A_397, %add3A_362] : memref<16x128xi32, #tpu.memory_space<vmem>>[vector<16xi32>, vector<16xi32>], vector<16xi32>,
    tpu.vector_store_idx %arg7[%gather3A_398, %add3A_362], %broadcast_in_dim3A_3 {add = true} : memref<1000x128xf32, #tpu.memory_space<vmem>>[vector<16xi32>, vector<16xi32>], vector<16xf32>,
    %broadcast_in_dim3A_399 = arith.constant 12 : i32
    %broadcast_in_dim3A_400 = vector.broadcast %broadcast_in_dim3A_399 : i32 to vector<16xi32>
    %gather3A_401 = tpu.vector_load_idx %arg6[%broadcast_in_dim3A_400, %add3A_362] : memref<16x128xi32, #tpu.memory_space<vmem>>[vector<16xi32>, vector<16xi32>], vector<16xi32>,
    tpu.vector_store_idx %arg7[%gather3A_401, %add3A_362], %broadcast_in_dim3A_3 {add = true} : memref<1000x128xf32, #tpu.memory_space<vmem>>[vector<16xi32>, vector<16xi32>], vector<16xf32>,
    %broadcast_in_dim3A_402 = arith.constant 13 : i32
    %broadcast_in_dim3A_403 = vector.broadcast %broadcast_in_dim3A_402 : i32 to vector<16xi32>
    %gather3A_404 = tpu.vector_load_idx %arg6[%broadcast_in_dim3A_403, %add3A_362] : memref<16x128xi32, #tpu.memory_space<vmem>>[vector<16xi32>, vector<16xi32>], vector<16xi32>,
    tpu.vector_store_idx %arg7[%gather3A_404, %add3A_362], %broadcast_in_dim3A_3 {add = true} : memref<1000x128xf32, #tpu.memory_space<vmem>>[vector<16xi32>, vector<16xi32>], vector<16xf32>,
    %broadcast_in_dim3A_405 = arith.constant 14 : i32
    %broadcast_in_dim3A_406 = vector.broadcast %broadcast_in_dim3A_405 : i32 to vector<16xi32>
    %gather3A_407 = tpu.vector_load_idx %arg6[%broadcast_in_dim3A_406, %add3A_362] : memref<16x128xi32, #tpu.memory_space<vmem>>[vector<16xi32>, vector<16xi32>], vector<16xi32>,
    tpu.vector_store_idx %arg7[%gather3A_407, %add3A_362], %broadcast_in_dim3A_3 {add = true} : memref<1000x128xf32, #tpu.memory_space<vmem>>[vector<16xi32>, vector<16xi32>], vector<16xf32>,
    %broadcast_in_dim3A_408 = arith.constant 15 : i32
    %broadcast_in_dim3A_409 = vector.broadcast %broadcast_in_dim3A_408 : i32 to vector<16xi32>
    %gather3A_410 = tpu.vector_load_idx %arg6[%broadcast_in_dim3A_409, %add3A_362] : memref<16x128xi32, #tpu.memory_space<vmem>>[vector<16xi32>, vector<16xi32>], vector<16xi32>,
    tpu.vector_store_idx %arg7[%gather3A_410, %add3A_362], %broadcast_in_dim3A_3 {add = true} : memref<1000x128xf32, #tpu.memory_space<vmem>>[vector<16xi32>, vector<16xi32>], vector<16xf32>,
    %add3A_411 = arith.constant 112 : i32
    %add3A_412 = vector.broadcast %add3A_411 : i32 to vector<16xi32>
    %add3A_413 = arith.addi %iota3A, %add3A_412 : vector<16xi32>
    %broadcast_in_dim3A_414 = arith.constant 0 : i32
    %broadcast_in_dim3A_415 = vector.broadcast %broadcast_in_dim3A_414 : i32 to vector<16xi32>
    %gather3A_416 = tpu.vector_load_idx %arg6[%broadcast_in_dim3A_415, %add3A_413] : memref<16x128xi32, #tpu.memory_space<vmem>>[vector<16xi32>, vector<16xi32>], vector<16xi32>,
    tpu.vector_store_idx %arg7[%gather3A_416, %add3A_413], %broadcast_in_dim3A_3 {add = true} : memref<1000x128xf32, #tpu.memory_space<vmem>>[vector<16xi32>, vector<16xi32>], vector<16xf32>,
    %broadcast_in_dim3A_417 = arith.constant 1 : i32
    %broadcast_in_dim3A_418 = vector.broadcast %broadcast_in_dim3A_417 : i32 to vector<16xi32>
    %gather3A_419 = tpu.vector_load_idx %arg6[%broadcast_in_dim3A_418, %add3A_413] : memref<16x128xi32, #tpu.memory_space<vmem>>[vector<16xi32>, vector<16xi32>], vector<16xi32>,
    tpu.vector_store_idx %arg7[%gather3A_419, %add3A_413], %broadcast_in_dim3A_3 {add = true} : memref<1000x128xf32, #tpu.memory_space<vmem>>[vector<16xi32>, vector<16xi32>], vector<16xf32>,
    %broadcast_in_dim3A_420 = arith.constant 2 : i32
    %broadcast_in_dim3A_421 = vector.broadcast %broadcast_in_dim3A_420 : i32 to vector<16xi32>
    %gather3A_422 = tpu.vector_load_idx %arg6[%broadcast_in_dim3A_421, %add3A_413] : memref<16x128xi32, #tpu.memory_space<vmem>>[vector<16xi32>, vector<16xi32>], vector<16xi32>,
    tpu.vector_store_idx %arg7[%gather3A_422, %add3A_413], %broadcast_in_dim3A_3 {add = true} : memref<1000x128xf32, #tpu.memory_space<vmem>>[vector<16xi32>, vector<16xi32>], vector<16xf32>,
    %broadcast_in_dim3A_423 = arith.constant 3 : i32
    %broadcast_in_dim3A_424 = vector.broadcast %broadcast_in_dim3A_423 : i32 to vector<16xi32>
    %gather3A_425 = tpu.vector_load_idx %arg6[%broadcast_in_dim3A_424, %add3A_413] : memref<16x128xi32, #tpu.memory_space<vmem>>[vector<16xi32>, vector<16xi32>], vector<16xi32>,
    tpu.vector_store_idx %arg7[%gather3A_425, %add3A_413], %broadcast_in_dim3A_3 {add = true} : memref<1000x128xf32, #tpu.memory_space<vmem>>[vector<16xi32>, vector<16xi32>], vector<16xf32>,
    %broadcast_in_dim3A_426 = arith.constant 4 : i32
    %broadcast_in_dim3A_427 = vector.broadcast %broadcast_in_dim3A_426 : i32 to vector<16xi32>
    %gather3A_428 = tpu.vector_load_idx %arg6[%broadcast_in_dim3A_427, %add3A_413] : memref<16x128xi32, #tpu.memory_space<vmem>>[vector<16xi32>, vector<16xi32>], vector<16xi32>,
    tpu.vector_store_idx %arg7[%gather3A_428, %add3A_413], %broadcast_in_dim3A_3 {add = true} : memref<1000x128xf32, #tpu.memory_space<vmem>>[vector<16xi32>, vector<16xi32>], vector<16xf32>,
    %broadcast_in_dim3A_429 = arith.constant 5 : i32
    %broadcast_in_dim3A_430 = vector.broadcast %broadcast_in_dim3A_429 : i32 to vector<16xi32>
    %gather3A_431 = tpu.vector_load_idx %arg6[%broadcast_in_dim3A_430, %add3A_413] : memref<16x128xi32, #tpu.memory_space<vmem>>[vector<16xi32>, vector<16xi32>], vector<16xi32>,
    tpu.vector_store_idx %arg7[%gather3A_431, %add3A_413], %broadcast_in_dim3A_3 {add = true} : memref<1000x128xf32, #tpu.memory_space<vmem>>[vector<16xi32>, vector<16xi32>], vector<16xf32>,
    %broadcast_in_dim3A_432 = arith.constant 6 : i32
    %broadcast_in_dim3A_433 = vector.broadcast %broadcast_in_dim3A_432 : i32 to vector<16xi32>
    %gather3A_434 = tpu.vector_load_idx %arg6[%broadcast_in_dim3A_433, %add3A_413] : memref<16x128xi32, #tpu.memory_space<vmem>>[vector<16xi32>, vector<16xi32>], vector<16xi32>,
    tpu.vector_store_idx %arg7[%gather3A_434, %add3A_413], %broadcast_in_dim3A_3 {add = true} : memref<1000x128xf32, #tpu.memory_space<vmem>>[vector<16xi32>, vector<16xi32>], vector<16xf32>,
    %broadcast_in_dim3A_435 = arith.constant 7 : i32
    %broadcast_in_dim3A_436 = vector.broadcast %broadcast_in_dim3A_435 : i32 to vector<16xi32>
    %gather3A_437 = tpu.vector_load_idx %arg6[%broadcast_in_dim3A_436, %add3A_413] : memref<16x128xi32, #tpu.memory_space<vmem>>[vector<16xi32>, vector<16xi32>], vector<16xi32>,
    tpu.vector_store_idx %arg7[%gather3A_437, %add3A_413], %broadcast_in_dim3A_3 {add = true} : memref<1000x128xf32, #tpu.memory_space<vmem>>[vector<16xi32>, vector<16xi32>], vector<16xf32>,
    %broadcast_in_dim3A_438 = arith.constant 8 : i32
    %broadcast_in_dim3A_439 = vector.broadcast %broadcast_in_dim3A_438 : i32 to vector<16xi32>
    %gather3A_440 = tpu.vector_load_idx %arg6[%broadcast_in_dim3A_439, %add3A_413] : memref<16x128xi32, #tpu.memory_space<vmem>>[vector<16xi32>, vector<16xi32>], vector<16xi32>,
    tpu.vector_store_idx %arg7[%gather3A_440, %add3A_413], %broadcast_in_dim3A_3 {add = true} : memref<1000x128xf32, #tpu.memory_space<vmem>>[vector<16xi32>, vector<16xi32>], vector<16xf32>,
    %broadcast_in_dim3A_441 = arith.constant 9 : i32
    %broadcast_in_dim3A_442 = vector.broadcast %broadcast_in_dim3A_441 : i32 to vector<16xi32>
    %gather3A_443 = tpu.vector_load_idx %arg6[%broadcast_in_dim3A_442, %add3A_413] : memref<16x128xi32, #tpu.memory_space<vmem>>[vector<16xi32>, vector<16xi32>], vector<16xi32>,
    tpu.vector_store_idx %arg7[%gather3A_443, %add3A_413], %broadcast_in_dim3A_3 {add = true} : memref<1000x128xf32, #tpu.memory_space<vmem>>[vector<16xi32>, vector<16xi32>], vector<16xf32>,
    %broadcast_in_dim3A_444 = arith.constant 10 : i32
    %broadcast_in_dim3A_445 = vector.broadcast %broadcast_in_dim3A_444 : i32 to vector<16xi32>
    %gather3A_446 = tpu.vector_load_idx %arg6[%broadcast_in_dim3A_445, %add3A_413] : memref<16x128xi32, #tpu.memory_space<vmem>>[vector<16xi32>, vector<16xi32>], vector<16xi32>,
    tpu.vector_store_idx %arg7[%gather3A_446, %add3A_413], %broadcast_in_dim3A_3 {add = true} : memref<1000x128xf32, #tpu.memory_space<vmem>>[vector<16xi32>, vector<16xi32>], vector<16xf32>,
    %broadcast_in_dim3A_447 = arith.constant 11 : i32
    %broadcast_in_dim3A_448 = vector.broadcast %broadcast_in_dim3A_447 : i32 to vector<16xi32>
    %gather3A_449 = tpu.vector_load_idx %arg6[%broadcast_in_dim3A_448, %add3A_413] : memref<16x128xi32, #tpu.memory_space<vmem>>[vector<16xi32>, vector<16xi32>], vector<16xi32>,
    tpu.vector_store_idx %arg7[%gather3A_449, %add3A_413], %broadcast_in_dim3A_3 {add = true} : memref<1000x128xf32, #tpu.memory_space<vmem>>[vector<16xi32>, vector<16xi32>], vector<16xf32>,
    %broadcast_in_dim3A_450 = arith.constant 12 : i32
    %broadcast_in_dim3A_451 = vector.broadcast %broadcast_in_dim3A_450 : i32 to vector<16xi32>
    %gather3A_452 = tpu.vector_load_idx %arg6[%broadcast_in_dim3A_451, %add3A_413] : memref<16x128xi32, #tpu.memory_space<vmem>>[vector<16xi32>, vector<16xi32>], vector<16xi32>,
    tpu.vector_store_idx %arg7[%gather3A_452, %add3A_413], %broadcast_in_dim3A_3 {add = true} : memref<1000x128xf32, #tpu.memory_space<vmem>>[vector<16xi32>, vector<16xi32>], vector<16xf32>,
    %broadcast_in_dim3A_453 = arith.constant 13 : i32
    %broadcast_in_dim3A_454 = vector.broadcast %broadcast_in_dim3A_453 : i32 to vector<16xi32>
    %gather3A_455 = tpu.vector_load_idx %arg6[%broadcast_in_dim3A_454, %add3A_413] : memref<16x128xi32, #tpu.memory_space<vmem>>[vector<16xi32>, vector<16xi32>], vector<16xi32>,
    tpu.vector_store_idx %arg7[%gather3A_455, %add3A_413], %broadcast_in_dim3A_3 {add = true} : memref<1000x128xf32, #tpu.memory_space<vmem>>[vector<16xi32>, vector<16xi32>], vector<16xf32>,
    %broadcast_in_dim3A_456 = arith.constant 14 : i32
    %broadcast_in_dim3A_457 = vector.broadcast %broadcast_in_dim3A_456 : i32 to vector<16xi32>
    %gather3A_458 = tpu.vector_load_idx %arg6[%broadcast_in_dim3A_457, %add3A_413] : memref<16x128xi32, #tpu.memory_space<vmem>>[vector<16xi32>, vector<16xi32>], vector<16xi32>,
    tpu.vector_store_idx %arg7[%gather3A_458, %add3A_413], %broadcast_in_dim3A_3 {add = true} : memref<1000x128xf32, #tpu.memory_space<vmem>>[vector<16xi32>, vector<16xi32>], vector<16xf32>,
    %broadcast_in_dim3A_459 = arith.constant 15 : i32
    %broadcast_in_dim3A_460 = vector.broadcast %broadcast_in_dim3A_459 : i32 to vector<16xi32>
    %gather3A_461 = tpu.vector_load_idx %arg6[%broadcast_in_dim3A_460, %add3A_413] : memref<16x128xi32, #tpu.memory_space<vmem>>[vector<16xi32>, vector<16xi32>], vector<16xi32>,
    tpu.vector_store_idx %arg7[%gather3A_461, %add3A_413], %broadcast_in_dim3A_3 {add = true} : memref<1000x128xf32, #tpu.memory_space<vmem>>[vector<16xi32>, vector<16xi32>], vector<16xf32>,
    "tpu.region"() ({
      %run_scoped3A = tpu.sem_alloc : memref<!tpu.dma_semaphore, #tpu.memory_space<semaphore_mem>>
      %dma_start3A_590 = arith.constant 0 : i32
      %dma_start3A_591 = arith.constant 0 : i32
      %dma_start3A_592 = tpu.memref_slice %arg6[%dma_start3A_590, %dma_start3A_591] : memref<16x128xi32, #tpu.memory_space<vmem>> -> memref<8x128xi32, #tpu.memory_space<vmem>>
      %dma_start3A_593 = arith.constant 0 : i32
      %dma_start3A_594 = tpu.memref_slice %arg3[%dma_start3A_593, %mul3A_2] : memref<8x4096xi32, #tpu.memory_space<hbm>> -> memref<8x128xi32, #tpu.memory_space<hbm>>
      %dma_start3A_595 = arith.constant 0 : i32
      %dma_start3A_596 = arith.constant 0 : i32
      %dma_start3A_597 = tpu.memref_slice %arg6[%dma_start3A_595, %dma_start3A_596] : memref<16x128xi32, #tpu.memory_space<vmem>> -> memref<8x128xi32, #tpu.memory_space<vmem>>
      %dma_start3A_598 = arith.constant 0 : i32
      %dma_start3A_599 = tpu.memref_slice %arg3[%dma_start3A_598, %mul3A_2] : memref<8x4096xi32, #tpu.memory_space<hbm>> -> memref<8x128xi32, #tpu.memory_space<hbm>>
      tpu.enqueue_dma source(%dma_start3A_599 : memref<8x128xi32, #tpu.memory_space<hbm>>) target(%dma_start3A_597 : memref<8x128xi32, #tpu.memory_space<vmem>>) target_semaphore(%run_scoped3A : memref<!tpu.dma_semaphore, #tpu.memory_space<semaphore_mem>>)
      %dma_wait3A_600 = arith.constant 0 : i32
      %dma_wait3A_601 = arith.constant 0 : i32
      %dma_wait3A_602 = tpu.memref_slice %arg6[%dma_wait3A_600, %dma_wait3A_601] : memref<16x128xi32, #tpu.memory_space<vmem>> -> memref<8x128xi32, #tpu.memory_space<vmem>>
      %dma_wait3A_603 = arith.constant 0 : i32
      %dma_wait3A_604 = tpu.memref_slice %arg3[%dma_wait3A_603, %mul3A_2] : memref<8x4096xi32, #tpu.memory_space<hbm>> -> memref<8x128xi32, #tpu.memory_space<hbm>>
      %dma_wait3A_605 = arith.constant 0 : i32
      %dma_wait3A_606 = arith.constant 0 : i32
      %dma_wait3A_607 = tpu.memref_slice %arg6[%dma_wait3A_605, %dma_wait3A_606] : memref<16x128xi32, #tpu.memory_space<vmem>> -> memref<8x128xi32, #tpu.memory_space<vmem>>
      %dma_wait3A_608 = arith.constant 0 : i32
      %dma_wait3A_609 = tpu.memref_slice %arg3[%dma_wait3A_608, %mul3A_2] : memref<8x4096xi32, #tpu.memory_space<hbm>> -> memref<8x128xi32, #tpu.memory_space<hbm>>
      tpu.wait_dma2 semaphore(%run_scoped3A : memref<!tpu.dma_semaphore, #tpu.memory_space<semaphore_mem>>) src(%dma_wait3A_609 : memref<8x128xi32, #tpu.memory_space<hbm>>) dst(%dma_wait3A_607 : memref<8x128xi32, #tpu.memory_space<vmem>>)
      tpu.yield
    }) : () -> ()
    %add3A_462 = arith.constant 0 : i32
    %add3A_463 = vector.broadcast %add3A_462 : i32 to vector<16xi32>
    %add3A_464 = arith.addi %iota3A, %add3A_463 : vector<16xi32>
    %broadcast_in_dim3A_465 = arith.constant 4 : i32
    %broadcast_in_dim3A_466 = vector.broadcast %broadcast_in_dim3A_465 : i32 to vector<16xi32>
    %gather3A_467 = tpu.vector_load_idx %arg6[%broadcast_in_dim3A_466, %add3A_464] : memref<16x128xi32, #tpu.memory_space<vmem>>[vector<16xi32>, vector<16xi32>], vector<16xi32>,
    tpu.vector_store_idx %arg7[%gather3A_467, %add3A_464], %broadcast_in_dim3A_3 {add = true} : memref<1000x128xf32, #tpu.memory_space<vmem>>[vector<16xi32>, vector<16xi32>], vector<16xf32>,
    %broadcast_in_dim3A_468 = arith.constant 5 : i32
    %broadcast_in_dim3A_469 = vector.broadcast %broadcast_in_dim3A_468 : i32 to vector<16xi32>
    %gather3A_470 = tpu.vector_load_idx %arg6[%broadcast_in_dim3A_469, %add3A_464] : memref<16x128xi32, #tpu.memory_space<vmem>>[vector<16xi32>, vector<16xi32>], vector<16xi32>,
    tpu.vector_store_idx %arg7[%gather3A_470, %add3A_464], %broadcast_in_dim3A_3 {add = true} : memref<1000x128xf32, #tpu.memory_space<vmem>>[vector<16xi32>, vector<16xi32>], vector<16xf32>,
    %broadcast_in_dim3A_471 = arith.constant 6 : i32
    %broadcast_in_dim3A_472 = vector.broadcast %broadcast_in_dim3A_471 : i32 to vector<16xi32>
    %gather3A_473 = tpu.vector_load_idx %arg6[%broadcast_in_dim3A_472, %add3A_464] : memref<16x128xi32, #tpu.memory_space<vmem>>[vector<16xi32>, vector<16xi32>], vector<16xi32>,
    tpu.vector_store_idx %arg7[%gather3A_473, %add3A_464], %broadcast_in_dim3A_3 {add = true} : memref<1000x128xf32, #tpu.memory_space<vmem>>[vector<16xi32>, vector<16xi32>], vector<16xf32>,
    %broadcast_in_dim3A_474 = arith.constant 7 : i32
    %broadcast_in_dim3A_475 = vector.broadcast %broadcast_in_dim3A_474 : i32 to vector<16xi32>
    %gather3A_476 = tpu.vector_load_idx %arg6[%broadcast_in_dim3A_475, %add3A_464] : memref<16x128xi32, #tpu.memory_space<vmem>>[vector<16xi32>, vector<16xi32>], vector<16xi32>,
    tpu.vector_store_idx %arg7[%gather3A_476, %add3A_464], %broadcast_in_dim3A_3 {add = true} : memref<1000x128xf32, #tpu.memory_space<vmem>>[vector<16xi32>, vector<16xi32>], vector<16xf32>,
    %add3A_477 = arith.constant 16 : i32
    %add3A_478 = vector.broadcast %add3A_477 : i32 to vector<16xi32>
    %add3A_479 = arith.addi %iota3A, %add3A_478 : vector<16xi32>
    %broadcast_in_dim3A_480 = arith.constant 4 : i32
    %broadcast_in_dim3A_481 = vector.broadcast %broadcast_in_dim3A_480 : i32 to vector<16xi32>
    %gather3A_482 = tpu.vector_load_idx %arg6[%broadcast_in_dim3A_481, %add3A_479] : memref<16x128xi32, #tpu.memory_space<vmem>>[vector<16xi32>, vector<16xi32>], vector<16xi32>,
    tpu.vector_store_idx %arg7[%gather3A_482, %add3A_479], %broadcast_in_dim3A_3 {add = true} : memref<1000x128xf32, #tpu.memory_space<vmem>>[vector<16xi32>, vector<16xi32>], vector<16xf32>,
    %broadcast_in_dim3A_483 = arith.constant 5 : i32
    %broadcast_in_dim3A_484 = vector.broadcast %broadcast_in_dim3A_483 : i32 to vector<16xi32>
    %gather3A_485 = tpu.vector_load_idx %arg6[%broadcast_in_dim3A_484, %add3A_479] : memref<16x128xi32, #tpu.memory_space<vmem>>[vector<16xi32>, vector<16xi32>], vector<16xi32>,
    tpu.vector_store_idx %arg7[%gather3A_485, %add3A_479], %broadcast_in_dim3A_3 {add = true} : memref<1000x128xf32, #tpu.memory_space<vmem>>[vector<16xi32>, vector<16xi32>], vector<16xf32>,
    %broadcast_in_dim3A_486 = arith.constant 6 : i32
    %broadcast_in_dim3A_487 = vector.broadcast %broadcast_in_dim3A_486 : i32 to vector<16xi32>
    %gather3A_488 = tpu.vector_load_idx %arg6[%broadcast_in_dim3A_487, %add3A_479] : memref<16x128xi32, #tpu.memory_space<vmem>>[vector<16xi32>, vector<16xi32>], vector<16xi32>,
    tpu.vector_store_idx %arg7[%gather3A_488, %add3A_479], %broadcast_in_dim3A_3 {add = true} : memref<1000x128xf32, #tpu.memory_space<vmem>>[vector<16xi32>, vector<16xi32>], vector<16xf32>,
    %broadcast_in_dim3A_489 = arith.constant 7 : i32
    %broadcast_in_dim3A_490 = vector.broadcast %broadcast_in_dim3A_489 : i32 to vector<16xi32>
    %gather3A_491 = tpu.vector_load_idx %arg6[%broadcast_in_dim3A_490, %add3A_479] : memref<16x128xi32, #tpu.memory_space<vmem>>[vector<16xi32>, vector<16xi32>], vector<16xi32>,
    tpu.vector_store_idx %arg7[%gather3A_491, %add3A_479], %broadcast_in_dim3A_3 {add = true} : memref<1000x128xf32, #tpu.memory_space<vmem>>[vector<16xi32>, vector<16xi32>], vector<16xf32>,
    %add3A_492 = arith.constant 32 : i32
    %add3A_493 = vector.broadcast %add3A_492 : i32 to vector<16xi32>
    %add3A_494 = arith.addi %iota3A, %add3A_493 : vector<16xi32>
    %broadcast_in_dim3A_495 = arith.constant 4 : i32
    %broadcast_in_dim3A_496 = vector.broadcast %broadcast_in_dim3A_495 : i32 to vector<16xi32>
    %gather3A_497 = tpu.vector_load_idx %arg6[%broadcast_in_dim3A_496, %add3A_494] : memref<16x128xi32, #tpu.memory_space<vmem>>[vector<16xi32>, vector<16xi32>], vector<16xi32>,
    tpu.vector_store_idx %arg7[%gather3A_497, %add3A_494], %broadcast_in_dim3A_3 {add = true} : memref<1000x128xf32, #tpu.memory_space<vmem>>[vector<16xi32>, vector<16xi32>], vector<16xf32>,
    %broadcast_in_dim3A_498 = arith.constant 5 : i32
    %broadcast_in_dim3A_499 = vector.broadcast %broadcast_in_dim3A_498 : i32 to vector<16xi32>
    %gather3A_500 = tpu.vector_load_idx %arg6[%broadcast_in_dim3A_499, %add3A_494] : memref<16x128xi32, #tpu.memory_space<vmem>>[vector<16xi32>, vector<16xi32>], vector<16xi32>,
    tpu.vector_store_idx %arg7[%gather3A_500, %add3A_494], %broadcast_in_dim3A_3 {add = true} : memref<1000x128xf32, #tpu.memory_space<vmem>>[vector<16xi32>, vector<16xi32>], vector<16xf32>,
    %broadcast_in_dim3A_501 = arith.constant 6 : i32
    %broadcast_in_dim3A_502 = vector.broadcast %broadcast_in_dim3A_501 : i32 to vector<16xi32>
    %gather3A_503 = tpu.vector_load_idx %arg6[%broadcast_in_dim3A_502, %add3A_494] : memref<16x128xi32, #tpu.memory_space<vmem>>[vector<16xi32>, vector<16xi32>], vector<16xi32>,
    tpu.vector_store_idx %arg7[%gather3A_503, %add3A_494], %broadcast_in_dim3A_3 {add = true} : memref<1000x128xf32, #tpu.memory_space<vmem>>[vector<16xi32>, vector<16xi32>], vector<16xf32>,
    %broadcast_in_dim3A_504 = arith.constant 7 : i32
    %broadcast_in_dim3A_505 = vector.broadcast %broadcast_in_dim3A_504 : i32 to vector<16xi32>
    %gather3A_506 = tpu.vector_load_idx %arg6[%broadcast_in_dim3A_505, %add3A_494] : memref<16x128xi32, #tpu.memory_space<vmem>>[vector<16xi32>, vector<16xi32>], vector<16xi32>,
    tpu.vector_store_idx %arg7[%gather3A_506, %add3A_494], %broadcast_in_dim3A_3 {add = true} : memref<1000x128xf32, #tpu.memory_space<vmem>>[vector<16xi32>, vector<16xi32>], vector<16xf32>,
    %add3A_507 = arith.constant 48 : i32
    %add3A_508 = vector.broadcast %add3A_507 : i32 to vector<16xi32>
    %add3A_509 = arith.addi %iota3A, %add3A_508 : vector<16xi32>
    %broadcast_in_dim3A_510 = arith.constant 4 : i32
    %broadcast_in_dim3A_511 = vector.broadcast %broadcast_in_dim3A_510 : i32 to vector<16xi32>
    %gather3A_512 = tpu.vector_load_idx %arg6[%broadcast_in_dim3A_511, %add3A_509] : memref<16x128xi32, #tpu.memory_space<vmem>>[vector<16xi32>, vector<16xi32>], vector<16xi32>,
    tpu.vector_store_idx %arg7[%gather3A_512, %add3A_509], %broadcast_in_dim3A_3 {add = true} : memref<1000x128xf32, #tpu.memory_space<vmem>>[vector<16xi32>, vector<16xi32>], vector<16xf32>,
    %broadcast_in_dim3A_513 = arith.constant 5 : i32
    %broadcast_in_dim3A_514 = vector.broadcast %broadcast_in_dim3A_513 : i32 to vector<16xi32>
    %gather3A_515 = tpu.vector_load_idx %arg6[%broadcast_in_dim3A_514, %add3A_509] : memref<16x128xi32, #tpu.memory_space<vmem>>[vector<16xi32>, vector<16xi32>], vector<16xi32>,
    tpu.vector_store_idx %arg7[%gather3A_515, %add3A_509], %broadcast_in_dim3A_3 {add = true} : memref<1000x128xf32, #tpu.memory_space<vmem>>[vector<16xi32>, vector<16xi32>], vector<16xf32>,
    %broadcast_in_dim3A_516 = arith.constant 6 : i32
    %broadcast_in_dim3A_517 = vector.broadcast %broadcast_in_dim3A_516 : i32 to vector<16xi32>
    %gather3A_518 = tpu.vector_load_idx %arg6[%broadcast_in_dim3A_517, %add3A_509] : memref<16x128xi32, #tpu.memory_space<vmem>>[vector<16xi32>, vector<16xi32>], vector<16xi32>,
    tpu.vector_store_idx %arg7[%gather3A_518, %add3A_509], %broadcast_in_dim3A_3 {add = true} : memref<1000x128xf32, #tpu.memory_space<vmem>>[vector<16xi32>, vector<16xi32>], vector<16xf32>,
    %broadcast_in_dim3A_519 = arith.constant 7 : i32
    %broadcast_in_dim3A_520 = vector.broadcast %broadcast_in_dim3A_519 : i32 to vector<16xi32>
    %gather3A_521 = tpu.vector_load_idx %arg6[%broadcast_in_dim3A_520, %add3A_509] : memref<16x128xi32, #tpu.memory_space<vmem>>[vector<16xi32>, vector<16xi32>], vector<16xi32>,
    tpu.vector_store_idx %arg7[%gather3A_521, %add3A_509], %broadcast_in_dim3A_3 {add = true} : memref<1000x128xf32, #tpu.memory_space<vmem>>[vector<16xi32>, vector<16xi32>], vector<16xf32>,
    %add3A_522 = arith.constant 64 : i32
    %add3A_523 = vector.broadcast %add3A_522 : i32 to vector<16xi32>
    %add3A_524 = arith.addi %iota3A, %add3A_523 : vector<16xi32>
    %broadcast_in_dim3A_525 = arith.constant 4 : i32
    %broadcast_in_dim3A_526 = vector.broadcast %broadcast_in_dim3A_525 : i32 to vector<16xi32>
    %gather3A_527 = tpu.vector_load_idx %arg6[%broadcast_in_dim3A_526, %add3A_524] : memref<16x128xi32, #tpu.memory_space<vmem>>[vector<16xi32>, vector<16xi32>], vector<16xi32>,
    tpu.vector_store_idx %arg7[%gather3A_527, %add3A_524], %broadcast_in_dim3A_3 {add = true} : memref<1000x128xf32, #tpu.memory_space<vmem>>[vector<16xi32>, vector<16xi32>], vector<16xf32>,
    %broadcast_in_dim3A_528 = arith.constant 5 : i32
    %broadcast_in_dim3A_529 = vector.broadcast %broadcast_in_dim3A_528 : i32 to vector<16xi32>
    %gather3A_530 = tpu.vector_load_idx %arg6[%broadcast_in_dim3A_529, %add3A_524] : memref<16x128xi32, #tpu.memory_space<vmem>>[vector<16xi32>, vector<16xi32>], vector<16xi32>,
    tpu.vector_store_idx %arg7[%gather3A_530, %add3A_524], %broadcast_in_dim3A_3 {add = true} : memref<1000x128xf32, #tpu.memory_space<vmem>>[vector<16xi32>, vector<16xi32>], vector<16xf32>,
    %broadcast_in_dim3A_531 = arith.constant 6 : i32
    %broadcast_in_dim3A_532 = vector.broadcast %broadcast_in_dim3A_531 : i32 to vector<16xi32>
    %gather3A_533 = tpu.vector_load_idx %arg6[%broadcast_in_dim3A_532, %add3A_524] : memref<16x128xi32, #tpu.memory_space<vmem>>[vector<16xi32>, vector<16xi32>], vector<16xi32>,
    tpu.vector_store_idx %arg7[%gather3A_533, %add3A_524], %broadcast_in_dim3A_3 {add = true} : memref<1000x128xf32, #tpu.memory_space<vmem>>[vector<16xi32>, vector<16xi32>], vector<16xf32>,
    %broadcast_in_dim3A_534 = arith.constant 7 : i32
    %broadcast_in_dim3A_535 = vector.broadcast %broadcast_in_dim3A_534 : i32 to vector<16xi32>
    %gather3A_536 = tpu.vector_load_idx %arg6[%broadcast_in_dim3A_535, %add3A_524] : memref<16x128xi32, #tpu.memory_space<vmem>>[vector<16xi32>, vector<16xi32>], vector<16xi32>,
    tpu.vector_store_idx %arg7[%gather3A_536, %add3A_524], %broadcast_in_dim3A_3 {add = true} : memref<1000x128xf32, #tpu.memory_space<vmem>>[vector<16xi32>, vector<16xi32>], vector<16xf32>,
    %add3A_537 = arith.constant 80 : i32
    %add3A_538 = vector.broadcast %add3A_537 : i32 to vector<16xi32>
    %add3A_539 = arith.addi %iota3A, %add3A_538 : vector<16xi32>
    %broadcast_in_dim3A_540 = arith.constant 4 : i32
    %broadcast_in_dim3A_541 = vector.broadcast %broadcast_in_dim3A_540 : i32 to vector<16xi32>
    %gather3A_542 = tpu.vector_load_idx %arg6[%broadcast_in_dim3A_541, %add3A_539] : memref<16x128xi32, #tpu.memory_space<vmem>>[vector<16xi32>, vector<16xi32>], vector<16xi32>,
    tpu.vector_store_idx %arg7[%gather3A_542, %add3A_539], %broadcast_in_dim3A_3 {add = true} : memref<1000x128xf32, #tpu.memory_space<vmem>>[vector<16xi32>, vector<16xi32>], vector<16xf32>,
    %broadcast_in_dim3A_543 = arith.constant 5 : i32
    %broadcast_in_dim3A_544 = vector.broadcast %broadcast_in_dim3A_543 : i32 to vector<16xi32>
    %gather3A_545 = tpu.vector_load_idx %arg6[%broadcast_in_dim3A_544, %add3A_539] : memref<16x128xi32, #tpu.memory_space<vmem>>[vector<16xi32>, vector<16xi32>], vector<16xi32>,
    tpu.vector_store_idx %arg7[%gather3A_545, %add3A_539], %broadcast_in_dim3A_3 {add = true} : memref<1000x128xf32, #tpu.memory_space<vmem>>[vector<16xi32>, vector<16xi32>], vector<16xf32>,
    %broadcast_in_dim3A_546 = arith.constant 6 : i32
    %broadcast_in_dim3A_547 = vector.broadcast %broadcast_in_dim3A_546 : i32 to vector<16xi32>
    %gather3A_548 = tpu.vector_load_idx %arg6[%broadcast_in_dim3A_547, %add3A_539] : memref<16x128xi32, #tpu.memory_space<vmem>>[vector<16xi32>, vector<16xi32>], vector<16xi32>,
    tpu.vector_store_idx %arg7[%gather3A_548, %add3A_539], %broadcast_in_dim3A_3 {add = true} : memref<1000x128xf32, #tpu.memory_space<vmem>>[vector<16xi32>, vector<16xi32>], vector<16xf32>,
    %broadcast_in_dim3A_549 = arith.constant 7 : i32
    %broadcast_in_dim3A_550 = vector.broadcast %broadcast_in_dim3A_549 : i32 to vector<16xi32>
    %gather3A_551 = tpu.vector_load_idx %arg6[%broadcast_in_dim3A_550, %add3A_539] : memref<16x128xi32, #tpu.memory_space<vmem>>[vector<16xi32>, vector<16xi32>], vector<16xi32>,
    tpu.vector_store_idx %arg7[%gather3A_551, %add3A_539], %broadcast_in_dim3A_3 {add = true} : memref<1000x128xf32, #tpu.memory_space<vmem>>[vector<16xi32>, vector<16xi32>], vector<16xf32>,
    %add3A_552 = arith.constant 96 : i32
    %add3A_553 = vector.broadcast %add3A_552 : i32 to vector<16xi32>
    %add3A_554 = arith.addi %iota3A, %add3A_553 : vector<16xi32>
    %broadcast_in_dim3A_555 = arith.constant 4 : i32
    %broadcast_in_dim3A_556 = vector.broadcast %broadcast_in_dim3A_555 : i32 to vector<16xi32>
    %gather3A_557 = tpu.vector_load_idx %arg6[%broadcast_in_dim3A_556, %add3A_554] : memref<16x128xi32, #tpu.memory_space<vmem>>[vector<16xi32>, vector<16xi32>], vector<16xi32>,
    tpu.vector_store_idx %arg7[%gather3A_557, %add3A_554], %broadcast_in_dim3A_3 {add = true} : memref<1000x128xf32, #tpu.memory_space<vmem>>[vector<16xi32>, vector<16xi32>], vector<16xf32>,
    %broadcast_in_dim3A_558 = arith.constant 5 : i32
    %broadcast_in_dim3A_559 = vector.broadcast %broadcast_in_dim3A_558 : i32 to vector<16xi32>
    %gather3A_560 = tpu.vector_load_idx %arg6[%broadcast_in_dim3A_559, %add3A_554] : memref<16x128xi32, #tpu.memory_space<vmem>>[vector<16xi32>, vector<16xi32>], vector<16xi32>,
    tpu.vector_store_idx %arg7[%gather3A_560, %add3A_554], %broadcast_in_dim3A_3 {add = true} : memref<1000x128xf32, #tpu.memory_space<vmem>>[vector<16xi32>, vector<16xi32>], vector<16xf32>,
    %broadcast_in_dim3A_561 = arith.constant 6 : i32
    %broadcast_in_dim3A_562 = vector.broadcast %broadcast_in_dim3A_561 : i32 to vector<16xi32>
    %gather3A_563 = tpu.vector_load_idx %arg6[%broadcast_in_dim3A_562, %add3A_554] : memref<16x128xi32, #tpu.memory_space<vmem>>[vector<16xi32>, vector<16xi32>], vector<16xi32>,
    tpu.vector_store_idx %arg7[%gather3A_563, %add3A_554], %broadcast_in_dim3A_3 {add = true} : memref<1000x128xf32, #tpu.memory_space<vmem>>[vector<16xi32>, vector<16xi32>], vector<16xf32>,
    %broadcast_in_dim3A_564 = arith.constant 7 : i32
    %broadcast_in_dim3A_565 = vector.broadcast %broadcast_in_dim3A_564 : i32 to vector<16xi32>
    %gather3A_566 = tpu.vector_load_idx %arg6[%broadcast_in_dim3A_565, %add3A_554] : memref<16x128xi32, #tpu.memory_space<vmem>>[vector<16xi32>, vector<16xi32>], vector<16xi32>,
    tpu.vector_store_idx %arg7[%gather3A_566, %add3A_554], %broadcast_in_dim3A_3 {add = true} : memref<1000x128xf32, #tpu.memory_space<vmem>>[vector<16xi32>, vector<16xi32>], vector<16xf32>,
    %add3A_567 = arith.constant 112 : i32
    %add3A_568 = vector.broadcast %add3A_567 : i32 to vector<16xi32>
    %add3A_569 = arith.addi %iota3A, %add3A_568 : vector<16xi32>
    %broadcast_in_dim3A_570 = arith.constant 4 : i32
    %broadcast_in_dim3A_571 = vector.broadcast %broadcast_in_dim3A_570 : i32 to vector<16xi32>
    %gather3A_572 = tpu.vector_load_idx %arg6[%broadcast_in_dim3A_571, %add3A_569] : memref<16x128xi32, #tpu.memory_space<vmem>>[vector<16xi32>, vector<16xi32>], vector<16xi32>,
    tpu.vector_store_idx %arg7[%gather3A_572, %add3A_569], %broadcast_in_dim3A_3 {add = true} : memref<1000x128xf32, #tpu.memory_space<vmem>>[vector<16xi32>, vector<16xi32>], vector<16xf32>,
    %broadcast_in_dim3A_573 = arith.constant 5 : i32
    %broadcast_in_dim3A_574 = vector.broadcast %broadcast_in_dim3A_573 : i32 to vector<16xi32>
    %gather3A_575 = tpu.vector_load_idx %arg6[%broadcast_in_dim3A_574, %add3A_569] : memref<16x128xi32, #tpu.memory_space<vmem>>[vector<16xi32>, vector<16xi32>], vector<16xi32>,
    tpu.vector_store_idx %arg7[%gather3A_575, %add3A_569], %broadcast_in_dim3A_3 {add = true} : memref<1000x128xf32, #tpu.memory_space<vmem>>[vector<16xi32>, vector<16xi32>], vector<16xf32>,
    %broadcast_in_dim3A_576 = arith.constant 6 : i32
    %broadcast_in_dim3A_577 = vector.broadcast %broadcast_in_dim3A_576 : i32 to vector<16xi32>
    %gather3A_578 = tpu.vector_load_idx %arg6[%broadcast_in_dim3A_577, %add3A_569] : memref<16x128xi32, #tpu.memory_space<vmem>>[vector<16xi32>, vector<16xi32>], vector<16xi32>,
    tpu.vector_store_idx %arg7[%gather3A_578, %add3A_569], %broadcast_in_dim3A_3 {add = true} : memref<1000x128xf32, #tpu.memory_space<vmem>>[vector<16xi32>, vector<16xi32>], vector<16xf32>,
    %broadcast_in_dim3A_579 = arith.constant 7 : i32
    %broadcast_in_dim3A_580 = vector.broadcast %broadcast_in_dim3A_579 : i32 to vector<16xi32>
    %gather3A_581 = tpu.vector_load_idx %arg6[%broadcast_in_dim3A_580, %add3A_569] : memref<16x128xi32, #tpu.memory_space<vmem>>[vector<16xi32>, vector<16xi32>], vector<16xi32>,
    tpu.vector_store_idx %arg7[%gather3A_581, %add3A_569], %broadcast_in_dim3A_3 {add = true} : memref<1000x128xf32, #tpu.memory_space<vmem>>[vector<16xi32>, vector<16xi32>], vector<16xf32>,
    %dma_start3A_582 = arith.constant 0 : i32
    %dma_start3A_583 = tpu.memref_slice %arg5[%dma_start3A_582, %mul3A_2] : memref<1000x4096xf32, #tpu.memory_space<hbm>> -> memref<1000x128xf32, #tpu.memory_space<hbm>>
    %dma_start3A_584 = arith.constant 0 : i32
    %dma_start3A_585 = tpu.memref_slice %arg5[%dma_start3A_584, %mul3A_2] : memref<1000x4096xf32, #tpu.memory_space<hbm>> -> memref<1000x128xf32, #tpu.memory_space<hbm>>
    tpu.enqueue_dma source(%arg7 : memref<1000x128xf32, #tpu.memory_space<vmem>>) target(%dma_start3A_585 : memref<1000x128xf32, #tpu.memory_space<hbm>>) target_semaphore(%arg8 : memref<!tpu.dma_semaphore, #tpu.memory_space<semaphore_mem>>)
    %dma_wait3A_586 = arith.constant 0 : i32
    %dma_wait3A_587 = tpu.memref_slice %arg5[%dma_wait3A_586, %mul3A_2] : memref<1000x4096xf32, #tpu.memory_space<hbm>> -> memref<1000x128xf32, #tpu.memory_space<hbm>>
    %dma_wait3A_588 = arith.constant 0 : i32
    %dma_wait3A_589 = tpu.memref_slice %arg5[%dma_wait3A_588, %mul3A_2] : memref<1000x4096xf32, #tpu.memory_space<hbm>> -> memref<1000x128xf32, #tpu.memory_space<hbm>>
    tpu.wait_dma2 semaphore(%arg8 : memref<!tpu.dma_semaphore, #tpu.memory_space<semaphore_mem>>) src(%arg7 : memref<1000x128xf32, #tpu.memory_space<vmem>>) dst(%dma_wait3A_589 : memref<1000x128xf32, #tpu.memory_space<hbm>>)
    return
  }
}

</mosaic_0001>

<sc_bundles>
// kernel: kernel.3.cloned.1.call-start
scs
__scs_entry_jumppad:
0x0: {  	(pc) =	sbr.rel $0x88, $3  }
0x1: {  	(tag) =	ssettag $0x0;
	lr =	simm.s32 $0x1  }
0x2: {  	[smem:$0x3FA0] =	sst lr;
	_ =	strace $0xD0000000  }
0x3: {  	_ = 	snop  }
0x4: {  	_ = 	snop  }
0x5: {  	_ = 	snop  }
0x6: {  	_ = 	snop  }
0x7: {  	_ = 	snop  }
__scs_overlays_trampoline_lowered:
0x8: {  	[smem:$0x3FAF] =	sst s0  }
0x9: {  	[smem:$0x3FB0] =	sst s1  }
0xa: {  	[smem:$0x3FB1] =	sst s2  }
0xb: {  	[smem:$0x3FB2] =	sst s3  }
0xc: {  	[smem:$0x3FB3] =	sst s4  }
0xd: {  	[smem:$0x3FB4] =	sst s5  }
0xe: {  	[smem:$0x3FB5] =	sst s6  }
0xf: {  	[smem:$0x3FB6] =	sst s7  }
0x10: {  	[smem:$0x3FB7] =	sst s8  }
0x11: {  	[smem:$0x3FB8] =	sst s9;
	s0 =	simm.s32 @!p0 $0x0  }
0x12: {  	s1 =	sld [smem:$0x3F9E];
	s0 =	simm.s32 @p0 $0x1  }
0x13: {  	[smem:$0x3FB9] =	sst s0;
	s0 =	simm.s32 @!p1 $0x0  }
0x14: {  	s2 =	sld [smem:$0x3F9D];
	s0 =	simm.s32 @p1 $0x1  }
0x15: {  	[smem:$0x3FBA] =	sst s0;
	s0 =	simm.s32 @!p2 $0x0  }
0x16: {  	s3 =	sld [smem:$0x3FDB];
	s0 =	simm.s32 @p2 $0x1  }
0x17: {  	s4 =	simm.s32 $0x1BF5;
	[smem:$0x3FBC] =	sst s0  }
0x18: {  	s0 =	sld [smem:$0x3F9F];
	_ =	swait.ge [sflag:s4], $0x0  }
0x19: {  	s7 =	sld [smem:$0x3FA0]  }
0x1a: {  	s8 =	sadd.s32 $0xFFFFE003, lr  }
0x1b: {  	s9 =	sadd.s32 $0xFFFFFEF7, lr;
	s5 =	simm.s32 $0xFFFFFFFF;
	p2 =	slt.u32 s8, $0xFFFFF086  }
0x1c: {  	p1 =	slt.u32 s9, $0xF7A;
	s5 =	simm.s32 @!p2 $0x0  }
0x1d: {  	s5 =	simm.s32 @p1 $0x1;
	p0 =	seq.s32 s7, s2  }
0x1e: {  	s7 =	smul.u32 @!p0 $0xF7A, s2;
	p2 =	seq.s32 @!p0 s5, $0x0  }
0x1f: {  	s9 =	smul.u32 $0xF7A, s1;
	s8 =	simm.s32 @!p0 $0x1BF5;
	p2 =	por !p2, p0  }
0x20: {  	[sflag:s8] =	ssyncset.s32 @!p0 $0xFFFFF086;
	s6 =	sadd.s32 @!p0 s3, s7;
	s7 =	simm.s32 @!p0 $0x108  }
0x21: {  	s3 =	sadd.s32 s3, s9;
	s6 =	sadd.s32 @!p0 $0x88, s6;
	s7 =	simm.s32 @p2 $0x1082  }
0x22: {  	[simem:s7], [sflag:s8] =	dma.local @!p0 [hbm:s6], $0xF7A  }
0x23: {  	s9 =	sor.u32 $0xD0000000, s2;
	s6 =	simm.s32 $0x108;
	_ =	swait.ge @!p0 [sflag:s8], $0x0  }
0x24: {  	s3 =	sadd.s32 $0x88, s3;
	s6 =	simm.s32 @!p1 $0x1082;
	[sflag:s4] =	ssyncset.s32 $0xFFFFF086  }
0x25: {  	[simem:s6], [sflag:s4] =	dma.local [hbm:s3], $0xF7A  }
0x26: {  	[smem:$0x3FA0] =	sst s1;
	(tag) =	ssettag s2;
	_ =	strace s9  }
0x27: {  	s1 =	sld [smem:$0x3FB0]  }
0x28: {  	s2 =	sld [smem:$0x3FB1]  }
0x29: {  	s4 =	sld [smem:$0x3FB3]  }
0x2a: {  	p0 =	seq.s32 s5, $0x0;
	s5 =	sld [smem:$0x3FB4]  }
0x2b: {  	s6 =	sld [smem:$0x3FB5]  }
0x2c: {  	s7 =	sld [smem:$0x3FB6]  }
0x2d: {  	s3 =	simm.s32 $0x108;
	s8 =	sld [smem:$0x3FB7]  }
0x2e: {  	s3 =	simm.s32 @!p0 $0x1082;
	s9 =	sld [smem:$0x3FB8]  }
0x2f: {  	lr =	sadd.s32 s0, s3;
	s0 =	sld [smem:$0x3FAF]  }
0x30: {  	s3 =	sld [smem:$0x3FB2]  }
0x31: {  	[smem:$0x3FBB] =	sst s10  }
0x32: {  	s10 =	sld [smem:$0x3FB9];
	_ =	sdelay $0x3  }
0x33: {  	p0 =	seq.s32 s10, $0x1;
	s10 =	sld [smem:$0x3FBB];
	_ =	sdelay $0x3  }
0x34: {  	[smem:$0x3FBB] =	sst s10  }
0x35: {  	s10 =	sld [smem:$0x3FBA];
	_ =	sdelay $0x3  }
0x36: {  	p1 =	seq.s32 s10, $0x1;
	s10 =	sld [smem:$0x3FBB];
	_ =	sdelay $0x3  }
0x37: {  	[smem:$0x3FBB] =	sst s10  }
0x38: {  	s10 =	sld [smem:$0x3FBC]  }
0x39: {  	_ = 	snop;
	(pc) =	sbr.ind lr, $3  }
0x3a: {  	_ = 	snop  }
0x3b: {  	_ = 	snop  }
0x3c: {  	p2 =	seq.s32 s10, $0x1;
	s10 =	sld [smem:$0x3FBB]  }
0x3d: {  	_ =	shalt  }
0x3e: {  	_ =	shalt  }
0x3f: {  	_ =	shalt  }
0x40: {  	_ =	shalt  }
0x41: {  	_ =	shalt  }
0x42: {  	_ =	shalt  }
0x43: {  	_ =	shalt  }
0x44: {  	_ =	shalt  }
0x45: {  	_ =	shalt  }
0x46: {  	_ =	shalt  }
0x47: {  	_ =	shalt  }
0x48: {  	_ =	shalt  }
0x49: {  	_ =	shalt  }
0x4a: {  	_ =	shalt  }
0x4b: {  	_ =	shalt  }
0x4c: {  	_ =	shalt  }
0x4d: {  	_ =	shalt  }
0x4e: {  	_ =	shalt  }
0x4f: {  	_ =	shalt  }
0x50: {  	_ =	shalt  }
0x51: {  	_ =	shalt  }
0x52: {  	_ =	shalt  }
0x53: {  	_ =	shalt  }
0x54: {  	_ =	shalt  }
0x55: {  	_ =	shalt  }
0x56: {  	_ =	shalt  }
0x57: {  	_ =	shalt  }
0x58: {  	_ =	shalt  }
0x59: {  	_ =	shalt  }
0x5a: {  	_ =	shalt  }
0x5b: {  	_ =	shalt  }
0x5c: {  	_ =	shalt  }
0x5d: {  	_ =	shalt  }
0x5e: {  	_ =	shalt  }
0x5f: {  	_ =	shalt  }
0x60: {  	_ =	shalt  }
0x61: {  	_ =	shalt  }
0x62: {  	_ =	shalt  }
0x63: {  	_ =	shalt  }
0x64: {  	_ =	shalt  }
0x65: {  	_ =	shalt  }
0x66: {  	_ =	shalt  }
0x67: {  	_ =	shalt  }
0x68: {  	_ =	shalt  }
0x69: {  	_ =	shalt  }
0x6a: {  	_ =	shalt  }
0x6b: {  	_ =	shalt  }
0x6c: {  	_ =	shalt  }
0x6d: {  	_ =	shalt  }
0x6e: {  	_ =	shalt  }
0x6f: {  	_ =	shalt  }
0x70: {  	_ =	shalt  }
0x71: {  	_ =	shalt  }
0x72: {  	_ =	shalt  }
0x73: {  	_ =	shalt  }
0x74: {  	_ =	shalt  }
0x75: {  	_ =	shalt  }
0x76: {  	_ =	shalt  }
0x77: {  	_ =	shalt  }
0x78: {  	_ =	shalt  }
0x79: {  	_ =	shalt  }
0x7a: {  	_ =	shalt  }
0x7b: {  	_ =	shalt  }
0x7c: {  	_ =	shalt  }
0x7d: {  	_ =	shalt  }
0x7e: {  	_ =	shalt  }
0x7f: {  	_ =	shalt  }
0x80: {  	_ =	shalt  }
0x81: {  	_ =	shalt  }
0x82: {  	_ =	shalt  }
0x83: {  	_ =	shalt  }
0x84: {  	_ =	shalt  }
0x85: {  	_ =	shalt  }
0x86: {  	_ =	shalt  }
0x87: {  	_ =	shalt  }
.Lfunc_end0:
.L_simem_size_0:
called_computation_lowered:
.L_overlay_start_0:
0x88: {  	s2 =	sld [smem:$0x3FD9]  }
0x89: {  	s3 =	sld [smem:$0x3FFE];
	_ =	sdelay $0x1  }
0x8a: {  	s1 =	srdreg.scid  }
0x8b: {  	s0 =	sand.u32 $0x1, s1  }
0x8c: {  	s17 =	sshll.u32 s0, $0xA;
	s2 =	sadd.s32 s3, s2  }
0x8d: {  	s2 =	sadd.s32 s2, s17  }
0x8e: {  	[smem:$0x3FC7] =	sst s2  }
0x8f: {  	_ = 	snop  }
0x90: {  	s2 =	sld [smem:$0x3FC9]  }
0x91: {  	s18 =	sld [smem:$0x3FD0];
	(tm) =	ssettm $0x1  }
0x92: {  	s4 =	sld [smem:$0x3FFB];
	_ =	sdelay $0x3  }
0x93: {  	_ =	strace s4  }
0x94: {  	s4 =	sld [smem:$0x3FFC];
	_ =	sdelay $0x3  }
0x95: {  	_ =	strace s4  }
0x96: {  	s4 =	sld [smem:$0x3FFD];
	_ =	sdelay $0x3  }
0x97: {  	_ =	strace s4  }
0x98: {  	_ =	strace $0x8FFFFFFF  }
0x99: {  	s19 =	sld [smem:$0x3FDB];
	_ =	sdelay $0x1  }
0x9a: {  	s5 =	simm.s32 $_scs_section_size  }
0x9b: {  	s6 =	simm.s32 $_size__tile_overlayer_lowered;
	s7 =	simm.s32 $_tile_overlayer_lowered  }
0x9c: {  	s22 =	simm.s32 $0x1BFF;
	s21 =	sshll.u32 s7, $0x1;
	s4 =	sadd.s32 s5, s19  }
0x9d: {  	s8 =	simm.s32 $0x0;
	s20 =	sshll.u32 s6, $0x1;
	s6 =	sadd.s32 s21, s4  }
0x9e: {  	[timem:s8], [sflag:s22] =	dma.local [hbm:s6], s20  }
0x9f: {  	_ =	swait.ge [sflag:s22], s20  }
0xa0: {  	s5 =	ssub.s32 $0x0, s20;
	[sflag:s22] =	ssyncset.done $0x0  }
0xa1: {  	[sflag:s22] =	ssyncadd.s32 s5;
	_ =	sdelay $0x1  }
0xa2: {  	s23 =	simm.s32 $0x1B8B  }
0xa3: {  	_ =	swait.ge [sflag:s23], $0x1  }
0xa4: {  	[sflag:s23] =	ssyncset.done $0x0  }
0xa5: {  	s25 =	simm.s32 $0x1B8E;
	s24 =	sld [smem:$0x3FFE];
	[sflag:s23] =	ssyncadd.s32 $0xFFFFFFFF  }
0xa6: {  	s26 =	simm.s32 $execute0_lowered;
	[smem:$0x3FD2] =	sst s25  }
0xa7: {  	s6 =	sshll.u32 s26, $0x1;
	_ =	strace $0x80000046;
	[dreg:$0x1] =	wrdreg $0xFFFFFFFF  }
0xa8: {  	s28 =	simm.s32 $_size_execute0_lowered;
	s4 =	sadd.s32 s4, s6;
	[dreg:$0x0] =	wrdreg $0x0  }
0xa9: {  	s6 =	sshll.u32 s28, $0x1;
	[dreg:$0x2] =	wrdreg s4  }
0xaa: {  	[dreg:$0x3] =	wrdreg s6  }
0xab: {  	[dreg:$0x4] =	wrdreg $0xC0  }
0xac: {  	_ =	task [dreg:s8], $0x5FFFF  }
0xad: {  	[dreg:$0x1] =	wrdreg $0xFFFFFFFF  }
0xae: {  	[dreg:$0x0] =	wrdreg $0x60  }
0xaf: {  	[dreg:$0x2] =	wrdreg s2  }
0xb0: {  	[dreg:$0x3] =	wrdreg s24  }
0xb1: {  	[dreg:$0x4] =	wrdreg s18  }
0xb2: {  	[dreg:$0x5] =	wrdreg $0x9  }
0xb3: {  	_ =	task.clear_ibuf [dreg:s8], $0x6FFFF;
	_ =	strace $0x90000046  }
0xb4: {  	s29 =	simm.s32 $0x9;
	_ =	strace $0x80000048  }
0xb5: {  	_ =	swait.ge [sflag:s29], $0x1  }
0xb6: {  	[sflag:s29] =	ssyncadd.s32 $0xFFFFFFFF  }
0xb7: {  	_ =	strace $0x90000048  }
0xb8: {  	_ =	sfence  }
0xb9: {  	s30 =	sld [smem:$0x0];
	_ =	sdelay $0x2  }
0xba: {  	s31 =	sshll.u32 s1, $0xD;
	s1 =	sshrl.u32 s1, $0x2  }
0xbb: {  	s3 =	sand.u32 $0x4000, s31;
	s1 =	sadd.s32 s1, s30  }
0xbc: {  	s0 =	sor.u32 s3, s0;
	s1 =	sshll.u32 s1, $0x11  }
0xbd: {  	s0 =	sor.u32 s1, s0  }
0xbe: {  	s0 =	sadd.s32 $0x8F2B, s0  }
0xbf: {  	[sflag:s0] =	ssyncadd.remote.s32 $0x1  }
0xc0: {  	_ =	sfence.sel $0xFFFF  }
0xc1: {  	[dreg:$0x0] =	wrdreg $0xFFFFFFFF;
	(pc) =	sbr.abs _section_cstart, $3  }
0xc2: {  	[dreg:$0x1] =	wrdreg $0xFFFFFFFF  }
0xc3: {  	_ =	task.clear_ibuf [dreg:s8], $0x2FFFF;
	_ =	strace $0x9FFFFFFF  }
0xc4: {  	(tm) =	ssettm $0x7FFFFFFF  }
0xc5: {  	_ =	shalt  }
tec
execute0_lowered:
.L_overlay_start_1:
0x0: {  	(tag) =	ssettag $0x1  }
0x1: {  	v0 =	vlaneseq.u32  }
0x2: {  	v3 =	vor.u32 $0x80, v0  }
0x3: {  	[tilespmem:$0x1FEA0] =	vst v3;
	v3 =	vor.u32 $0x100, v0  }
0x4: {  	[tilespmem:$0x1FEB0] =	vst v3;
	v3 =	vor.u32 $0x180, v0  }
0x5: {  	[tilespmem:$0x1FEC0] =	vst v3;
	v3 =	vor.u32 $0x400, v0  }
0x6: {  	v1 =	vimm.f32 $0.0e+00;
	[tilespmem:$0x1FED0] =	vst v3;
	v3 =	vor.u32 $0x480, v0  }
0x7: {  	v2 =	vimm.f32 $1.000000000e+00;
	v6 =	vor.u32 $0x200, v0;
	[tilespmem:$0x1FEE0] =	vst v3;
	v3 =	vor.u32 $0x500, v0  }
0x8: {  	v7 =	vor.u32 $0x280, v0;
	v8 =	vor.u32 $0x300, v0;
	[tilespmem:$0x1FEF0] =	vst v3;
	v3 =	vor.u32 $0x580, v0  }
0x9: {  	v9 =	vor.u32 $0x380, v0;
	v18 =	vor.u32 $0x10, v0;
	[tilespmem:$0x1FF00] =	vst v3;
	v3 =	vor.u32 $0x600, v0  }
0xa: {  	v22 =	vor.u32 $0x210, v0;
	v23 =	vor.u32 $0x290, v0;
	[tilespmem:$0x1FF10] =	vst v3;
	v3 =	vor.u32 $0x680, v0  }
0xb: {  	v24 =	vor.u32 $0x310, v0;
	v25 =	vor.u32 $0x390, v0;
	[tilespmem:$0x1FF20] =	vst v3;
	v3 =	vor.u32 $0x700, v0  }
0xc: {  	v34 =	vor.u32 $0x20, v0;
	v35 =	vor.u32 $0xA0, v0;
	[tilespmem:$0x1FF30] =	vst v3;
	v3 =	vor.u32 $0x780, v0  }
0xd: {  	s4 =	rddreg [dreg:$0x0];
	v36 =	vor.u32 $0x120, v0;
	v37 =	vor.u32 $0x1A0, v0;
	[tilespmem:$0x1FF40] =	vst v3;
	v3 =	vor.u32 $0x90, v0  }
0xe: {  	s3 =	rddreg [dreg:$0x1];
	v38 =	vor.u32 $0x220, v0;
	v39 =	vor.u32 $0x2A0, v0;
	[tilespmem:$0x1FF50] =	vst v3;
	v3 =	vor.u32 $0x110, v0  }
0xf: {  	s6 =	rddreg [dreg:$0x2];
	v40 =	vor.u32 $0x320, v0;
	v41 =	vor.u32 $0x3A0, v0;
	[tilespmem:$0x1FF60] =	vst v3;
	v3 =	vor.u32 $0x190, v0  }
0x10: {  	s0 =	rddreg [dreg:$0x3];
	s2 =	simm.s32 $0x0;
	s1 =	stileid.u32;
	v42 =	vor.u32 $0x420, v0;
	v43 =	vor.u32 $0x4A0, v0;
	[tilespmem:$0x1FF70] =	vst v3;
	v3 =	vor.u32 $0x410, v0  }
0x11: {  	s5 =	srdreg.scid;
	s11 =	simm.s32 $0x2;
	s12 =	simm.s32 $0x1;
	v44 =	vor.u32 $0x520, v0;
	v45 =	vor.u32 $0x5A0, v0;
	[tilespmem:$0x1FF80] =	vst v3;
	v3 =	vor.u32 $0x490, v0  }
0x12: {  	s13 =	simm.s32 $0x800;
	s14 =	simm.s32 $0x3;
	s15 =	simm.s32 $0x0;
	v46 =	vor.u32 $0x620, v0;
	v47 =	vor.u32 $0x6A0, v0;
	[tilespmem:$0x1FF90] =	vst v3;
	v3 =	vor.u32 $0x510, v0  }
0x13: {  	s7 =	sand.u32 $0x7, s1;
	s5 =	sand.u32 $0x1, s5;
	s8 =	sshll.u32 s1, $0x8;
	v48 =	vor.u32 $0x720, v0;
	v49 =	vor.u32 $0x7A0, v0;
	[tilespmem:$0x1FFA0] =	vst v3;
	v3 =	vor.u32 $0x590, v0  }
0x14: {  	v50 =	vor.u32 $0x30, v0;
	v51 =	vor.u32 $0xB0, v0;
	s7 =	smul.u32 $0x1F80, s7;
	s9 =	sshll.u32 s5, $0x7;
	s5 =	ssub.s32 $0x2, s5;
	[tilespmem:$0x1FFB0] =	vst v3;
	v3 =	vor.u32 $0x610, v0  }
0x15: {  	[smem:$0x7FF] =	sst s2;
	v52 =	vor.u32 $0x130, v0;
	v53 =	vor.u32 $0x1B0, v0;
	s8 =	sor.u32 s9, s8;
	s31 =	sshrl.u32 s5, $0x1;
	[tilespmem:$0x1FFC0] =	vst v3;
	v3 =	vor.u32 $0x690, v0  }
0x16: {  	v54 =	vor.u32 $0x230, v0;
	v55 =	vor.u32 $0x2B0, v0;
	s7 =	sadd.s32 s7, s3;
	s10 =	sadd.s32 s8, s3;
	s9 =	ssub.s32 s5, s31;
	[tilespmem:$0x1FFD0] =	vst v3;
	v3 =	vor.u32 $0x710, v0  }
0x17: {  	v56 =	vor.u32 $0x330, v0;
	v57 =	vor.u32 $0x3B0, v0;
	s4 =	sadd.s32 s4, s8;
	s6 =	sadd.s32 s6, s8;
	s8 =	simm.s32 $0x10200;
	[tilespmem:$0x1FFE0] =	vst v3;
	v3 =	vor.u32 $0x790, v0  }
0x18: {  	v58 =	vor.u32 $0x430, v0;
	v59 =	vor.u32 $0x4B0, v0;
	v60 =	vor.u32 $0x530, v0;
	s3 =	sadd.s32 $0x1400, s7;
	s5 =	sadd.s32 $0x400, s10;
	s7 =	smax.u32 s9, $0x1;
	[tilespmem:$0x1FFF0] =	vst v3  }
0x19: {  	v61 =	vor.u32 $0x5B0, v0;
	v62 =	vor.u32 $0x630, v0;
	v63 =	vor.u32 $0x6B0, v0;
	s9 =	simm.s32 $0x400;
	s10 =	simm.s32 $0x8000;
	_ =	strace $0x80000047  }
.LBB2_1:
0x1a: {  	[tilespmem:s8], [sflag:$0x2] =	stream.linear.gather [hbm4b:s3+s2], $0xFA00, $0x38;
	[tilespmem:$0x1FC00] =	vst v63  }
0x1b: {  	s16 =	simm.s32 $0x0;
	s17 =	simm.s32 $0x1000  }
0x1c: {  	[tilespmem:s2], [sflag:$0x1] =	stream.strided.gather [hbm4b:s4+s9], $0x800, s10, s9, $0x38;
	[tilespmem:$0x1FC00] =	vst v63  }
.LBB2_2:
0x1d: {  	p0 =	sne.s32 s17, $0x3D000;
	[tilespmem:s16+$0xBF0] =	vst v1  }
0x1e: {  	[tilespmem:s16+$0x800] =	vst v1  }
0x1f: {  	[tilespmem:s16+$0x810] =	vst v1  }
0x20: {  	[tilespmem:s16+$0x820] =	vst v1  }
0x21: {  	[tilespmem:s16+$0x830] =	vst v1  }
0x22: {  	[tilespmem:s16+$0x840] =	vst v1  }
0x23: {  	[tilespmem:s16+$0x850] =	vst v1  }
0x24: {  	[tilespmem:s16+$0x860] =	vst v1  }
0x25: {  	[tilespmem:s16+$0x870] =	vst v1  }
0x26: {  	[tilespmem:s16+$0x880] =	vst v1  }
0x27: {  	[tilespmem:s16+$0x890] =	vst v1  }
0x28: {  	[tilespmem:s16+$0x8A0] =	vst v1  }
0x29: {  	[tilespmem:s16+$0x8B0] =	vst v1  }
0x2a: {  	[tilespmem:s16+$0x8C0] =	vst v1  }
0x2b: {  	[tilespmem:s16+$0x8D0] =	vst v1  }
0x2c: {  	[tilespmem:s16+$0x8E0] =	vst v1  }
0x2d: {  	[tilespmem:s16+$0x8F0] =	vst v1  }
0x2e: {  	[tilespmem:s16+$0x900] =	vst v1  }
0x2f: {  	[tilespmem:s16+$0x910] =	vst v1  }
0x30: {  	[tilespmem:s16+$0x920] =	vst v1  }
0x31: {  	[tilespmem:s16+$0x930] =	vst v1  }
0x32: {  	[tilespmem:s16+$0x940] =	vst v1  }
0x33: {  	[tilespmem:s16+$0x950] =	vst v1  }
0x34: {  	[tilespmem:s16+$0x960] =	vst v1  }
0x35: {  	[tilespmem:s16+$0x970] =	vst v1  }
0x36: {  	[tilespmem:s16+$0x980] =	vst v1  }
0x37: {  	[tilespmem:s16+$0x990] =	vst v1  }
0x38: {  	[tilespmem:s16+$0x9A0] =	vst v1  }
0x39: {  	[tilespmem:s16+$0x9B0] =	vst v1  }
0x3a: {  	[tilespmem:s16+$0x9C0] =	vst v1  }
0x3b: {  	[tilespmem:s16+$0x9D0] =	vst v1  }
0x3c: {  	[tilespmem:s16+$0x9E0] =	vst v1  }
0x3d: {  	[tilespmem:s16+$0x9F0] =	vst v1  }
0x3e: {  	[tilespmem:s16+$0xA00] =	vst v1  }
0x3f: {  	[tilespmem:s16+$0xA10] =	vst v1  }
0x40: {  	[tilespmem:s16+$0xA20] =	vst v1  }
0x41: {  	[tilespmem:s16+$0xA30] =	vst v1  }
0x42: {  	[tilespmem:s16+$0xA40] =	vst v1  }
0x43: {  	[tilespmem:s16+$0xA50] =	vst v1  }
0x44: {  	[tilespmem:s16+$0xA60] =	vst v1  }
0x45: {  	[tilespmem:s16+$0xA70] =	vst v1  }
0x46: {  	[tilespmem:s16+$0xA80] =	vst v1  }
0x47: {  	[tilespmem:s16+$0xA90] =	vst v1  }
0x48: {  	[tilespmem:s16+$0xAA0] =	vst v1  }
0x49: {  	[tilespmem:s16+$0xAB0] =	vst v1  }
0x4a: {  	[tilespmem:s16+$0xAC0] =	vst v1  }
0x4b: {  	[tilespmem:s16+$0xAD0] =	vst v1  }
0x4c: {  	[tilespmem:s16+$0xAE0] =	vst v1  }
0x4d: {  	[tilespmem:s16+$0xAF0] =	vst v1  }
0x4e: {  	[tilespmem:s16+$0xB00] =	vst v1  }
0x4f: {  	[tilespmem:s16+$0xB10] =	vst v1  }
0x50: {  	[tilespmem:s16+$0xB20] =	vst v1  }
0x51: {  	[tilespmem:s16+$0xB30] =	vst v1  }
0x52: {  	[tilespmem:s16+$0xB40] =	vst v1  }
0x53: {  	[tilespmem:s16+$0xB50] =	vst v1  }
0x54: {  	[tilespmem:s16+$0xB60] =	vst v1  }
0x55: {  	[tilespmem:s16+$0xB70] =	vst v1  }
0x56: {  	[tilespmem:s16+$0xB80] =	vst v1  }
0x57: {  	[tilespmem:s16+$0xB90] =	vst v1  }
.Ltmp0:
0x58: {  	[tilespmem:s16+$0xBA0] =	vst v1;
	(pc) =	sbr.rel @p0 .LBB2_2-.Ltmp0, $4  }
0x59: {  	[tilespmem:s16+$0xBB0] =	vst v1  }
0x5a: {  	[tilespmem:s16+$0xBC0] =	vst v1  }
0x5b: {  	[tilespmem:s16+$0xBD0] =	vst v1  }
0x5c: {  	[tilespmem:s16+$0xBE0] =	vst v1;
	s16 =	sshra.s32 s17, $0x2;
	s17 =	sadd.s32 $0x1000, s17  }
0x5d: {  	[tilespmem:s16+$0xBF0] =	vst v1  }
0x5e: {  	[tilespmem:s16+$0x800] =	vst v1  }
0x5f: {  	[tilespmem:s16+$0x810] =	vst v1  }
0x60: {  	[tilespmem:s16+$0x820] =	vst v1  }
0x61: {  	[tilespmem:s16+$0x830] =	vst v1  }
0x62: {  	[tilespmem:s16+$0x840] =	vst v1  }
0x63: {  	[tilespmem:s16+$0x850] =	vst v1  }
0x64: {  	[tilespmem:s16+$0x860] =	vst v1  }
0x65: {  	[tilespmem:s16+$0x870] =	vst v1  }
0x66: {  	[tilespmem:s16+$0x880] =	vst v1  }
0x67: {  	[tilespmem:s16+$0x890] =	vst v1  }
0x68: {  	[tilespmem:s16+$0x8A0] =	vst v1  }
0x69: {  	[tilespmem:s16+$0x8B0] =	vst v1  }
0x6a: {  	[tilespmem:s16+$0x8C0] =	vst v1  }
0x6b: {  	[tilespmem:s16+$0x8D0] =	vst v1  }
0x6c: {  	[tilespmem:s16+$0x8E0] =	vst v1  }
0x6d: {  	[tilespmem:s16+$0x8F0] =	vst v1  }
0x6e: {  	[tilespmem:s16+$0x900] =	vst v1  }
0x6f: {  	[tilespmem:s16+$0x910] =	vst v1  }
0x70: {  	[tilespmem:s16+$0x920] =	vst v1  }
0x71: {  	[tilespmem:s16+$0x930] =	vst v1  }
0x72: {  	[tilespmem:s16+$0x940] =	vst v1  }
0x73: {  	[tilespmem:s16+$0x950] =	vst v1  }
0x74: {  	[tilespmem:s16+$0x960] =	vst v1  }
0x75: {  	[tilespmem:s16+$0x970] =	vst v1  }
0x76: {  	[tilespmem:s16+$0x980] =	vst v1  }
0x77: {  	[tilespmem:s16+$0x990] =	vst v1  }
0x78: {  	[tilespmem:s16+$0x9A0] =	vst v1  }
0x79: {  	[tilespmem:s16+$0x9B0] =	vst v1  }
0x7a: {  	[tilespmem:s16+$0x9C0] =	vst v1  }
0x7b: {  	[tilespmem:s16+$0x9D0] =	vst v1  }
0x7c: {  	[tilespmem:s16+$0x9E0] =	vst v1  }
0x7d: {  	[tilespmem:s16+$0x9F0] =	vst v1  }
0x7e: {  	[tilespmem:s16+$0xA00] =	vst v1  }
0x7f: {  	[tilespmem:s16+$0xA10] =	vst v1  }
0x80: {  	[tilespmem:s16+$0xA20] =	vst v1  }
0x81: {  	[tilespmem:s16+$0xA30] =	vst v1  }
0x82: {  	[tilespmem:s16+$0xA40] =	vst v1  }
0x83: {  	[tilespmem:s16+$0xA50] =	vst v1  }
0x84: {  	[tilespmem:s16+$0xA60] =	vst v1  }
0x85: {  	[tilespmem:s16+$0xA70] =	vst v1  }
0x86: {  	[tilespmem:s16+$0xA80] =	vst v1  }
0x87: {  	[tilespmem:s16+$0xA90] =	vst v1  }
0x88: {  	[tilespmem:s16+$0xAA0] =	vst v1  }
0x89: {  	[tilespmem:s16+$0xAB0] =	vst v1  }
0x8a: {  	[tilespmem:s16+$0xAC0] =	vst v1  }
0x8b: {  	[tilespmem:s16+$0xAD0] =	vst v1  }
0x8c: {  	[tilespmem:s16+$0xAE0] =	vst v1  }
0x8d: {  	[tilespmem:s16+$0xAF0] =	vst v1  }
0x8e: {  	[tilespmem:s16+$0xB00] =	vst v1  }
0x8f: {  	[tilespmem:s16+$0xB10] =	vst v1  }
0x90: {  	[tilespmem:s16+$0xB20] =	vst v1  }
0x91: {  	[tilespmem:s16+$0xB30] =	vst v1  }
0x92: {  	[tilespmem:s16+$0xB40] =	vst v1  }
0x93: {  	[tilespmem:s16+$0xB50] =	vst v1  }
0x94: {  	[tilespmem:s16+$0xB60] =	vst v1  }
0x95: {  	[tilespmem:s16+$0xB70] =	vst v1  }
0x96: {  	[tilespmem:s16+$0xB80] =	vst v1  }
0x97: {  	[tilespmem:s16+$0xB90] =	vst v1  }
0x98: {  	[tilespmem:s16+$0xBA0] =	vst v1  }
0x99: {  	[tilespmem:s16+$0xBB0] =	vst v1  }
0x9a: {  	[tilespmem:s16+$0xBC0] =	vst v1  }
0x9b: {  	[tilespmem:s16+$0xBD0] =	vst v1  }
0x9c: {  	[tilespmem:s16+$0xBE0] =	vst v1  }
0x9d: {  	_ =	swait.ge [sflag:s11], $0xFA00  }
0x9e: {  	[sflag:s11] =	ssyncset.done $0x0  }
0x9f: {  	[sflag:s11] =	ssyncadd.s32 $0xFFFF0600  }
0xa0: {  	_ =	swait.ge [sflag:s12], $0x800  }
0xa1: {  	[sflag:s12] =	ssyncset.done $0x0  }
0xa2: {  	[sflag:s12] =	ssyncadd.s32 $0xFFFFF800  }
0xa3: {  	v3 =	vld.idx.msk [tilespmem:v0+s2+$0x0], $0xffff;
	_ =	sdelay $0x4  }
0xa4: {  	v3 =	vshll.u32 v3, $0x7  }
0xa5: {  	v3 =	vor.u32 v0, v3;
	_ =	sdelay $0x4  }
0xa6: {  	[tilespmem:v3+s13+$0x0] =	vst.idx.add.f32.msk $0xffff, v2  }
0xa7: {  	v3 =	vld [tilespmem:$0x1FEA0];
	_ =	sdelay $0x7  }
0xa8: {  	v3 =	vld.idx.msk [tilespmem:v3+s2+$0x0], $0xffff;
	_ =	sdelay $0x4  }
0xa9: {  	v3 =	vshll.u32 v3, $0x7  }
0xaa: {  	v3 =	vor.u32 v0, v3;
	_ =	sdelay $0x4  }
0xab: {  	[tilespmem:v3+s13+$0x0] =	vst.idx.add.f32.msk $0xffff, v2  }
0xac: {  	v3 =	vld [tilespmem:$0x1FEB0];
	_ =	sdelay $0x7  }
0xad: {  	v3 =	vld.idx.msk [tilespmem:v3+s2+$0x0], $0xffff;
	_ =	sdelay $0x4  }
0xae: {  	v3 =	vshll.u32 v3, $0x7  }
0xaf: {  	v3 =	vor.u32 v0, v3;
	_ =	sdelay $0x4  }
0xb0: {  	[tilespmem:v3+s13+$0x0] =	vst.idx.add.f32.msk $0xffff, v2  }
0xb1: {  	v3 =	vld [tilespmem:$0x1FEC0];
	_ =	sdelay $0x7  }
0xb2: {  	v3 =	vld.idx.msk [tilespmem:v3+s2+$0x0], $0xffff;
	_ =	sdelay $0x4  }
0xb3: {  	v3 =	vshll.u32 v3, $0x7  }
0xb4: {  	v3 =	vor.u32 v0, v3;
	_ =	sdelay $0x4  }
0xb5: {  	[tilespmem:v3+s13+$0x0] =	vst.idx.add.f32.msk $0xffff, v2  }
0xb6: {  	v3 =	vld.idx.msk [tilespmem:v6+s2+$0x0], $0xffff;
	_ =	sdelay $0x4  }
0xb7: {  	v3 =	vshll.u32 v3, $0x7  }
0xb8: {  	v3 =	vor.u32 v0, v3;
	_ =	sdelay $0x4  }
0xb9: {  	[tilespmem:v3+s13+$0x0] =	vst.idx.add.f32.msk $0xffff, v2  }
0xba: {  	v3 =	vld.idx.msk [tilespmem:v7+s2+$0x0], $0xffff;
	_ =	sdelay $0x4  }
0xbb: {  	v3 =	vshll.u32 v3, $0x7  }
0xbc: {  	v3 =	vor.u32 v0, v3;
	_ =	sdelay $0x4  }
0xbd: {  	[tilespmem:v3+s13+$0x0] =	vst.idx.add.f32.msk $0xffff, v2  }
0xbe: {  	v3 =	vld.idx.msk [tilespmem:v8+s2+$0x0], $0xffff;
	_ =	sdelay $0x4  }
0xbf: {  	v3 =	vshll.u32 v3, $0x7  }
0xc0: {  	v3 =	vor.u32 v0, v3;
	_ =	sdelay $0x4  }
0xc1: {  	[tilespmem:v3+s13+$0x0] =	vst.idx.add.f32.msk $0xffff, v2  }
0xc2: {  	v3 =	vld.idx.msk [tilespmem:v9+s2+$0x0], $0xffff;
	_ =	sdelay $0x4  }
0xc3: {  	v3 =	vshll.u32 v3, $0x7  }
0xc4: {  	v3 =	vor.u32 v0, v3;
	_ =	sdelay $0x4  }
0xc5: {  	[tilespmem:v3+s13+$0x0] =	vst.idx.add.f32.msk $0xffff, v2  }
0xc6: {  	v3 =	vld [tilespmem:$0x1FED0];
	_ =	sdelay $0x7  }
0xc7: {  	v3 =	vld.idx.msk [tilespmem:v3+s2+$0x0], $0xffff;
	_ =	sdelay $0x4  }
0xc8: {  	v3 =	vshll.u32 v3, $0x7  }
0xc9: {  	v3 =	vor.u32 v0, v3;
	_ =	sdelay $0x4  }
0xca: {  	[tilespmem:v3+s13+$0x0] =	vst.idx.add.f32.msk $0xffff, v2  }
0xcb: {  	v3 =	vld [tilespmem:$0x1FEE0];
	_ =	sdelay $0x7  }
0xcc: {  	v3 =	vld.idx.msk [tilespmem:v3+s2+$0x0], $0xffff;
	_ =	sdelay $0x4  }
0xcd: {  	v3 =	vshll.u32 v3, $0x7  }
0xce: {  	v3 =	vor.u32 v0, v3;
	_ =	sdelay $0x4  }
0xcf: {  	[tilespmem:v3+s13+$0x0] =	vst.idx.add.f32.msk $0xffff, v2  }
0xd0: {  	v3 =	vld [tilespmem:$0x1FEF0];
	_ =	sdelay $0x7  }
0xd1: {  	v3 =	vld.idx.msk [tilespmem:v3+s2+$0x0], $0xffff;
	_ =	sdelay $0x4  }
0xd2: {  	v3 =	vshll.u32 v3, $0x7  }
0xd3: {  	v3 =	vor.u32 v0, v3;
	_ =	sdelay $0x4  }
0xd4: {  	[tilespmem:v3+s13+$0x0] =	vst.idx.add.f32.msk $0xffff, v2  }
0xd5: {  	v3 =	vld [tilespmem:$0x1FF00];
	_ =	sdelay $0x7  }
0xd6: {  	v3 =	vld.idx.msk [tilespmem:v3+s2+$0x0], $0xffff;
	_ =	sdelay $0x4  }
0xd7: {  	v3 =	vshll.u32 v3, $0x7  }
0xd8: {  	v3 =	vor.u32 v0, v3;
	_ =	sdelay $0x4  }
0xd9: {  	[tilespmem:v3+s13+$0x0] =	vst.idx.add.f32.msk $0xffff, v2  }
0xda: {  	v3 =	vld [tilespmem:$0x1FF10];
	_ =	sdelay $0x7  }
0xdb: {  	v3 =	vld.idx.msk [tilespmem:v3+s2+$0x0], $0xffff;
	_ =	sdelay $0x4  }
0xdc: {  	v3 =	vshll.u32 v3, $0x7  }
0xdd: {  	v3 =	vor.u32 v0, v3;
	_ =	sdelay $0x4  }
0xde: {  	[tilespmem:v3+s13+$0x0] =	vst.idx.add.f32.msk $0xffff, v2  }
0xdf: {  	v3 =	vld [tilespmem:$0x1FF20];
	_ =	sdelay $0x7  }
0xe0: {  	v3 =	vld.idx.msk [tilespmem:v3+s2+$0x0], $0xffff;
	_ =	sdelay $0x4  }
0xe1: {  	v3 =	vshll.u32 v3, $0x7  }
0xe2: {  	v3 =	vor.u32 v0, v3;
	_ =	sdelay $0x4  }
0xe3: {  	[tilespmem:v3+s13+$0x0] =	vst.idx.add.f32.msk $0xffff, v2  }
0xe4: {  	v3 =	vld [tilespmem:$0x1FF30];
	_ =	sdelay $0x7  }
0xe5: {  	v3 =	vld.idx.msk [tilespmem:v3+s2+$0x0], $0xffff;
	_ =	sdelay $0x4  }
0xe6: {  	v3 =	vshll.u32 v3, $0x7  }
0xe7: {  	v3 =	vor.u32 v0, v3;
	_ =	sdelay $0x4  }
0xe8: {  	[tilespmem:v3+s13+$0x0] =	vst.idx.add.f32.msk $0xffff, v2  }
0xe9: {  	v3 =	vld [tilespmem:$0x1FF40];
	_ =	sdelay $0x7  }
0xea: {  	v3 =	vld.idx.msk [tilespmem:v3+s2+$0x0], $0xffff;
	_ =	sdelay $0x4  }
0xeb: {  	v3 =	vshll.u32 v3, $0x7  }
0xec: {  	v3 =	vor.u32 v0, v3;
	_ =	sdelay $0x4  }
0xed: {  	[tilespmem:v3+s13+$0x0] =	vst.idx.add.f32.msk $0xffff, v2  }
0xee: {  	v3 =	vld.idx.msk [tilespmem:v18+s2+$0x0], $0xffff;
	_ =	sdelay $0x4  }
0xef: {  	v3 =	vshll.u32 v3, $0x7  }
0xf0: {  	v3 =	vor.u32 v18, v3;
	_ =	sdelay $0x4  }
0xf1: {  	[tilespmem:v3+s13+$0x0] =	vst.idx.add.f32.msk $0xffff, v2  }
0xf2: {  	v3 =	vld [tilespmem:$0x1FF50];
	_ =	sdelay $0x7  }
0xf3: {  	v3 =	vld.idx.msk [tilespmem:v3+s2+$0x0], $0xffff;
	_ =	sdelay $0x4  }
0xf4: {  	v3 =	vshll.u32 v3, $0x7  }
0xf5: {  	v3 =	vor.u32 v18, v3;
	_ =	sdelay $0x4  }
0xf6: {  	[tilespmem:v3+s13+$0x0] =	vst.idx.add.f32.msk $0xffff, v2  }
0xf7: {  	v3 =	vld [tilespmem:$0x1FF60];
	_ =	sdelay $0x7  }
0xf8: {  	v3 =	vld.idx.msk [tilespmem:v3+s2+$0x0], $0xffff;
	_ =	sdelay $0x4  }
0xf9: {  	v3 =	vshll.u32 v3, $0x7  }
0xfa: {  	v3 =	vor.u32 v18, v3;
	_ =	sdelay $0x4  }
0xfb: {  	[tilespmem:v3+s13+$0x0] =	vst.idx.add.f32.msk $0xffff, v2  }
0xfc: {  	v3 =	vld [tilespmem:$0x1FF70];
	_ =	sdelay $0x7  }
0xfd: {  	v3 =	vld.idx.msk [tilespmem:v3+s2+$0x0], $0xffff;
	_ =	sdelay $0x4  }
0xfe: {  	v3 =	vshll.u32 v3, $0x7  }
0xff: {  	v3 =	vor.u32 v18, v3;
	_ =	sdelay $0x4  }
0x100: {  	[tilespmem:v3+s13+$0x0] =	vst.idx.add.f32.msk $0xffff, v2  }
0x101: {  	v3 =	vld.idx.msk [tilespmem:v22+s2+$0x0], $0xffff;
	_ =	sdelay $0x4  }
0x102: {  	v3 =	vshll.u32 v3, $0x7  }
0x103: {  	v3 =	vor.u32 v18, v3;
	_ =	sdelay $0x4  }
0x104: {  	[tilespmem:v3+s13+$0x0] =	vst.idx.add.f32.msk $0xffff, v2  }
0x105: {  	v3 =	vld.idx.msk [tilespmem:v23+s2+$0x0], $0xffff;
	_ =	sdelay $0x4  }
0x106: {  	v3 =	vshll.u32 v3, $0x7  }
0x107: {  	v3 =	vor.u32 v18, v3;
	_ =	sdelay $0x4  }
0x108: {  	[tilespmem:v3+s13+$0x0] =	vst.idx.add.f32.msk $0xffff, v2  }
0x109: {  	v3 =	vld.idx.msk [tilespmem:v24+s2+$0x0], $0xffff;
	_ =	sdelay $0x4  }
0x10a: {  	v3 =	vshll.u32 v3, $0x7  }
0x10b: {  	v3 =	vor.u32 v18, v3;
	_ =	sdelay $0x4  }
0x10c: {  	[tilespmem:v3+s13+$0x0] =	vst.idx.add.f32.msk $0xffff, v2  }
0x10d: {  	v3 =	vld.idx.msk [tilespmem:v25+s2+$0x0], $0xffff;
	_ =	sdelay $0x4  }
0x10e: {  	v3 =	vshll.u32 v3, $0x7  }
0x10f: {  	v3 =	vor.u32 v18, v3;
	_ =	sdelay $0x4  }
0x110: {  	[tilespmem:v3+s13+$0x0] =	vst.idx.add.f32.msk $0xffff, v2  }
0x111: {  	v3 =	vld [tilespmem:$0x1FF80];
	_ =	sdelay $0x7  }
0x112: {  	v3 =	vld.idx.msk [tilespmem:v3+s2+$0x0], $0xffff;
	_ =	sdelay $0x4  }
0x113: {  	v3 =	vshll.u32 v3, $0x7  }
0x114: {  	v3 =	vor.u32 v18, v3;
	_ =	sdelay $0x4  }
0x115: {  	[tilespmem:v3+s13+$0x0] =	vst.idx.add.f32.msk $0xffff, v2  }
0x116: {  	v3 =	vld [tilespmem:$0x1FF90];
	_ =	sdelay $0x7  }
0x117: {  	v3 =	vld.idx.msk [tilespmem:v3+s2+$0x0], $0xffff;
	_ =	sdelay $0x4  }
0x118: {  	v3 =	vshll.u32 v3, $0x7  }
0x119: {  	v3 =	vor.u32 v18, v3;
	_ =	sdelay $0x4  }
0x11a: {  	[tilespmem:v3+s13+$0x0] =	vst.idx.add.f32.msk $0xffff, v2  }
0x11b: {  	v3 =	vld [tilespmem:$0x1FFA0];
	_ =	sdelay $0x7  }
0x11c: {  	v3 =	vld.idx.msk [tilespmem:v3+s2+$0x0], $0xffff;
	_ =	sdelay $0x4  }
0x11d: {  	v3 =	vshll.u32 v3, $0x7  }
0x11e: {  	v3 =	vor.u32 v18, v3;
	_ =	sdelay $0x4  }
0x11f: {  	[tilespmem:v3+s13+$0x0] =	vst.idx.add.f32.msk $0xffff, v2  }
0x120: {  	v3 =	vld [tilespmem:$0x1FFB0];
	_ =	sdelay $0x7  }
0x121: {  	v3 =	vld.idx.msk [tilespmem:v3+s2+$0x0], $0xffff;
	_ =	sdelay $0x4  }
0x122: {  	v3 =	vshll.u32 v3, $0x7  }
0x123: {  	v3 =	vor.u32 v18, v3;
	_ =	sdelay $0x4  }
0x124: {  	[tilespmem:v3+s13+$0x0] =	vst.idx.add.f32.msk $0xffff, v2  }
0x125: {  	v3 =	vld [tilespmem:$0x1FFC0];
	_ =	sdelay $0x7  }
0x126: {  	v3 =	vld.idx.msk [tilespmem:v3+s2+$0x0], $0xffff;
	_ =	sdelay $0x4  }
0x127: {  	v3 =	vshll.u32 v3, $0x7  }
0x128: {  	v3 =	vor.u32 v18, v3;
	_ =	sdelay $0x4  }
0x129: {  	[tilespmem:v3+s13+$0x0] =	vst.idx.add.f32.msk $0xffff, v2  }
0x12a: {  	v3 =	vld [tilespmem:$0x1FFD0];
	_ =	sdelay $0x7  }
0x12b: {  	v3 =	vld.idx.msk [tilespmem:v3+s2+$0x0], $0xffff;
	_ =	sdelay $0x4  }
0x12c: {  	v3 =	vshll.u32 v3, $0x7  }
0x12d: {  	v3 =	vor.u32 v18, v3;
	_ =	sdelay $0x4  }
0x12e: {  	[tilespmem:v3+s13+$0x0] =	vst.idx.add.f32.msk $0xffff, v2  }
0x12f: {  	v3 =	vld [tilespmem:$0x1FFE0];
	_ =	sdelay $0x7  }
0x130: {  	v3 =	vld.idx.msk [tilespmem:v3+s2+$0x0], $0xffff;
	_ =	sdelay $0x4  }
0x131: {  	v3 =	vshll.u32 v3, $0x7  }
0x132: {  	v3 =	vor.u32 v18, v3;
	_ =	sdelay $0x4  }
0x133: {  	[tilespmem:v3+s13+$0x0] =	vst.idx.add.f32.msk $0xffff, v2  }
0x134: {  	v3 =	vld [tilespmem:$0x1FFF0];
	_ =	sdelay $0x7  }
0x135: {  	v3 =	vld.idx.msk [tilespmem:v3+s2+$0x0], $0xffff;
	_ =	sdelay $0x4  }
0x136: {  	v3 =	vshll.u32 v3, $0x7  }
0x137: {  	v3 =	vor.u32 v18, v3;
	_ =	sdelay $0x4  }
0x138: {  	[tilespmem:v3+s13+$0x0] =	vst.idx.add.f32.msk $0xffff, v2  }
0x139: {  	v3 =	vld.idx.msk [tilespmem:v34+s2+$0x0], $0xffff;
	_ =	sdelay $0x4  }
0x13a: {  	v3 =	vshll.u32 v3, $0x7  }
0x13b: {  	v3 =	vor.u32 v34, v3;
	_ =	sdelay $0x4  }
0x13c: {  	[tilespmem:v3+s13+$0x0] =	vst.idx.add.f32.msk $0xffff, v2  }
0x13d: {  	v3 =	vld.idx.msk [tilespmem:v35+s2+$0x0], $0xffff;
	_ =	sdelay $0x4  }
0x13e: {  	v3 =	vshll.u32 v3, $0x7  }
0x13f: {  	v3 =	vor.u32 v34, v3;
	_ =	sdelay $0x4  }
0x140: {  	[tilespmem:v3+s13+$0x0] =	vst.idx.add.f32.msk $0xffff, v2  }
0x141: {  	v3 =	vld.idx.msk [tilespmem:v36+s2+$0x0], $0xffff;
	_ =	sdelay $0x4  }
0x142: {  	v3 =	vshll.u32 v3, $0x7  }
0x143: {  	v3 =	vor.u32 v34, v3;
	_ =	sdelay $0x4  }
0x144: {  	[tilespmem:v3+s13+$0x0] =	vst.idx.add.f32.msk $0xffff, v2  }
0x145: {  	v3 =	vld.idx.msk [tilespmem:v37+s2+$0x0], $0xffff;
	_ =	sdelay $0x4  }
0x146: {  	v3 =	vshll.u32 v3, $0x7  }
0x147: {  	v3 =	vor.u32 v34, v3;
	_ =	sdelay $0x4  }
0x148: {  	[tilespmem:v3+s13+$0x0] =	vst.idx.add.f32.msk $0xffff, v2  }
0x149: {  	v3 =	vld.idx.msk [tilespmem:v38+s2+$0x0], $0xffff;
	_ =	sdelay $0x4  }
0x14a: {  	v3 =	vshll.u32 v3, $0x7  }
0x14b: {  	v3 =	vor.u32 v34, v3;
	_ =	sdelay $0x4  }
0x14c: {  	[tilespmem:v3+s13+$0x0] =	vst.idx.add.f32.msk $0xffff, v2  }
0x14d: {  	v3 =	vld.idx.msk [tilespmem:v39+s2+$0x0], $0xffff;
	_ =	sdelay $0x4  }
0x14e: {  	v3 =	vshll.u32 v3, $0x7  }
0x14f: {  	v3 =	vor.u32 v34, v3;
	_ =	sdelay $0x4  }
0x150: {  	[tilespmem:v3+s13+$0x0] =	vst.idx.add.f32.msk $0xffff, v2  }
0x151: {  	v3 =	vld.idx.msk [tilespmem:v40+s2+$0x0], $0xffff;
	_ =	sdelay $0x4  }
0x152: {  	v3 =	vshll.u32 v3, $0x7  }
0x153: {  	v3 =	vor.u32 v34, v3;
	_ =	sdelay $0x4  }
0x154: {  	[tilespmem:v3+s13+$0x0] =	vst.idx.add.f32.msk $0xffff, v2  }
0x155: {  	v3 =	vld.idx.msk [tilespmem:v41+s2+$0x0], $0xffff;
	_ =	sdelay $0x4  }
0x156: {  	v3 =	vshll.u32 v3, $0x7  }
0x157: {  	v3 =	vor.u32 v34, v3;
	_ =	sdelay $0x4  }
0x158: {  	[tilespmem:v3+s13+$0x0] =	vst.idx.add.f32.msk $0xffff, v2  }
0x159: {  	v3 =	vld.idx.msk [tilespmem:v42+s2+$0x0], $0xffff;
	_ =	sdelay $0x4  }
0x15a: {  	v3 =	vshll.u32 v3, $0x7  }
0x15b: {  	v3 =	vor.u32 v34, v3;
	_ =	sdelay $0x4  }
0x15c: {  	[tilespmem:v3+s13+$0x0] =	vst.idx.add.f32.msk $0xffff, v2  }
0x15d: {  	v3 =	vld.idx.msk [tilespmem:v43+s2+$0x0], $0xffff;
	_ =	sdelay $0x4  }
0x15e: {  	v3 =	vshll.u32 v3, $0x7  }
0x15f: {  	v3 =	vor.u32 v34, v3;
	_ =	sdelay $0x4  }
0x160: {  	[tilespmem:v3+s13+$0x0] =	vst.idx.add.f32.msk $0xffff, v2  }
0x161: {  	v3 =	vld.idx.msk [tilespmem:v44+s2+$0x0], $0xffff;
	_ =	sdelay $0x4  }
0x162: {  	v3 =	vshll.u32 v3, $0x7  }
0x163: {  	v3 =	vor.u32 v34, v3;
	_ =	sdelay $0x4  }
0x164: {  	[tilespmem:v3+s13+$0x0] =	vst.idx.add.f32.msk $0xffff, v2  }
0x165: {  	v3 =	vld.idx.msk [tilespmem:v45+s2+$0x0], $0xffff;
	_ =	sdelay $0x4  }
0x166: {  	v3 =	vshll.u32 v3, $0x7  }
0x167: {  	v3 =	vor.u32 v34, v3;
	_ =	sdelay $0x4  }
0x168: {  	[tilespmem:v3+s13+$0x0] =	vst.idx.add.f32.msk $0xffff, v2  }
0x169: {  	v3 =	vld.idx.msk [tilespmem:v46+s2+$0x0], $0xffff;
	_ =	sdelay $0x4  }
0x16a: {  	v3 =	vshll.u32 v3, $0x7  }
0x16b: {  	v3 =	vor.u32 v34, v3;
	_ =	sdelay $0x4  }
0x16c: {  	[tilespmem:v3+s13+$0x0] =	vst.idx.add.f32.msk $0xffff, v2  }
0x16d: {  	v3 =	vld.idx.msk [tilespmem:v47+s2+$0x0], $0xffff;
	_ =	sdelay $0x4  }
0x16e: {  	v3 =	vshll.u32 v3, $0x7  }
0x16f: {  	v3 =	vor.u32 v34, v3;
	_ =	sdelay $0x4  }
0x170: {  	[tilespmem:v3+s13+$0x0] =	vst.idx.add.f32.msk $0xffff, v2  }
0x171: {  	v3 =	vld.idx.msk [tilespmem:v48+s2+$0x0], $0xffff;
	_ =	sdelay $0x4  }
0x172: {  	v3 =	vshll.u32 v3, $0x7  }
0x173: {  	v3 =	vor.u32 v34, v3;
	_ =	sdelay $0x4  }
0x174: {  	[tilespmem:v3+s13+$0x0] =	vst.idx.add.f32.msk $0xffff, v2  }
0x175: {  	v3 =	vld.idx.msk [tilespmem:v49+s2+$0x0], $0xffff;
	_ =	sdelay $0x4  }
0x176: {  	v3 =	vshll.u32 v3, $0x7  }
0x177: {  	v3 =	vor.u32 v34, v3;
	_ =	sdelay $0x4  }
0x178: {  	[tilespmem:v3+s13+$0x0] =	vst.idx.add.f32.msk $0xffff, v2  }
0x179: {  	v3 =	vld.idx.msk [tilespmem:v50+s2+$0x0], $0xffff;
	_ =	sdelay $0x4  }
0x17a: {  	v3 =	vshll.u32 v3, $0x7  }
0x17b: {  	v3 =	vor.u32 v50, v3;
	_ =	sdelay $0x4  }
0x17c: {  	[tilespmem:v3+s13+$0x0] =	vst.idx.add.f32.msk $0xffff, v2  }
0x17d: {  	v3 =	vld.idx.msk [tilespmem:v51+s2+$0x0], $0xffff;
	_ =	sdelay $0x4  }
0x17e: {  	v3 =	vshll.u32 v3, $0x7  }
0x17f: {  	v3 =	vor.u32 v50, v3;
	_ =	sdelay $0x4  }
0x180: {  	[tilespmem:v3+s13+$0x0] =	vst.idx.add.f32.msk $0xffff, v2  }
0x181: {  	v3 =	vld.idx.msk [tilespmem:v52+s2+$0x0], $0xffff;
	_ =	sdelay $0x4  }
0x182: {  	v3 =	vshll.u32 v3, $0x7  }
0x183: {  	v3 =	vor.u32 v50, v3;
	_ =	sdelay $0x4  }
0x184: {  	[tilespmem:v3+s13+$0x0] =	vst.idx.add.f32.msk $0xffff, v2  }
0x185: {  	v3 =	vld.idx.msk [tilespmem:v53+s2+$0x0], $0xffff;
	_ =	sdelay $0x4  }
0x186: {  	v3 =	vshll.u32 v3, $0x7  }
0x187: {  	v3 =	vor.u32 v50, v3;
	_ =	sdelay $0x4  }
0x188: {  	[tilespmem:v3+s13+$0x0] =	vst.idx.add.f32.msk $0xffff, v2  }
0x189: {  	v3 =	vld.idx.msk [tilespmem:v54+s2+$0x0], $0xffff;
	_ =	sdelay $0x4  }
0x18a: {  	v3 =	vshll.u32 v3, $0x7  }
0x18b: {  	v3 =	vor.u32 v50, v3;
	_ =	sdelay $0x4  }
0x18c: {  	[tilespmem:v3+s13+$0x0] =	vst.idx.add.f32.msk $0xffff, v2  }
0x18d: {  	v3 =	vld.idx.msk [tilespmem:v55+s2+$0x0], $0xffff;
	_ =	sdelay $0x4  }
0x18e: {  	v3 =	vshll.u32 v3, $0x7  }
0x18f: {  	v3 =	vor.u32 v50, v3;
	_ =	sdelay $0x4  }
0x190: {  	[tilespmem:v3+s13+$0x0] =	vst.idx.add.f32.msk $0xffff, v2  }
0x191: {  	v3 =	vld.idx.msk [tilespmem:v56+s2+$0x0], $0xffff;
	_ =	sdelay $0x4  }
0x192: {  	v3 =	vshll.u32 v3, $0x7  }
0x193: {  	v3 =	vor.u32 v50, v3;
	_ =	sdelay $0x4  }
0x194: {  	[tilespmem:v3+s13+$0x0] =	vst.idx.add.f32.msk $0xffff, v2  }
0x195: {  	v3 =	vld.idx.msk [tilespmem:v57+s2+$0x0], $0xffff;
	_ =	sdelay $0x4  }
0x196: {  	v3 =	vshll.u32 v3, $0x7  }
0x197: {  	v3 =	vor.u32 v50, v3;
	_ =	sdelay $0x4  }
0x198: {  	[tilespmem:v3+s13+$0x0] =	vst.idx.add.f32.msk $0xffff, v2  }
0x199: {  	v3 =	vld.idx.msk [tilespmem:v58+s2+$0x0], $0xffff;
	_ =	sdelay $0x4  }
0x19a: {  	v3 =	vshll.u32 v3, $0x7  }
0x19b: {  	v3 =	vor.u32 v50, v3;
	_ =	sdelay $0x4  }
0x19c: {  	[tilespmem:v3+s13+$0x0] =	vst.idx.add.f32.msk $0xffff, v2  }
0x19d: {  	v3 =	vld.idx.msk [tilespmem:v59+s2+$0x0], $0xffff;
	_ =	sdelay $0x4  }
0x19e: {  	v3 =	vshll.u32 v3, $0x7  }
0x19f: {  	v3 =	vor.u32 v50, v3;
	_ =	sdelay $0x4  }
0x1a0: {  	[tilespmem:v3+s13+$0x0] =	vst.idx.add.f32.msk $0xffff, v2  }
0x1a1: {  	v3 =	vld.idx.msk [tilespmem:v60+s2+$0x0], $0xffff;
	_ =	sdelay $0x4  }
0x1a2: {  	v3 =	vshll.u32 v3, $0x7  }
0x1a3: {  	v3 =	vor.u32 v50, v3;
	_ =	sdelay $0x4  }
0x1a4: {  	[tilespmem:v3+s13+$0x0] =	vst.idx.add.f32.msk $0xffff, v2  }
0x1a5: {  	v3 =	vld.idx.msk [tilespmem:v61+s2+$0x0], $0xffff;
	_ =	sdelay $0x4  }
0x1a6: {  	v3 =	vshll.u32 v3, $0x7  }
0x1a7: {  	v3 =	vor.u32 v50, v3;
	_ =	sdelay $0x4  }
0x1a8: {  	[tilespmem:v3+s13+$0x0] =	vst.idx.add.f32.msk $0xffff, v2  }
0x1a9: {  	v3 =	vld.idx.msk [tilespmem:v62+s2+$0x0], $0xffff;
	_ =	sdelay $0x4  }
0x1aa: {  	v3 =	vshll.u32 v3, $0x7  }
0x1ab: {  	v3 =	vor.u32 v50, v3;
	_ =	sdelay $0x4  }
0x1ac: {  	[tilespmem:v3+s13+$0x0] =	vst.idx.add.f32.msk $0xffff, v2  }
0x1ad: {  	v3 =	vld.idx.msk [tilespmem:v63+s2+$0x0], $0xffff;
	_ =	sdelay $0x4  }
0x1ae: {  	v3 =	vshll.u32 v3, $0x7  }
0x1af: {  	v3 =	vor.u32 v50, v3  }
0x1b0: {  	v4 =	vor.u32 $0x730, v0;
	_ =	sdelay $0x3  }
0x1b1: {  	[tilespmem:v3+s13+$0x0] =	vst.idx.add.f32.msk $0xffff, v2  }
0x1b2: {  	v3 =	vld.idx.msk [tilespmem:v4+s2+$0x0], $0xffff;
	_ =	sdelay $0x4  }
0x1b3: {  	v3 =	vshll.u32 v3, $0x7  }
0x1b4: {  	v3 =	vor.u32 v50, v3  }
0x1b5: {  	v4 =	vor.u32 $0x7B0, v0;
	_ =	sdelay $0x3  }
0x1b6: {  	[tilespmem:v3+s13+$0x0] =	vst.idx.add.f32.msk $0xffff, v2  }
0x1b7: {  	v3 =	vld.idx.msk [tilespmem:v4+s2+$0x0], $0xffff;
	_ =	sdelay $0x4  }
0x1b8: {  	v3 =	vshll.u32 v3, $0x7  }
0x1b9: {  	v4 =	vor.u32 v50, v3  }
0x1ba: {  	v3 =	vor.u32 $0x40, v0;
	_ =	sdelay $0x3  }
0x1bb: {  	[tilespmem:v4+s13+$0x0] =	vst.idx.add.f32.msk $0xffff, v2  }
0x1bc: {  	v4 =	vld.idx.msk [tilespmem:v3+s2+$0x0], $0xffff;
	_ =	sdelay $0x4  }
0x1bd: {  	v4 =	vshll.u32 v4, $0x7  }
0x1be: {  	v4 =	vor.u32 v3, v4  }
0x1bf: {  	v5 =	vor.u32 $0xC0, v0;
	_ =	sdelay $0x3  }
0x1c0: {  	[tilespmem:v4+s13+$0x0] =	vst.idx.add.f32.msk $0xffff, v2  }
0x1c1: {  	v4 =	vld.idx.msk [tilespmem:v5+s2+$0x0], $0xffff;
	_ =	sdelay $0x4  }
0x1c2: {  	v4 =	vshll.u32 v4, $0x7  }
0x1c3: {  	v4 =	vor.u32 v3, v4  }
0x1c4: {  	v5 =	vor.u32 $0x140, v0;
	_ =	sdelay $0x3  }
0x1c5: {  	[tilespmem:v4+s13+$0x0] =	vst.idx.add.f32.msk $0xffff, v2  }
0x1c6: {  	v4 =	vld.idx.msk [tilespmem:v5+s2+$0x0], $0xffff;
	_ =	sdelay $0x4  }
0x1c7: {  	v4 =	vshll.u32 v4, $0x7  }
0x1c8: {  	v4 =	vor.u32 v3, v4  }
0x1c9: {  	v5 =	vor.u32 $0x1C0, v0;
	_ =	sdelay $0x3  }
0x1ca: {  	[tilespmem:v4+s13+$0x0] =	vst.idx.add.f32.msk $0xffff, v2  }
0x1cb: {  	v4 =	vld.idx.msk [tilespmem:v5+s2+$0x0], $0xffff;
	_ =	sdelay $0x4  }
0x1cc: {  	v4 =	vshll.u32 v4, $0x7  }
0x1cd: {  	v5 =	vor.u32 v3, v4  }
0x1ce: {  	v4 =	vor.u32 $0x240, v0;
	_ =	sdelay $0x3  }
0x1cf: {  	[tilespmem:v5+s13+$0x0] =	vst.idx.add.f32.msk $0xffff, v2  }
0x1d0: {  	v5 =	vld.idx.msk [tilespmem:v4+s2+$0x0], $0xffff;
	_ =	sdelay $0x4  }
0x1d1: {  	v5 =	vshll.u32 v5, $0x7  }
0x1d2: {  	v10 =	vor.u32 v3, v5  }
0x1d3: {  	v5 =	vor.u32 $0x2C0, v0;
	_ =	sdelay $0x3  }
0x1d4: {  	[tilespmem:v10+s13+$0x0] =	vst.idx.add.f32.msk $0xffff, v2  }
0x1d5: {  	v10 =	vld.idx.msk [tilespmem:v5+s2+$0x0], $0xffff;
	_ =	sdelay $0x4  }
0x1d6: {  	v10 =	vshll.u32 v10, $0x7  }
0x1d7: {  	v11 =	vor.u32 v3, v10  }
0x1d8: {  	v10 =	vor.u32 $0x340, v0;
	_ =	sdelay $0x3  }
0x1d9: {  	[tilespmem:v11+s13+$0x0] =	vst.idx.add.f32.msk $0xffff, v2  }
0x1da: {  	v11 =	vld.idx.msk [tilespmem:v10+s2+$0x0], $0xffff;
	_ =	sdelay $0x4  }
0x1db: {  	v11 =	vshll.u32 v11, $0x7  }
0x1dc: {  	v12 =	vor.u32 v3, v11  }
0x1dd: {  	v11 =	vor.u32 $0x3C0, v0;
	_ =	sdelay $0x3  }
0x1de: {  	[tilespmem:v12+s13+$0x0] =	vst.idx.add.f32.msk $0xffff, v2  }
0x1df: {  	v12 =	vld.idx.msk [tilespmem:v11+s2+$0x0], $0xffff;
	_ =	sdelay $0x4  }
0x1e0: {  	v12 =	vshll.u32 v12, $0x7  }
0x1e1: {  	v12 =	vor.u32 v3, v12  }
0x1e2: {  	v13 =	vor.u32 $0x440, v0;
	_ =	sdelay $0x3  }
0x1e3: {  	[tilespmem:v12+s13+$0x0] =	vst.idx.add.f32.msk $0xffff, v2  }
0x1e4: {  	v12 =	vld.idx.msk [tilespmem:v13+s2+$0x0], $0xffff;
	_ =	sdelay $0x4  }
0x1e5: {  	v12 =	vshll.u32 v12, $0x7  }
0x1e6: {  	v12 =	vor.u32 v3, v12  }
0x1e7: {  	v28 =	vor.u32 $0x4C0, v0;
	_ =	sdelay $0x3  }
0x1e8: {  	[tilespmem:v12+s13+$0x0] =	vst.idx.add.f32.msk $0xffff, v2  }
0x1e9: {  	v12 =	vld.idx.msk [tilespmem:v28+s2+$0x0], $0xffff;
	_ =	sdelay $0x4  }
0x1ea: {  	v12 =	vshll.u32 v12, $0x7  }
0x1eb: {  	v12 =	vor.u32 v3, v12  }
0x1ec: {  	v29 =	vor.u32 $0x540, v0;
	_ =	sdelay $0x3  }
0x1ed: {  	[tilespmem:v12+s13+$0x0] =	vst.idx.add.f32.msk $0xffff, v2  }
0x1ee: {  	v12 =	vld.idx.msk [tilespmem:v29+s2+$0x0], $0xffff;
	_ =	sdelay $0x4  }
0x1ef: {  	v12 =	vshll.u32 v12, $0x7  }
0x1f0: {  	v12 =	vor.u32 v3, v12  }
0x1f1: {  	v30 =	vor.u32 $0x5C0, v0;
	_ =	sdelay $0x3  }
0x1f2: {  	[tilespmem:v12+s13+$0x0] =	vst.idx.add.f32.msk $0xffff, v2  }
0x1f3: {  	v12 =	vld.idx.msk [tilespmem:v30+s2+$0x0], $0xffff;
	_ =	sdelay $0x4  }
0x1f4: {  	v12 =	vshll.u32 v12, $0x7  }
0x1f5: {  	v12 =	vor.u32 v3, v12  }
0x1f6: {  	v31 =	vor.u32 $0x640, v0;
	_ =	sdelay $0x3  }
0x1f7: {  	[tilespmem:v12+s13+$0x0] =	vst.idx.add.f32.msk $0xffff, v2  }
0x1f8: {  	v12 =	vld.idx.msk [tilespmem:v31+s2+$0x0], $0xffff;
	_ =	sdelay $0x4  }
0x1f9: {  	v12 =	vshll.u32 v12, $0x7  }
0x1fa: {  	v12 =	vor.u32 v3, v12  }
0x1fb: {  	v32 =	vor.u32 $0x6C0, v0;
	_ =	sdelay $0x3  }
0x1fc: {  	[tilespmem:v12+s13+$0x0] =	vst.idx.add.f32.msk $0xffff, v2  }
0x1fd: {  	v12 =	vld.idx.msk [tilespmem:v32+s2+$0x0], $0xffff;
	_ =	sdelay $0x4  }
0x1fe: {  	v12 =	vshll.u32 v12, $0x7  }
0x1ff: {  	v12 =	vor.u32 v3, v12  }
0x200: {  	v33 =	vor.u32 $0x740, v0;
	_ =	sdelay $0x3  }
0x201: {  	[tilespmem:v12+s13+$0x0] =	vst.idx.add.f32.msk $0xffff, v2  }
0x202: {  	v12 =	vld.idx.msk [tilespmem:v33+s2+$0x0], $0xffff;
	_ =	sdelay $0x4  }
0x203: {  	v12 =	vshll.u32 v12, $0x7  }
0x204: {  	v12 =	vor.u32 v3, v12  }
0x205: {  	v28 =	vor.u32 $0x7C0, v0;
	_ =	sdelay $0x3  }
0x206: {  	[tilespmem:v12+s13+$0x0] =	vst.idx.add.f32.msk $0xffff, v2  }
0x207: {  	v12 =	vld.idx.msk [tilespmem:v28+s2+$0x0], $0xffff;
	_ =	sdelay $0x4  }
0x208: {  	v12 =	vshll.u32 v12, $0x7  }
0x209: {  	v29 =	vor.u32 v3, v12  }
0x20a: {  	v12 =	vor.u32 $0x50, v0;
	_ =	sdelay $0x3  }
0x20b: {  	[tilespmem:v29+s13+$0x0] =	vst.idx.add.f32.msk $0xffff, v2  }
0x20c: {  	v13 =	vld.idx.msk [tilespmem:v12+s2+$0x0], $0xffff;
	_ =	sdelay $0x4  }
0x20d: {  	v13 =	vshll.u32 v13, $0x7  }
0x20e: {  	v13 =	vor.u32 v12, v13  }
0x20f: {  	v14 =	vor.u32 $0xD0, v0;
	_ =	sdelay $0x3  }
0x210: {  	[tilespmem:v13+s13+$0x0] =	vst.idx.add.f32.msk $0xffff, v2  }
0x211: {  	v13 =	vld.idx.msk [tilespmem:v14+s2+$0x0], $0xffff;
	_ =	sdelay $0x4  }
0x212: {  	v13 =	vshll.u32 v13, $0x7  }
0x213: {  	v13 =	vor.u32 v12, v13  }
0x214: {  	v30 =	vor.u32 $0x150, v0;
	_ =	sdelay $0x3  }
0x215: {  	[tilespmem:v13+s13+$0x0] =	vst.idx.add.f32.msk $0xffff, v2  }
0x216: {  	v13 =	vld.idx.msk [tilespmem:v30+s2+$0x0], $0xffff;
	_ =	sdelay $0x4  }
0x217: {  	v13 =	vshll.u32 v13, $0x7  }
0x218: {  	v13 =	vor.u32 v12, v13  }
0x219: {  	v31 =	vor.u32 $0x1D0, v0;
	_ =	sdelay $0x3  }
0x21a: {  	[tilespmem:v13+s13+$0x0] =	vst.idx.add.f32.msk $0xffff, v2  }
0x21b: {  	v13 =	vld.idx.msk [tilespmem:v31+s2+$0x0], $0xffff;
	_ =	sdelay $0x4  }
0x21c: {  	v13 =	vshll.u32 v13, $0x7  }
0x21d: {  	v32 =	vor.u32 v12, v13  }
0x21e: {  	v13 =	vor.u32 $0x250, v0;
	_ =	sdelay $0x3  }
0x21f: {  	[tilespmem:v32+s13+$0x0] =	vst.idx.add.f32.msk $0xffff, v2  }
0x220: {  	v14 =	vld.idx.msk [tilespmem:v13+s2+$0x0], $0xffff;
	_ =	sdelay $0x4  }
0x221: {  	v14 =	vshll.u32 v14, $0x7  }
0x222: {  	v15 =	vor.u32 v12, v14  }
0x223: {  	v14 =	vor.u32 $0x2D0, v0;
	_ =	sdelay $0x3  }
0x224: {  	[tilespmem:v15+s13+$0x0] =	vst.idx.add.f32.msk $0xffff, v2  }
0x225: {  	v15 =	vld.idx.msk [tilespmem:v14+s2+$0x0], $0xffff;
	_ =	sdelay $0x4  }
0x226: {  	v15 =	vshll.u32 v15, $0x7  }
0x227: {  	v16 =	vor.u32 v12, v15  }
0x228: {  	v15 =	vor.u32 $0x350, v0;
	_ =	sdelay $0x3  }
0x229: {  	[tilespmem:v16+s13+$0x0] =	vst.idx.add.f32.msk $0xffff, v2  }
0x22a: {  	v16 =	vld.idx.msk [tilespmem:v15+s2+$0x0], $0xffff;
	_ =	sdelay $0x4  }
0x22b: {  	v16 =	vshll.u32 v16, $0x7  }
0x22c: {  	v17 =	vor.u32 v12, v16  }
0x22d: {  	v16 =	vor.u32 $0x3D0, v0;
	_ =	sdelay $0x3  }
0x22e: {  	[tilespmem:v17+s13+$0x0] =	vst.idx.add.f32.msk $0xffff, v2  }
0x22f: {  	v17 =	vld.idx.msk [tilespmem:v16+s2+$0x0], $0xffff;
	_ =	sdelay $0x4  }
0x230: {  	v17 =	vshll.u32 v17, $0x7  }
0x231: {  	v17 =	vor.u32 v12, v17  }
0x232: {  	v19 =	vor.u32 $0x450, v0;
	_ =	sdelay $0x3  }
0x233: {  	[tilespmem:v17+s13+$0x0] =	vst.idx.add.f32.msk $0xffff, v2  }
0x234: {  	v17 =	vld.idx.msk [tilespmem:v19+s2+$0x0], $0xffff;
	_ =	sdelay $0x4  }
0x235: {  	v17 =	vshll.u32 v17, $0x7  }
0x236: {  	v17 =	vor.u32 v12, v17  }
0x237: {  	v19 =	vor.u32 $0x4D0, v0;
	_ =	sdelay $0x3  }
0x238: {  	[tilespmem:v17+s13+$0x0] =	vst.idx.add.f32.msk $0xffff, v2  }
0x239: {  	v17 =	vld.idx.msk [tilespmem:v19+s2+$0x0], $0xffff;
	_ =	sdelay $0x4  }
0x23a: {  	v17 =	vshll.u32 v17, $0x7  }
0x23b: {  	v17 =	vor.u32 v12, v17  }
0x23c: {  	v19 =	vor.u32 $0x550, v0;
	_ =	sdelay $0x3  }
0x23d: {  	[tilespmem:v17+s13+$0x0] =	vst.idx.add.f32.msk $0xffff, v2  }
0x23e: {  	v17 =	vld.idx.msk [tilespmem:v19+s2+$0x0], $0xffff;
	_ =	sdelay $0x4  }
0x23f: {  	v17 =	vshll.u32 v17, $0x7  }
0x240: {  	v17 =	vor.u32 v12, v17  }
0x241: {  	v19 =	vor.u32 $0x5D0, v0;
	_ =	sdelay $0x3  }
0x242: {  	[tilespmem:v17+s13+$0x0] =	vst.idx.add.f32.msk $0xffff, v2  }
0x243: {  	v17 =	vld.idx.msk [tilespmem:v19+s2+$0x0], $0xffff;
	_ =	sdelay $0x4  }
0x244: {  	v17 =	vshll.u32 v17, $0x7  }
0x245: {  	v17 =	vor.u32 v12, v17  }
0x246: {  	v19 =	vor.u32 $0x650, v0;
	_ =	sdelay $0x3  }
0x247: {  	[tilespmem:v17+s13+$0x0] =	vst.idx.add.f32.msk $0xffff, v2  }
0x248: {  	v17 =	vld.idx.msk [tilespmem:v19+s2+$0x0], $0xffff;
	_ =	sdelay $0x4  }
0x249: {  	v17 =	vshll.u32 v17, $0x7  }
0x24a: {  	v17 =	vor.u32 v12, v17  }
0x24b: {  	v19 =	vor.u32 $0x6D0, v0;
	_ =	sdelay $0x3  }
0x24c: {  	[tilespmem:v17+s13+$0x0] =	vst.idx.add.f32.msk $0xffff, v2  }
0x24d: {  	v17 =	vld.idx.msk [tilespmem:v19+s2+$0x0], $0xffff;
	_ =	sdelay $0x4  }
0x24e: {  	v17 =	vshll.u32 v17, $0x7  }
0x24f: {  	v17 =	vor.u32 v12, v17  }
0x250: {  	v19 =	vor.u32 $0x750, v0;
	_ =	sdelay $0x3  }
0x251: {  	[tilespmem:v17+s13+$0x0] =	vst.idx.add.f32.msk $0xffff, v2  }
0x252: {  	v17 =	vld.idx.msk [tilespmem:v19+s2+$0x0], $0xffff;
	_ =	sdelay $0x4  }
0x253: {  	v17 =	vshll.u32 v17, $0x7  }
0x254: {  	v17 =	vor.u32 v12, v17  }
0x255: {  	v19 =	vor.u32 $0x7D0, v0;
	_ =	sdelay $0x3  }
0x256: {  	[tilespmem:v17+s13+$0x0] =	vst.idx.add.f32.msk $0xffff, v2  }
0x257: {  	v17 =	vld.idx.msk [tilespmem:v19+s2+$0x0], $0xffff;
	_ =	sdelay $0x4  }
0x258: {  	v17 =	vshll.u32 v17, $0x7  }
0x259: {  	v19 =	vor.u32 v12, v17  }
0x25a: {  	v17 =	vor.u32 $0x60, v0;
	_ =	sdelay $0x3  }
0x25b: {  	[tilespmem:v19+s13+$0x0] =	vst.idx.add.f32.msk $0xffff, v2  }
0x25c: {  	v19 =	vld.idx.msk [tilespmem:v17+s2+$0x0], $0xffff;
	_ =	sdelay $0x4  }
0x25d: {  	v19 =	vshll.u32 v19, $0x7  }
0x25e: {  	v19 =	vor.u32 v17, v19  }
0x25f: {  	v20 =	vor.u32 $0xE0, v0;
	_ =	sdelay $0x3  }
0x260: {  	[tilespmem:v19+s13+$0x0] =	vst.idx.add.f32.msk $0xffff, v2  }
0x261: {  	v19 =	vld.idx.msk [tilespmem:v20+s2+$0x0], $0xffff;
	_ =	sdelay $0x4  }
0x262: {  	v19 =	vshll.u32 v19, $0x7  }
0x263: {  	v19 =	vor.u32 v17, v19  }
0x264: {  	v20 =	vor.u32 $0x160, v0;
	_ =	sdelay $0x3  }
0x265: {  	[tilespmem:v19+s13+$0x0] =	vst.idx.add.f32.msk $0xffff, v2  }
0x266: {  	v19 =	vld.idx.msk [tilespmem:v20+s2+$0x0], $0xffff;
	_ =	sdelay $0x4  }
0x267: {  	v19 =	vshll.u32 v19, $0x7  }
0x268: {  	v19 =	vor.u32 v17, v19  }
0x269: {  	v20 =	vor.u32 $0x1E0, v0;
	_ =	sdelay $0x3  }
0x26a: {  	[tilespmem:v19+s13+$0x0] =	vst.idx.add.f32.msk $0xffff, v2  }
0x26b: {  	v19 =	vld.idx.msk [tilespmem:v20+s2+$0x0], $0xffff;
	_ =	sdelay $0x4  }
0x26c: {  	v19 =	vshll.u32 v19, $0x7  }
0x26d: {  	v20 =	vor.u32 v17, v19  }
0x26e: {  	v19 =	vor.u32 $0x260, v0;
	_ =	sdelay $0x3  }
0x26f: {  	[tilespmem:v20+s13+$0x0] =	vst.idx.add.f32.msk $0xffff, v2  }
0x270: {  	v20 =	vld.idx.msk [tilespmem:v19+s2+$0x0], $0xffff;
	_ =	sdelay $0x4  }
0x271: {  	v20 =	vshll.u32 v20, $0x7  }
0x272: {  	v21 =	vor.u32 v17, v20  }
0x273: {  	v20 =	vor.u32 $0x2E0, v0;
	_ =	sdelay $0x3  }
0x274: {  	[tilespmem:v21+s13+$0x0] =	vst.idx.add.f32.msk $0xffff, v2  }
0x275: {  	v21 =	vld.idx.msk [tilespmem:v20+s2+$0x0], $0xffff;
	_ =	sdelay $0x4  }
0x276: {  	v21 =	vshll.u32 v21, $0x7  }
0x277: {  	v26 =	vor.u32 v17, v21  }
0x278: {  	v21 =	vor.u32 $0x360, v0;
	_ =	sdelay $0x3  }
0x279: {  	[tilespmem:v26+s13+$0x0] =	vst.idx.add.f32.msk $0xffff, v2  }
0x27a: {  	v26 =	vld.idx.msk [tilespmem:v21+s2+$0x0], $0xffff;
	_ =	sdelay $0x4  }
0x27b: {  	v26 =	vshll.u32 v26, $0x7  }
0x27c: {  	v27 =	vor.u32 v17, v26  }
0x27d: {  	v26 =	vor.u32 $0x3E0, v0;
	_ =	sdelay $0x3  }
0x27e: {  	[tilespmem:v27+s13+$0x0] =	vst.idx.add.f32.msk $0xffff, v2  }
0x27f: {  	v27 =	vld.idx.msk [tilespmem:v26+s2+$0x0], $0xffff;
	_ =	sdelay $0x4  }
0x280: {  	v27 =	vshll.u32 v27, $0x7  }
0x281: {  	v27 =	vor.u32 v17, v27  }
0x282: {  	v28 =	vor.u32 $0x460, v0;
	_ =	sdelay $0x3  }
0x283: {  	[tilespmem:v27+s13+$0x0] =	vst.idx.add.f32.msk $0xffff, v2  }
0x284: {  	v27 =	vld.idx.msk [tilespmem:v28+s2+$0x0], $0xffff;
	_ =	sdelay $0x4  }
0x285: {  	v27 =	vshll.u32 v27, $0x7  }
0x286: {  	v27 =	vor.u32 v17, v27  }
0x287: {  	v33 =	vor.u32 $0x4E0, v0;
	_ =	sdelay $0x3  }
0x288: {  	[tilespmem:v27+s13+$0x0] =	vst.idx.add.f32.msk $0xffff, v2  }
0x289: {  	v27 =	vld.idx.msk [tilespmem:v33+s2+$0x0], $0xffff;
	_ =	sdelay $0x4  }
0x28a: {  	v27 =	vshll.u32 v27, $0x7  }
0x28b: {  	v27 =	vor.u32 v17, v27  }
0x28c: {  	v32 =	vor.u32 $0x560, v0;
	_ =	sdelay $0x3  }
0x28d: {  	[tilespmem:v27+s13+$0x0] =	vst.idx.add.f32.msk $0xffff, v2  }
0x28e: {  	v27 =	vld.idx.msk [tilespmem:v32+s2+$0x0], $0xffff;
	_ =	sdelay $0x4  }
0x28f: {  	v27 =	vshll.u32 v27, $0x7  }
0x290: {  	v27 =	vor.u32 v17, v27  }
0x291: {  	v33 =	vor.u32 $0x5E0, v0;
	_ =	sdelay $0x3  }
0x292: {  	[tilespmem:v27+s13+$0x0] =	vst.idx.add.f32.msk $0xffff, v2  }
0x293: {  	v27 =	vld.idx.msk [tilespmem:v33+s2+$0x0], $0xffff;
	_ =	sdelay $0x4  }
0x294: {  	v27 =	vshll.u32 v27, $0x7  }
0x295: {  	v27 =	vor.u32 v17, v27  }
0x296: {  	v32 =	vor.u32 $0x660, v0;
	_ =	sdelay $0x3  }
0x297: {  	[tilespmem:v27+s13+$0x0] =	vst.idx.add.f32.msk $0xffff, v2  }
0x298: {  	v27 =	vld.idx.msk [tilespmem:v32+s2+$0x0], $0xffff;
	_ =	sdelay $0x4  }
0x299: {  	v27 =	vshll.u32 v27, $0x7  }
0x29a: {  	v27 =	vor.u32 v17, v27  }
0x29b: {  	v33 =	vor.u32 $0x6E0, v0;
	_ =	sdelay $0x3  }
0x29c: {  	[tilespmem:v27+s13+$0x0] =	vst.idx.add.f32.msk $0xffff, v2  }
0x29d: {  	v27 =	vld.idx.msk [tilespmem:v33+s2+$0x0], $0xffff;
	_ =	sdelay $0x4  }
0x29e: {  	v27 =	vshll.u32 v27, $0x7  }
0x29f: {  	v27 =	vor.u32 v17, v27  }
0x2a0: {  	v32 =	vor.u32 $0x760, v0;
	_ =	sdelay $0x3  }
0x2a1: {  	[tilespmem:v27+s13+$0x0] =	vst.idx.add.f32.msk $0xffff, v2  }
0x2a2: {  	v27 =	vld.idx.msk [tilespmem:v32+s2+$0x0], $0xffff;
	_ =	sdelay $0x4  }
0x2a3: {  	v27 =	vshll.u32 v27, $0x7  }
0x2a4: {  	v27 =	vor.u32 v17, v27  }
0x2a5: {  	v33 =	vor.u32 $0x7E0, v0;
	_ =	sdelay $0x3  }
0x2a6: {  	[tilespmem:v27+s13+$0x0] =	vst.idx.add.f32.msk $0xffff, v2  }
0x2a7: {  	v27 =	vld.idx.msk [tilespmem:v33+s2+$0x0], $0xffff;
	_ =	sdelay $0x4  }
0x2a8: {  	v27 =	vshll.u32 v27, $0x7  }
0x2a9: {  	v32 =	vor.u32 v17, v27  }
0x2aa: {  	v27 =	vor.u32 $0x70, v0;
	_ =	sdelay $0x3  }
0x2ab: {  	[tilespmem:v32+s13+$0x0] =	vst.idx.add.f32.msk $0xffff, v2  }
0x2ac: {  	v28 =	vld.idx.msk [tilespmem:v27+s2+$0x0], $0xffff;
	_ =	sdelay $0x4  }
0x2ad: {  	v28 =	vshll.u32 v28, $0x7  }
0x2ae: {  	v28 =	vor.u32 v27, v28  }
0x2af: {  	v29 =	vor.u32 $0xF0, v0;
	_ =	sdelay $0x3  }
0x2b0: {  	[tilespmem:v28+s13+$0x0] =	vst.idx.add.f32.msk $0xffff, v2  }
0x2b1: {  	v28 =	vld.idx.msk [tilespmem:v29+s2+$0x0], $0xffff;
	_ =	sdelay $0x4  }
0x2b2: {  	v28 =	vshll.u32 v28, $0x7  }
0x2b3: {  	v28 =	vor.u32 v27, v28  }
0x2b4: {  	v33 =	vor.u32 $0x170, v0;
	_ =	sdelay $0x3  }
0x2b5: {  	[tilespmem:v28+s13+$0x0] =	vst.idx.add.f32.msk $0xffff, v2  }
0x2b6: {  	v28 =	vld.idx.msk [tilespmem:v33+s2+$0x0], $0xffff;
	_ =	sdelay $0x4  }
0x2b7: {  	v28 =	vshll.u32 v28, $0x7  }
0x2b8: {  	v28 =	vor.u32 v27, v28  }
0x2b9: {  	v32 =	vor.u32 $0x1F0, v0;
	_ =	sdelay $0x3  }
0x2ba: {  	[tilespmem:v28+s13+$0x0] =	vst.idx.add.f32.msk $0xffff, v2  }
0x2bb: {  	v28 =	vld.idx.msk [tilespmem:v32+s2+$0x0], $0xffff;
	_ =	sdelay $0x4  }
0x2bc: {  	v28 =	vshll.u32 v28, $0x7  }
0x2bd: {  	v33 =	vor.u32 v27, v28  }
0x2be: {  	v28 =	vor.u32 $0x270, v0;
	_ =	sdelay $0x3  }
0x2bf: {  	[tilespmem:v33+s13+$0x0] =	vst.idx.add.f32.msk $0xffff, v2  }
0x2c0: {  	v29 =	vld.idx.msk [tilespmem:v28+s2+$0x0], $0xffff;
	_ =	sdelay $0x4  }
0x2c1: {  	v29 =	vshll.u32 v29, $0x7  }
0x2c2: {  	v30 =	vor.u32 v27, v29  }
0x2c3: {  	v29 =	vor.u32 $0x2F0, v0;
	_ =	sdelay $0x3  }
0x2c4: {  	[tilespmem:v30+s13+$0x0] =	vst.idx.add.f32.msk $0xffff, v2  }
0x2c5: {  	v30 =	vld.idx.msk [tilespmem:v29+s2+$0x0], $0xffff;
	_ =	sdelay $0x4  }
0x2c6: {  	v30 =	vshll.u32 v30, $0x7  }
0x2c7: {  	v31 =	vor.u32 v27, v30  }
0x2c8: {  	v30 =	vor.u32 $0x370, v0;
	_ =	sdelay $0x3  }
0x2c9: {  	[tilespmem:v31+s13+$0x0] =	vst.idx.add.f32.msk $0xffff, v2  }
0x2ca: {  	v31 =	vld.idx.msk [tilespmem:v30+s2+$0x0], $0xffff;
	_ =	sdelay $0x4  }
0x2cb: {  	v31 =	vshll.u32 v31, $0x7  }
0x2cc: {  	v32 =	vor.u32 v27, v31  }
0x2cd: {  	v31 =	vor.u32 $0x3F0, v0;
	_ =	sdelay $0x3  }
0x2ce: {  	[tilespmem:v32+s13+$0x0] =	vst.idx.add.f32.msk $0xffff, v2  }
0x2cf: {  	v32 =	vld.idx.msk [tilespmem:v31+s2+$0x0], $0xffff;
	_ =	sdelay $0x4  }
0x2d0: {  	v32 =	vshll.u32 v32, $0x7  }
0x2d1: {  	v32 =	vor.u32 v27, v32  }
0x2d2: {  	v33 =	vor.u32 $0x470, v0;
	_ =	sdelay $0x3  }
0x2d3: {  	[tilespmem:v32+s13+$0x0] =	vst.idx.add.f32.msk $0xffff, v2  }
0x2d4: {  	v32 =	vld.idx.msk [tilespmem:v33+s2+$0x0], $0xffff;
	_ =	sdelay $0x4  }
0x2d5: {  	v32 =	vshll.u32 v32, $0x7  }
0x2d6: {  	v32 =	vor.u32 v27, v32  }
0x2d7: {  	v33 =	vor.u32 $0x4F0, v0;
	_ =	sdelay $0x3  }
0x2d8: {  	[tilespmem:v32+s13+$0x0] =	vst.idx.add.f32.msk $0xffff, v2  }
0x2d9: {  	v32 =	vld.idx.msk [tilespmem:v33+s2+$0x0], $0xffff;
	_ =	sdelay $0x4  }
0x2da: {  	v32 =	vshll.u32 v32, $0x7  }
0x2db: {  	v32 =	vor.u32 v27, v32  }
0x2dc: {  	v33 =	vor.u32 $0x570, v0;
	_ =	sdelay $0x3  }
0x2dd: {  	[tilespmem:v32+s13+$0x0] =	vst.idx.add.f32.msk $0xffff, v2  }
0x2de: {  	v32 =	vld.idx.msk [tilespmem:v33+s2+$0x0], $0xffff;
	_ =	sdelay $0x4  }
0x2df: {  	v32 =	vshll.u32 v32, $0x7  }
0x2e0: {  	v32 =	vor.u32 v27, v32  }
0x2e1: {  	v33 =	vor.u32 $0x5F0, v0;
	_ =	sdelay $0x3  }
0x2e2: {  	[tilespmem:v32+s13+$0x0] =	vst.idx.add.f32.msk $0xffff, v2  }
0x2e3: {  	v32 =	vld.idx.msk [tilespmem:v33+s2+$0x0], $0xffff;
	_ =	sdelay $0x4  }
0x2e4: {  	v32 =	vshll.u32 v32, $0x7  }
0x2e5: {  	v32 =	vor.u32 v27, v32  }
0x2e6: {  	v33 =	vor.u32 $0x670, v0;
	_ =	sdelay $0x3  }
0x2e7: {  	[tilespmem:v32+s13+$0x0] =	vst.idx.add.f32.msk $0xffff, v2  }
0x2e8: {  	v32 =	vld.idx.msk [tilespmem:v33+s2+$0x0], $0xffff;
	_ =	sdelay $0x4  }
0x2e9: {  	v32 =	vshll.u32 v32, $0x7  }
0x2ea: {  	v32 =	vor.u32 v27, v32  }
0x2eb: {  	v33 =	vor.u32 $0x6F0, v0;
	_ =	sdelay $0x3  }
0x2ec: {  	[tilespmem:v32+s13+$0x0] =	vst.idx.add.f32.msk $0xffff, v2  }
0x2ed: {  	v32 =	vld.idx.msk [tilespmem:v33+s2+$0x0], $0xffff;
	_ =	sdelay $0x4  }
0x2ee: {  	v32 =	vshll.u32 v32, $0x7  }
0x2ef: {  	v32 =	vor.u32 v27, v32  }
0x2f0: {  	v33 =	vor.u32 $0x770, v0;
	_ =	sdelay $0x3  }
0x2f1: {  	[tilespmem:v32+s13+$0x0] =	vst.idx.add.f32.msk $0xffff, v2  }
0x2f2: {  	v32 =	vld.idx.msk [tilespmem:v33+s2+$0x0], $0xffff;
	_ =	sdelay $0x4  }
0x2f3: {  	v32 =	vshll.u32 v32, $0x7  }
0x2f4: {  	v32 =	vor.u32 v27, v32  }
0x2f5: {  	v33 =	vor.u32 $0x7F0, v0;
	_ =	sdelay $0x3  }
0x2f6: {  	[tilespmem:v32+s13+$0x0] =	vst.idx.add.f32.msk $0xffff, v2  }
0x2f7: {  	v32 =	vld.idx.msk [tilespmem:v33+s2+$0x0], $0xffff;
	_ =	sdelay $0x4  }
0x2f8: {  	v32 =	vshll.u32 v32, $0x7  }
0x2f9: {  	v32 =	vor.u32 v27, v32;
	_ =	sdelay $0x4  }
0x2fa: {  	[tilespmem:v32+s13+$0x0] =	vst.idx.add.f32.msk $0xffff, v2  }
0x2fb: {  	[tilespmem:s2], [sflag:$0x3] =	stream.linear.gather [hbm4b:s5+s2], $0x400, $0x38;
	[tilespmem:$0x1FC00] =	vst v63  }
0x2fc: {  	_ =	swait.ge [sflag:s14], $0x400  }
0x2fd: {  	[sflag:s14] =	ssyncset.done $0x0  }
0x2fe: {  	[sflag:s14] =	ssyncadd.s32 $0xFFFFFC00  }
0x2ff: {  	v32 =	vld.idx.msk [tilespmem:v6+s2+$0x0], $0xffff;
	_ =	sdelay $0x4  }
0x300: {  	v32 =	vshll.u32 v32, $0x7  }
0x301: {  	v32 =	vor.u32 v0, v32;
	_ =	sdelay $0x4  }
0x302: {  	[tilespmem:v32+s13+$0x0] =	vst.idx.add.f32.msk $0xffff, v2  }
0x303: {  	v32 =	vld.idx.msk [tilespmem:v7+s2+$0x0], $0xffff;
	_ =	sdelay $0x4  }
0x304: {  	v32 =	vshll.u32 v32, $0x7  }
0x305: {  	v32 =	vor.u32 v0, v32;
	_ =	sdelay $0x4  }
0x306: {  	[tilespmem:v32+s13+$0x0] =	vst.idx.add.f32.msk $0xffff, v2  }
0x307: {  	v32 =	vld.idx.msk [tilespmem:v8+s2+$0x0], $0xffff;
	_ =	sdelay $0x4  }
0x308: {  	v32 =	vshll.u32 v32, $0x7  }
0x309: {  	v32 =	vor.u32 v0, v32;
	_ =	sdelay $0x4  }
0x30a: {  	[tilespmem:v32+s13+$0x0] =	vst.idx.add.f32.msk $0xffff, v2  }
0x30b: {  	v32 =	vld.idx.msk [tilespmem:v9+s2+$0x0], $0xffff;
	_ =	sdelay $0x4  }
0x30c: {  	v32 =	vshll.u32 v32, $0x7  }
0x30d: {  	v32 =	vor.u32 v0, v32;
	_ =	sdelay $0x4  }
0x30e: {  	[tilespmem:v32+s13+$0x0] =	vst.idx.add.f32.msk $0xffff, v2  }
0x30f: {  	v32 =	vld.idx.msk [tilespmem:v22+s2+$0x0], $0xffff;
	_ =	sdelay $0x4  }
0x310: {  	v32 =	vshll.u32 v32, $0x7  }
0x311: {  	v32 =	vor.u32 v18, v32;
	_ =	sdelay $0x4  }
0x312: {  	[tilespmem:v32+s13+$0x0] =	vst.idx.add.f32.msk $0xffff, v2  }
0x313: {  	v32 =	vld.idx.msk [tilespmem:v23+s2+$0x0], $0xffff;
	_ =	sdelay $0x4  }
0x314: {  	v32 =	vshll.u32 v32, $0x7  }
0x315: {  	v32 =	vor.u32 v18, v32;
	_ =	sdelay $0x4  }
0x316: {  	[tilespmem:v32+s13+$0x0] =	vst.idx.add.f32.msk $0xffff, v2  }
0x317: {  	v32 =	vld.idx.msk [tilespmem:v24+s2+$0x0], $0xffff;
	_ =	sdelay $0x4  }
0x318: {  	v32 =	vshll.u32 v32, $0x7  }
0x319: {  	v32 =	vor.u32 v18, v32;
	_ =	sdelay $0x4  }
0x31a: {  	[tilespmem:v32+s13+$0x0] =	vst.idx.add.f32.msk $0xffff, v2  }
0x31b: {  	v32 =	vld.idx.msk [tilespmem:v25+s2+$0x0], $0xffff;
	_ =	sdelay $0x4  }
0x31c: {  	v32 =	vshll.u32 v32, $0x7  }
0x31d: {  	v32 =	vor.u32 v18, v32;
	_ =	sdelay $0x4  }
0x31e: {  	[tilespmem:v32+s13+$0x0] =	vst.idx.add.f32.msk $0xffff, v2  }
0x31f: {  	v32 =	vld.idx.msk [tilespmem:v38+s2+$0x0], $0xffff;
	_ =	sdelay $0x4  }
0x320: {  	v32 =	vshll.u32 v32, $0x7  }
0x321: {  	v32 =	vor.u32 v34, v32;
	_ =	sdelay $0x4  }
0x322: {  	[tilespmem:v32+s13+$0x0] =	vst.idx.add.f32.msk $0xffff, v2  }
0x323: {  	v32 =	vld.idx.msk [tilespmem:v39+s2+$0x0], $0xffff;
	_ =	sdelay $0x4  }
0x324: {  	v32 =	vshll.u32 v32, $0x7  }
0x325: {  	v32 =	vor.u32 v34, v32;
	_ =	sdelay $0x4  }
0x326: {  	[tilespmem:v32+s13+$0x0] =	vst.idx.add.f32.msk $0xffff, v2  }
0x327: {  	v32 =	vld.idx.msk [tilespmem:v40+s2+$0x0], $0xffff;
	_ =	sdelay $0x4  }
0x328: {  	v32 =	vshll.u32 v32, $0x7  }
0x329: {  	v32 =	vor.u32 v34, v32;
	_ =	sdelay $0x4  }
0x32a: {  	[tilespmem:v32+s13+$0x0] =	vst.idx.add.f32.msk $0xffff, v2  }
0x32b: {  	v32 =	vld.idx.msk [tilespmem:v41+s2+$0x0], $0xffff;
	_ =	sdelay $0x4  }
0x32c: {  	v32 =	vshll.u32 v32, $0x7  }
0x32d: {  	v32 =	vor.u32 v34, v32;
	_ =	sdelay $0x4  }
0x32e: {  	[tilespmem:v32+s13+$0x0] =	vst.idx.add.f32.msk $0xffff, v2  }
0x32f: {  	v32 =	vld.idx.msk [tilespmem:v54+s2+$0x0], $0xffff;
	_ =	sdelay $0x4  }
0x330: {  	v32 =	vshll.u32 v32, $0x7  }
0x331: {  	v32 =	vor.u32 v50, v32;
	_ =	sdelay $0x4  }
0x332: {  	[tilespmem:v32+s13+$0x0] =	vst.idx.add.f32.msk $0xffff, v2  }
0x333: {  	v32 =	vld.idx.msk [tilespmem:v55+s2+$0x0], $0xffff;
	_ =	sdelay $0x4  }
0x334: {  	v32 =	vshll.u32 v32, $0x7  }
0x335: {  	v32 =	vor.u32 v50, v32;
	_ =	sdelay $0x4  }
0x336: {  	[tilespmem:v32+s13+$0x0] =	vst.idx.add.f32.msk $0xffff, v2  }
0x337: {  	v32 =	vld.idx.msk [tilespmem:v56+s2+$0x0], $0xffff;
	_ =	sdelay $0x4  }
0x338: {  	v32 =	vshll.u32 v32, $0x7  }
0x339: {  	v32 =	vor.u32 v50, v32;
	_ =	sdelay $0x4  }
0x33a: {  	[tilespmem:v32+s13+$0x0] =	vst.idx.add.f32.msk $0xffff, v2  }
0x33b: {  	v32 =	vld.idx.msk [tilespmem:v57+s2+$0x0], $0xffff;
	_ =	sdelay $0x4  }
0x33c: {  	v32 =	vshll.u32 v32, $0x7  }
0x33d: {  	v32 =	vor.u32 v50, v32;
	_ =	sdelay $0x4  }
0x33e: {  	[tilespmem:v32+s13+$0x0] =	vst.idx.add.f32.msk $0xffff, v2  }
0x33f: {  	v4 =	vld.idx.msk [tilespmem:v4+s2+$0x0], $0xffff;
	_ =	sdelay $0x4  }
0x340: {  	v4 =	vshll.u32 v4, $0x7  }
0x341: {  	v4 =	vor.u32 v3, v4;
	_ =	sdelay $0x4  }
0x342: {  	[tilespmem:v4+s13+$0x0] =	vst.idx.add.f32.msk $0xffff, v2  }
0x343: {  	v4 =	vld.idx.msk [tilespmem:v5+s2+$0x0], $0xffff;
	_ =	sdelay $0x4  }
0x344: {  	v4 =	vshll.u32 v4, $0x7  }
0x345: {  	v4 =	vor.u32 v3, v4;
	_ =	sdelay $0x4  }
0x346: {  	[tilespmem:v4+s13+$0x0] =	vst.idx.add.f32.msk $0xffff, v2  }
0x347: {  	v4 =	vld.idx.msk [tilespmem:v10+s2+$0x0], $0xffff;
	_ =	sdelay $0x4  }
0x348: {  	v4 =	vshll.u32 v4, $0x7  }
0x349: {  	v4 =	vor.u32 v3, v4;
	_ =	sdelay $0x4  }
0x34a: {  	[tilespmem:v4+s13+$0x0] =	vst.idx.add.f32.msk $0xffff, v2  }
0x34b: {  	v4 =	vld.idx.msk [tilespmem:v11+s2+$0x0], $0xffff;
	_ =	sdelay $0x4  }
0x34c: {  	v4 =	vshll.u32 v4, $0x7  }
0x34d: {  	v3 =	vor.u32 v3, v4;
	_ =	sdelay $0x4  }
0x34e: {  	[tilespmem:v3+s13+$0x0] =	vst.idx.add.f32.msk $0xffff, v2  }
0x34f: {  	v3 =	vld.idx.msk [tilespmem:v13+s2+$0x0], $0xffff;
	_ =	sdelay $0x4  }
0x350: {  	v3 =	vshll.u32 v3, $0x7  }
0x351: {  	v3 =	vor.u32 v12, v3;
	_ =	sdelay $0x4  }
0x352: {  	[tilespmem:v3+s13+$0x0] =	vst.idx.add.f32.msk $0xffff, v2  }
0x353: {  	v3 =	vld.idx.msk [tilespmem:v14+s2+$0x0], $0xffff;
	_ =	sdelay $0x4  }
0x354: {  	v3 =	vshll.u32 v3, $0x7  }
0x355: {  	v3 =	vor.u32 v12, v3;
	_ =	sdelay $0x4  }
0x356: {  	[tilespmem:v3+s13+$0x0] =	vst.idx.add.f32.msk $0xffff, v2  }
0x357: {  	v3 =	vld.idx.msk [tilespmem:v15+s2+$0x0], $0xffff;
	_ =	sdelay $0x4  }
0x358: {  	v3 =	vshll.u32 v3, $0x7  }
0x359: {  	v3 =	vor.u32 v12, v3;
	_ =	sdelay $0x4  }
0x35a: {  	[tilespmem:v3+s13+$0x0] =	vst.idx.add.f32.msk $0xffff, v2  }
0x35b: {  	v3 =	vld.idx.msk [tilespmem:v16+s2+$0x0], $0xffff;
	_ =	sdelay $0x4  }
0x35c: {  	v3 =	vshll.u32 v3, $0x7  }
0x35d: {  	v3 =	vor.u32 v12, v3;
	_ =	sdelay $0x4  }
0x35e: {  	[tilespmem:v3+s13+$0x0] =	vst.idx.add.f32.msk $0xffff, v2  }
0x35f: {  	v3 =	vld.idx.msk [tilespmem:v19+s2+$0x0], $0xffff;
	_ =	sdelay $0x4  }
0x360: {  	v3 =	vshll.u32 v3, $0x7  }
0x361: {  	v3 =	vor.u32 v17, v3;
	_ =	sdelay $0x4  }
0x362: {  	[tilespmem:v3+s13+$0x0] =	vst.idx.add.f32.msk $0xffff, v2  }
0x363: {  	v3 =	vld.idx.msk [tilespmem:v20+s2+$0x0], $0xffff;
	_ =	sdelay $0x4  }
0x364: {  	v3 =	vshll.u32 v3, $0x7  }
0x365: {  	v3 =	vor.u32 v17, v3;
	_ =	sdelay $0x4  }
0x366: {  	[tilespmem:v3+s13+$0x0] =	vst.idx.add.f32.msk $0xffff, v2  }
0x367: {  	v3 =	vld.idx.msk [tilespmem:v21+s2+$0x0], $0xffff;
	_ =	sdelay $0x4  }
0x368: {  	v3 =	vshll.u32 v3, $0x7  }
0x369: {  	v3 =	vor.u32 v17, v3;
	_ =	sdelay $0x4  }
0x36a: {  	[tilespmem:v3+s13+$0x0] =	vst.idx.add.f32.msk $0xffff, v2  }
0x36b: {  	v3 =	vld.idx.msk [tilespmem:v26+s2+$0x0], $0xffff;
	_ =	sdelay $0x4  }
0x36c: {  	v3 =	vshll.u32 v3, $0x7  }
0x36d: {  	v3 =	vor.u32 v17, v3;
	_ =	sdelay $0x4  }
0x36e: {  	[tilespmem:v3+s13+$0x0] =	vst.idx.add.f32.msk $0xffff, v2  }
0x36f: {  	v3 =	vld.idx.msk [tilespmem:v28+s2+$0x0], $0xffff;
	_ =	sdelay $0x4  }
0x370: {  	v3 =	vshll.u32 v3, $0x7  }
0x371: {  	v3 =	vor.u32 v27, v3;
	_ =	sdelay $0x4  }
0x372: {  	[tilespmem:v3+s13+$0x0] =	vst.idx.add.f32.msk $0xffff, v2  }
0x373: {  	v3 =	vld.idx.msk [tilespmem:v29+s2+$0x0], $0xffff;
	_ =	sdelay $0x4  }
0x374: {  	v3 =	vshll.u32 v3, $0x7  }
0x375: {  	v3 =	vor.u32 v27, v3;
	_ =	sdelay $0x4  }
0x376: {  	[tilespmem:v3+s13+$0x0] =	vst.idx.add.f32.msk $0xffff, v2  }
0x377: {  	v3 =	vld.idx.msk [tilespmem:v30+s2+$0x0], $0xffff;
	_ =	sdelay $0x4  }
0x378: {  	v3 =	vshll.u32 v3, $0x7  }
0x379: {  	v3 =	vor.u32 v27, v3;
	_ =	sdelay $0x4  }
0x37a: {  	[tilespmem:v3+s13+$0x0] =	vst.idx.add.f32.msk $0xffff, v2  }
0x37b: {  	v3 =	vld.idx.msk [tilespmem:v31+s2+$0x0], $0xffff;
	_ =	sdelay $0x4  }
0x37c: {  	v3 =	vshll.u32 v3, $0x7  }
0x37d: {  	v3 =	vor.u32 v27, v3;
	_ =	sdelay $0x2  }
0x37e: {  	s15 =	sadd.s32 $0x1, s15  }
0x37f: {  	p0 =	sne.s32 s15, s7  }
.Ltmp1:
0x380: {  	[tilespmem:v3+s13+$0x0] =	vst.idx.add.f32.msk $0xffff, v2;
	(pc) =	sbr.rel @p0 .LBB2_1-.Ltmp1, $4  }
0x381: {  	[hbm4b:s6+s9] =	stream.strided.scatter [tilespmem:s13], [sflag:$0x1], $0x1F400, s10, s9, $0x38;
	[tilespmem:$0x1FC00] =	vst v63  }
0x382: {  	_ =	swait.ge [sflag:s12], $0x1F400  }
0x383: {  	[sflag:s12] =	ssyncset.done $0x0  }
0x384: {  	[sflag:s12] =	ssyncadd.s32 $0xFFFE0C00  }
0x385: {  	_ =	sfence.sel $0x180000  }
0x386: {  	[bflag:$0x0] =	sbarrier.arrive $0xFFFF  }
0x387: {  	p0 =	sne.s32 s1, $0x0;
	_ =	strace $0x90000047  }
0x388: {  	s0 =	sadd.s32 @!p0 $0x100000, s0;
	[bflag:$0x2] =	sbarrier.arrive $0xFFFF  }
0x389: {  	[sflag:s0] =	ssyncadd.tile.s32 @!p0 $0x1;
	_ =	shalt  }
.Lfunc_end2:
_tile_overlayer_lowered:
.L_overlay_start_2:
0x38a: {  	(tag) =	ssettag $0x2  }
0x38b: {  	s0 =	rddreg [dreg:$0x0];
	s2 =	stileid.u32  }
0x38c: {  	s1 =	rddreg [dreg:$0x1];
	p0 =	sne.s32 s2, $0x0  }
0x38d: {  	s3 =	rddreg [dreg:$0x2];
	[bflag:$0x3] =	sbarrier.arrive $0xFFFF;
	s2 =	simm.s32 @!p0 $0x1C03  }
0x38e: {  	[timem:s3], [sflag:s2] =	dma.local @!p0 [hbm:s0], s1  }
0x38f: {  	s0 =	simm.s32 @!p0 $0x3  }
0x390: {  	_ =	swait.ge @!p0 [sflag:s0], s1  }
0x391: {  	s1 =	ssub.s32 @!p0 $0x0, s1;
	[sflag:s0] =	ssyncset.done @!p0 $0x0  }
0x392: {  	[sflag:s0] =	ssyncadd.s32 @!p0 s1  }
0x393: {  	[bflag:$0x3] =	sbarrier.arrive $0xFFFF  }
0x394: {  	_ =	shalt  }

</sc_bundles>
